<compile_context>
chip_gen: v7x
topology: tpu7x:2x2x1
jax: 0.10.2.dev20260603
libtpu: 0.0.44.dev20260713+nightly
codegen_flags: <defaults>
</compile_context>

<pallas_src>
import functools

import jax
import jax.numpy as jnp
from jax import lax
from jax.experimental import pallas as pl
from jax.experimental.pallas import tpu as pltpu
from jax.experimental.pallas import tpu_sc as plsc

F32 = jnp.float32

CHUNK = 80
TW = 128

_MM = functools.partial(lax.dot_general, preferred_element_type=F32)


def _ln(y, g, be, ones_col=None):
    del ones_col
    mu = jnp.mean(y, axis=-1, keepdims=True)
    d = y - mu
    var = jnp.mean(d * d, axis=-1, keepdims=True)
    return d * lax.rsqrt(var + 1e-5) * g + be


def _node_kernel(nl_ref, w1_ref, b1_ref, w2_ref, b2_ref, w1b_ref,
                 tab_ref, wcol_ref, ns_ref):
    nl = nl_ref[...]
    h = jnp.maximum(_MM(nl, w1_ref[...], (((1,), (0,)), ((), ()))) + b1_ref[...], 0.0)
    s = _MM(h, w2_ref[...], (((1,), (0,)), ((), ()))) + b2_ref[...]
    wcol_ref[...] = jax.nn.sigmoid(s[:, 0:1])
    tab_ref[...] = _MM(nl, w1b_ref[...], (((1,), (0,)), ((), ())))
    bn = nl.shape[0]
    ns_ref[...] = jnp.concatenate(
        [s[:, 1:6], jnp.zeros((bn, 3), F32)], axis=1)


def _node_precompute(node_latent, w1cat, b1cat, w2bd, b2cat, w1b):
    n, l = node_latent.shape
    bn = 2000
    grid = n // bn
    return pl.pallas_call(
        _node_kernel,
        grid=(grid,),
        in_specs=[
            pl.BlockSpec((bn, l), lambda i: (i, 0)),
            pl.BlockSpec(w1cat.shape, lambda i: (0, 0)),
            pl.BlockSpec(b1cat.shape, lambda i: (0, 0)),
            pl.BlockSpec(w2bd.shape, lambda i: (0, 0)),
            pl.BlockSpec(b2cat.shape, lambda i: (0, 0)),
            pl.BlockSpec(w1b.shape, lambda i: (0, 0)),
        ],
        out_specs=[
            pl.BlockSpec((bn, TW), lambda i: (i, 0)),
            pl.BlockSpec((bn, 1), lambda i: (i, 0)),
            pl.BlockSpec((bn, 8), lambda i: (i, 0)),
        ],
        out_shape=[
            jax.ShapeDtypeStruct((n, TW), F32),
            jax.ShapeDtypeStruct((n, 1), F32),
            jax.ShapeDtypeStruct((n, 8), F32),
        ],
    )(node_latent, w1cat, b1cat, w2bd, b2cat, w1b)


def _gather(table, wvec, sidx1, ridx1):
    e = sidx1.shape[0]
    n = wvec.shape[0]
    per_worker = (e // CHUNK) // 32

    mesh = plsc.VectorSubcoreMesh(core_axis_name="c", subcore_axis_name="s")

    @functools.partial(
        pl.kernel, mesh=mesh,
        out_type=[
            jax.ShapeDtypeStruct((e, TW), F32),
            jax.ShapeDtypeStruct((e, TW), F32),
            jax.ShapeDtypeStruct((e,), F32),
            jax.ShapeDtypeStruct((e,), F32),
        ],
        scratch_types=(
            [pltpu.VMEM((CHUNK,), jnp.int32),
             pltpu.VMEM((CHUNK,), jnp.int32),
             pltpu.VMEM((CHUNK, TW), F32),
             pltpu.VMEM((CHUNK, TW), F32),
             pltpu.VMEM((CHUNK,), F32),
             pltpu.VMEM((CHUNK,), F32)] * 2
            + [pltpu.SemaphoreType.DMA] * 4
        ),
    )
    def gather_k(tab_h, w_h, sidx_h, ridx_h, gs_h, gr_h, ws_h, wr_h, *bufs):
        slots = (bufs[0:6], bufs[6:12])
        gsems = (bufs[12], bufs[13])
        wsems = (bufs[14], bufs[15])
        wid = lax.axis_index("s") * 2 + lax.axis_index("c")
        base = wid * per_worker

        def start_chunk(t, slot):
            siv, riv, rs, rr, wv, wv2 = slots[slot]
            e0 = (base + t) * CHUNK
            pltpu.sync_copy(sidx_h.at[pl.ds(e0, CHUNK)], siv)
            pltpu.sync_copy(ridx_h.at[pl.ds(e0, CHUNK)], riv)
            pltpu.async_copy(tab_h.at[siv], rs, gsems[slot])
            pltpu.async_copy(tab_h.at[riv], rr, gsems[slot])
            pltpu.async_copy(w_h.at[siv], wv, gsems[slot])
            pltpu.async_copy(w_h.at[riv], wv2, gsems[slot])

        def wait_gathers(slot):
            siv, riv, rs, rr, wv, wv2 = slots[slot]
            pltpu.make_async_copy(tab_h.at[siv], rs, gsems[slot]).wait()
            pltpu.make_async_copy(tab_h.at[riv], rr, gsems[slot]).wait()
            pltpu.make_async_copy(w_h.at[siv], wv, gsems[slot]).wait()
            pltpu.make_async_copy(w_h.at[riv], wv2, gsems[slot]).wait()

        def start_wb(t, slot):
            _, _, rs, rr, wv, wv2 = slots[slot]
            e0 = (base + t) * CHUNK
            pltpu.async_copy(rs, gs_h.at[pl.ds(e0, CHUNK)], wsems[slot])
            pltpu.async_copy(rr, gr_h.at[pl.ds(e0, CHUNK)], wsems[slot])
            pltpu.async_copy(wv, ws_h.at[pl.ds(e0, CHUNK)], wsems[slot])
            pltpu.async_copy(wv2, wr_h.at[pl.ds(e0, CHUNK)], wsems[slot])

        def wait_wb(t, slot):
            _, _, rs, rr, wv, wv2 = slots[slot]
            e0 = (base + t) * CHUNK
            pltpu.make_async_copy(rs, gs_h.at[pl.ds(e0, CHUNK)], wsems[slot]).wait()
            pltpu.make_async_copy(rr, gr_h.at[pl.ds(e0, CHUNK)], wsems[slot]).wait()
            pltpu.make_async_copy(wv, ws_h.at[pl.ds(e0, CHUNK)], wsems[slot]).wait()
            pltpu.make_async_copy(wv2, wr_h.at[pl.ds(e0, CHUNK)], wsems[slot]).wait()

        start_chunk(0, 0)

        def pair(g, carry):
            for b in (0, 1):
                t = 2 * g + b

                @pl.when(t >= 1)
                def _drain():
                    wait_wb(t - 1, 1 - b)

                start_chunk(t + 1, 1 - b)
                wait_gathers(b)
                start_wb(t, b)
            return carry

        lax.fori_loop(0, (per_worker - 1) // 2, pair, 0)
        last = per_worker - 1
        wait_gathers(0)
        start_wb(last, 0)
        wait_wb(last - 1, 1)
        wait_wb(last, 0)

    return gather_k(table, wvec, sidx1, ridx1)


_RSIGN = (-1.0, -1.0, -1.0, 1.0, -1.0, 1.0)


def _proj18(vt, basis, signs):
    rows = []
    for i in range(6):
        v0 = vt[3 * i:3 * i + 1]
        v1 = vt[3 * i + 1:3 * i + 2]
        v2 = vt[3 * i + 2:3 * i + 3]
        for k in range(3):
            b = basis[k]
            r = v0 * b[0:1] + v1 * b[1:2] + v2 * b[2:3]
            rows.append(r if signs is None else r * signs[i])
    return jnp.concatenate(rows, axis=0)


def _edge_kernel(geomT_ref, gs_ref, gr_ref, wsT_ref, wrT_ref,
                 ee_w1_ref, ee_w2_ref, ee_b1_ref, ee_b2_ref, ee_g_ref, ee_be_ref,
                 ef_w1_ref, ef_w2_ref, ef_b1_ref, ef_b2_ref, ef_g_ref, ef_be_ref,
                 in_w1a_ref, in_w1c_ref, in_w2_ref, in_b1_ref, in_b2_ref,
                 in_g_ref, in_be_ref,
                 cf_w1_ref, cf_b1_ref, cf_w2_ref, cf_b2t_ref,
                 il_ref, ftT_ref):
    ones_col = jnp.ones((128, 1), F32) * (1.0 / 128.0)
    gt = geomT_ref[...]
    basis = (gt[0:3], gt[3:6], gt[6:9])
    sfT = _proj18(gt[9:27], basis, None)
    rfT = _proj18(gt[27:45], basis, _RSIGN)
    sposT = gt[45:48]
    rposT = gt[48:51]
    dxT = gt[51:54]
    attrT = gt[54:70]

    dxnT = jnp.sqrt(dxT[0:1] * dxT[0:1] + dxT[1:2] * dxT[1:2]
                    + dxT[2:3] * dxT[2:3])

    ee_w1 = ee_w1_ref[...]
    el_pre = (_MM(dxnT, ee_w1[0:1, :], (((0,), (0,)), ((), ())))
              + _MM(attrT, ee_w1[1:17, :], (((0,), (0,)), ((), ())))
              + ee_b1_ref[...])
    el_h = jnp.maximum(el_pre, 0.0)
    el = _ln(_MM(el_h, ee_w2_ref[...], (((1,), (0,)), ((), ()))) + ee_b2_ref[...],
             ee_g_ref[...], ee_be_ref[...], ones_col)

    ef_w1 = ef_w1_ref[...]
    ef_b1 = ef_b1_ref[...]
    ef_w2 = ef_w2_ref[...]
    ef_b2 = ef_b2_ref[...]
    ef_g = ef_g_ref[...]
    ef_be = ef_be_ref[...]
    sl_h = jnp.maximum(_MM(sfT, ef_w1, (((0,), (0,)), ((), ()))) + ef_b1, 0.0)
    sl = _ln(_MM(sl_h, ef_w2, (((1,), (0,)), ((), ()))) + ef_b2, ef_g, ef_be,
             ones_col)
    rl_h = jnp.maximum(_MM(rfT, ef_w1, (((0,), (0,)), ((), ()))) + ef_b1, 0.0)
    rl = _ln(_MM(rl_h, ef_w2, (((1,), (0,)), ((), ()))) + ef_b2, ef_g, ef_be,
             ones_col)

    srl = sl + rl
    g128 = gs_ref[...] + gr_ref[...]
    h_in = jnp.maximum(
        _MM(srl, in_w1a_ref[...], (((1,), (0,)), ((), ())))
        + g128
        + _MM(el, in_w1c_ref[...], (((1,), (0,)), ((), ())))
        + in_b1_ref[...], 0.0)
    il = _ln(_MM(h_in, in_w2_ref[...], (((1,), (0,)), ((), ()))) + in_b2_ref[...],
             in_g_ref[...], in_be_ref[...], ones_col)
    il_ref[...] = il

    hc = jnp.maximum(_MM(il, cf_w1_ref[...], (((1,), (0,)), ((), ()))) + cf_b1_ref[...], 0.0)
    coefT = _MM(cf_w2_ref[...], hc, (((0,), (1,)), ((), ()))) + cf_b2t_ref[...]

    va, vb, vc = basis
    fijT = va * coefT[0:1] + vb * coefT[1:2] + vc * coefT[2:3]
    aijT = va * coefT[3:4] + vb * coefT[4:5] + vc * coefT[5:6]
    lamT = coefT[6:7]

    ws = wsT_ref[...]
    wr = wrT_ref[...]
    r0T = (ws * sposT + wr * rposT) / (ws + wr + 1e-8)
    lv = rposT - r0T
    fl = fijT * lamT
    tx = lv[1:2] * fl[2:3] - lv[2:3] * fl[1:2]
    ty = lv[2:3] * fl[0:1] - lv[0:1] * fl[2:3]
    tz = lv[0:1] * fl[1:2] - lv[1:2] * fl[0:1]
    tauT = aijT - jnp.concatenate([tx, ty, tz], axis=0)

    ftT_ref[...] = jnp.concatenate(
        [fijT, tauT, jnp.zeros_like(fijT[0:2])], axis=0)


def _edge_pipeline(geomT, gs, gr, wsT, wrT, wdict):
    e = gs.shape[0]
    be = 1280
    grid = e // be
    wnames = ["ee_w1", "ee_w2", "ee_b1", "ee_b2", "ee_g", "ee_be",
              "ef_w1", "ef_w2", "ef_b1", "ef_b2", "ef_g", "ef_be",
              "in_w1a", "in_w1c", "in_w2", "in_b1", "in_b2", "in_g", "in_be",
              "cf_w1", "cf_b1", "cf_w2", "cf_b2t"]
    warrs = [wdict[k] for k in wnames]
    wspecs = [pl.BlockSpec(a.shape, lambda i, _r=len(a.shape): (0,) * _r)
              for a in warrs]
    return pl.pallas_call(
        _edge_kernel,
        grid=(grid,),
        in_specs=[
            pl.BlockSpec((70, be), lambda i: (0, i)),
            pl.BlockSpec((be, TW), lambda i: (i, 0)),
            pl.BlockSpec((be, TW), lambda i: (i, 0)),
            pl.BlockSpec((1, be), lambda i: (0, i)),
            pl.BlockSpec((1, be), lambda i: (0, i)),
        ] + wspecs,
        out_specs=[
            pl.BlockSpec((be, 128), lambda i: (i, 0)),
            pl.BlockSpec((8, be), lambda i: (0, i)),
        ],
        out_shape=[
            jax.ShapeDtypeStruct((e, 128), F32),
            jax.ShapeDtypeStruct((8, e), F32),
        ],
    )(geomT, gs, gr, wsT, wrT, *warrs)


def _scatter(ridx1, ft, zeros_n8):
    e = ridx1.shape[0]
    per_worker = (e // CHUNK) // 32
    n = zeros_n8.shape[0]
    per_tile = n // 10

    mesh = plsc.VectorSubcoreMesh(core_axis_name="c", subcore_axis_name="s")

    @functools.partial(
        pl.kernel, mesh=mesh,
        compiler_params=pltpu.CompilerParams(use_tc_tiling_on_sc=False),
        out_type=jax.ShapeDtypeStruct((2, n, 8), F32),
        scratch_types=[
            pltpu.VMEM_SHARED((n, 8), F32),
            pltpu.VMEM((CHUNK,), jnp.int32),
            pltpu.VMEM((CHUNK, 8), F32),
            pltpu.VMEM((CHUNK,), jnp.int32),
            pltpu.VMEM((CHUNK, 8), F32),
            pltpu.VMEM((per_tile, 8), F32),
            pltpu.SemaphoreType.DMA,
            pltpu.SemaphoreType.DMA,
        ],
    )
    def scatter_k(ridx_h, ft_h, z_h, part_h, accum,
                  riv0, ftv0, riv1, ftv1, outv, lsem0, lsem1):
        c = lax.axis_index("c")
        s = lax.axis_index("s")
        wid = s * 2 + c
        base = wid * per_worker
        rivs = (riv0, riv1)
        ftvs = (ftv0, ftv1)
        lsems = (lsem0, lsem1)

        @pl.when(s == 0)
        def _zero():
            pltpu.sync_copy(z_h, accum)

        plsc.subcore_barrier()

        def start_loads(t, slot):
            e0 = (base + t) * CHUNK
            pltpu.async_copy(ridx_h.at[pl.ds(e0, CHUNK)], rivs[slot], lsems[slot])
            pltpu.async_copy(ft_h.at[pl.ds(e0, CHUNK)], ftvs[slot], lsems[slot])

        def wait_loads(t, slot):
            e0 = (base + t) * CHUNK
            pltpu.make_async_copy(ridx_h.at[pl.ds(e0, CHUNK)], rivs[slot],
                                  lsems[slot]).wait()
            pltpu.make_async_copy(ft_h.at[pl.ds(e0, CHUNK)], ftvs[slot],
                                  lsems[slot]).wait()

        start_loads(0, 0)

        def pair(g, carry):
            for b in (0, 1):
                t = 2 * g + b
                wait_loads(t, b)
                start_loads(t + 1, 1 - b)
                pltpu.sync_copy(ftvs[b], accum.at[rivs[b]], add=True)
            return carry

        lax.fori_loop(0, (per_worker - 1) // 2, pair, 0)
        last = per_worker - 1
        wait_loads(last, 0)
        pltpu.sync_copy(ftvs[0], accum.at[rivs[0]], add=True)
        plsc.subcore_barrier()

        @pl.when(s < 10)
        def _writeback():
            pltpu.sync_copy(accum.at[pl.ds(s * per_tile, per_tile)], outv)
            pltpu.sync_copy(outv, part_h.at[c, pl.ds(s * per_tile, per_tile)])

    return scatter_k(ridx1, ft, zeros_n8)


def _combine_kernel(p_ref, ns_ref, dv_ref, dw_ref):
    acc = p_ref[0] + p_ref[1]
    ns = ns_ref[...]
    dv_ref[...] = ns[:, 0:1] * acc[:, 0:3] + ns[:, 2:5]
    dw_ref[...] = ns[:, 1:2] * acc[:, 3:6]


def _combine(partials, nodescalars):
    n = nodescalars.shape[0]
    bn = 2000
    grid = n // bn
    return pl.pallas_call(
        _combine_kernel,
        grid=(grid,),
        in_specs=[
            pl.BlockSpec((2, bn, 8), lambda i: (0, i, 0)),
            pl.BlockSpec((bn, 8), lambda i: (i, 0)),
        ],
        out_specs=[
            pl.BlockSpec((bn, 3), lambda i: (i, 0)),
            pl.BlockSpec((bn, 3), lambda i: (i, 0)),
        ],
        out_shape=[
            jax.ShapeDtypeStruct((n, 3), F32),
            jax.ShapeDtypeStruct((n, 3), F32),
        ],
    )(partials, nodescalars)


def kernel(edge_index, senders_pos, receivers_pos, edge_dx_, edge_attr,
           vector_a, vector_b, vector_c,
           senders_v_t_, senders_v_tm1_, senders_w_t_, senders_w_tm1_,
           senders_a_t_, senders_alpha_t_,
           receivers_v_t_, receivers_v_tm1_, receivers_w_t_, receivers_w_tm1_,
           receivers_a_t_, receivers_alpha_t_,
           node_latent, params):
    n, l = node_latent.shape
    e = edge_index.shape[1]

    p_nw, p_m, p_i, p_dv = params["nw"], params["minv"], params["iinv"], params["dvext"]
    w1cat = jnp.concatenate([p_nw["W1"], p_m["W1"], p_i["W1"], p_dv["W1"]], axis=1)
    b1cat = jnp.concatenate([p_nw["b1"], p_m["b1"], p_i["b1"], p_dv["b1"]]).reshape(1, -1)
    w2bd = jnp.zeros((4 * l, 6), F32)
    w2bd = w2bd.at[0:l, 0:1].set(p_nw["W2"])
    w2bd = w2bd.at[l:2 * l, 1:2].set(p_m["W2"])
    w2bd = w2bd.at[2 * l:3 * l, 2:3].set(p_i["W2"])
    w2bd = w2bd.at[3 * l:4 * l, 3:6].set(p_dv["W2"])
    b2cat = jnp.concatenate([p_nw["b2"], p_m["b2"], p_i["b2"], p_dv["b2"]]).reshape(1, 6)
    in_w1 = params["inter"]["W1"]
    w1b = in_w1[l:2 * l, :]

    p_ee, p_ef, p_in = params["ee"], params["ef"], params["inter"]
    p_i1, p_i2, p_fs = params["i1"], params["i2"], params["fs"]
    cf_w2 = jnp.zeros((3 * l, 7), F32)
    cf_w2 = cf_w2.at[0:l, 0:3].set(p_i1["W2"])
    cf_w2 = cf_w2.at[l:2 * l, 3:6].set(p_i2["W2"])
    cf_w2 = cf_w2.at[2 * l:3 * l, 6:7].set(p_fs["W2"])
    wdict = {
        "ee_w1": p_ee["W1"], "ee_w2": p_ee["W2"],
        "ee_b1": p_ee["b1"].reshape(1, -1), "ee_b2": p_ee["b2"].reshape(1, -1),
        "ee_g": p_ee["g"].reshape(1, -1), "ee_be": p_ee["be"].reshape(1, -1),
        "ef_w1": p_ef["W1"], "ef_w2": p_ef["W2"],
        "ef_b1": p_ef["b1"].reshape(1, -1), "ef_b2": p_ef["b2"].reshape(1, -1),
        "ef_g": p_ef["g"].reshape(1, -1), "ef_be": p_ef["be"].reshape(1, -1),
        "in_w1a": in_w1[0:l, :], "in_w1c": in_w1[2 * l:3 * l, :],
        "in_w2": p_in["W2"],
        "in_b1": p_in["b1"].reshape(1, -1), "in_b2": p_in["b2"].reshape(1, -1),
        "in_g": p_in["g"].reshape(1, -1), "in_be": p_in["be"].reshape(1, -1),
        "cf_w1": jnp.concatenate([p_i1["W1"], p_i2["W1"], p_fs["W1"]], axis=1),
        "cf_b1": jnp.concatenate([p_i1["b1"], p_i2["b1"], p_fs["b1"]]).reshape(1, -1),
        "cf_w2": cf_w2,
        "cf_b2t": jnp.concatenate([p_i1["b2"], p_i2["b2"], p_fs["b2"]]).reshape(7, 1),
    }

    table, wcol, nodescalars = _node_precompute(node_latent, w1cat, b1cat,
                                                w2bd, b2cat, w1b)

    sidx1 = edge_index[0]
    ridx1 = edge_index[1]
    gs, gr, ws, wr = _gather(table, wcol.reshape(n), sidx1, ridx1)

    geom = jnp.concatenate(
        [vector_a, vector_b, vector_c,
         senders_v_t_, senders_v_tm1_, senders_w_t_, senders_w_tm1_,
         senders_a_t_, senders_alpha_t_,
         receivers_v_t_, receivers_v_tm1_, receivers_w_t_, receivers_w_tm1_,
         receivers_a_t_, receivers_alpha_t_,
         senders_pos, receivers_pos, edge_dx_, edge_attr], axis=1)
    geomT = geom.T
    wsT = ws.reshape(1, e)
    wrT = wr.reshape(1, e)
    il, ftT = _edge_pipeline(geomT, gs, gr, wsT, wrT, wdict)

    ft = ftT.T
    partials = _scatter(ridx1, ft, jnp.zeros((n, 8), F32))

    node_dv, node_dw = _combine(partials, nodescalars)
    return (node_dv, node_dw, il)

# --- scband reference (transcript-rebuilt; emitter-appended) ---
"""Pipeline reference for scband-dynamics-solver-51522427683093 (READ-ONLY COPY).

The authoritative reference and input builder live on the scoring server;
editing this copy changes nothing except your own understanding.
"""

import jax, jax.numpy as jnp
import numpy as np

N = 10000
E = 320000
L = 128
EF = 16

def _mlp(x, p):
    h = jax.nn.relu(x @ p["W1"] + p["b1"])
    return h @ p["W2"] + p["b2"]

def _mlp_ln(x, p):
    y = _mlp(x, p)
    mu = y.mean(axis=-1, keepdims=True)
    var = y.var(axis=-1, keepdims=True)
    return (y - mu) / jnp.sqrt(var + 1e-5) * p["g"] + p["be"]

def _mlp_sig(x, p):
    return jax.nn.sigmoid(_mlp(x, p))

def _mk(key, fin, fh, fo, ln=False):
    k1, k2 = jax.random.split(key)
    p = {"W1": jax.random.normal(k1, (fin, fh), dtype=jnp.float32) * 0.05,
         "b1": jnp.zeros((fh,), dtype=jnp.float32),
         "W2": jax.random.normal(k2, (fh, fo), dtype=jnp.float32) * 0.05,
         "b2": jnp.zeros((fo,), dtype=jnp.float32)}
    if ln:
        p["g"] = jnp.ones((fo,), dtype=jnp.float32)
        p["be"] = jnp.zeros((fo,), dtype=jnp.float32)
    return p

def _forward(edge_index, senders_pos, receivers_pos, edge_dx_, edge_attr, vector_a, vector_b, vector_c, s_vt, s_vtm1, s_wt, s_wtm1, s_at, s_alt, r_vt, r_vtm1, r_wt, r_wtm1, r_at, r_alt, node_latent, params):
    senders = edge_index[0]
    receivers = edge_index[1]
    basis = jnp.stack([vector_a, vector_b, vector_c], axis=1)
    def project(v):
        return jnp.einsum("eij,ej->ei", basis, v)
    sf = jnp.concatenate([project(s_vt), project(s_vtm1), project(s_wt), project(s_wtm1), project(s_at), project(s_alt)], axis=1)
    rf = jnp.concatenate([-project(r_vt), -project(r_vtm1), -project(r_wt), project(r_wtm1), -project(r_at), project(r_alt)], axis=1)
    edge_dx_norm = jnp.linalg.norm(edge_dx_, axis=1, keepdims=True)
    edge_latent = _mlp_ln(jnp.concatenate([edge_dx_norm, edge_attr], axis=1), params["ee"])
    senders_latent = _mlp_ln(sf, params["ef"])
    receivers_latent = _mlp_ln(rf, params["ef"])
    node_sum = node_latent[senders] + node_latent[receivers]
    msg_input = jnp.concatenate([senders_latent + receivers_latent, node_sum, edge_latent], axis=1)
    interaction_latent = _mlp_ln(msg_input, params["inter"])
    coeff_f = _mlp(interaction_latent, params["i1"])
    coeff_a = _mlp(interaction_latent, params["i2"])
    lambda_ij = _mlp(interaction_latent, params["fs"])
    fij = coeff_f[:, 0:1] * vector_a + coeff_f[:, 1:2] * vector_b + coeff_f[:, 2:3] * vector_c
    aij = coeff_a[:, 0:1] * vector_a + coeff_a[:, 1:2] * vector_b + coeff_a[:, 2:3] * vector_c
    w_s = _mlp_sig(node_latent[senders], params["nw"])
    w_r = _mlp_sig(node_latent[receivers], params["nw"])
    denom = w_s + w_r + 1e-08
    r0ij = (w_s * senders_pos + w_r * receivers_pos) / denom
    lever_arm = receivers_pos - r0ij
    torque = jnp.cross(lever_arm, fij * lambda_ij, axis=1)
    tauij = aij - torque
    m_inv = _mlp(node_latent, params["minv"])
    i_inv = _mlp(node_latent, params["iinv"])
    num_nodes = node_latent.shape[0]
    out_fij = jnp.zeros((num_nodes, 3), dtype=fij.dtype).at[receivers].add(fij)
    out_tij = jnp.zeros((num_nodes, 3), dtype=tauij.dtype).at[receivers].add(tauij)
    node_dv = m_inv * out_fij + _mlp(node_latent, params["dvext"])
    node_dw = i_inv * out_tij
    return (node_dv, node_dw, interaction_latent)

def setup_inputs(seed: int = 0):
    key = jax.random.key(seed)
    ks = jax.random.split(key, 64)
    inp = {"edge_index": jax.random.randint(ks[0], (2, E), 0, N, dtype=jnp.int32)}
    names3 = ["senders_pos", "receivers_pos", "edge_dx_", "vector_a", "vector_b", "vector_c", "senders_v_t_", "senders_v_tm1_", "senders_w_t_", "senders_w_tm1_", "senders_a_t_", "senders_alpha_t_", "receivers_v_t_", "receivers_v_tm1_", "receivers_w_t_", "receivers_w_tm1_", "receivers_a_t_", "receivers_alpha_t_"]
    for i, n in enumerate(names3):
        inp[n] = jax.random.normal(ks[1 + i], (E, 3), dtype=jnp.float32)
    inp["edge_attr"] = jax.random.normal(ks[20], (E, EF), dtype=jnp.float32)
    inp["node_latent"] = jax.random.normal(ks[21], (N, L), dtype=jnp.float32)
    inp["params"] = {
        "ef": _mk(ks[22], 18, L, L, ln=True),
        "ee": _mk(ks[23], 1 + EF, L, L, ln=True),
        "inter": _mk(ks[24], 3 * L, L, L, ln=True),
        "i1": _mk(ks[25], L, L, 3),
        "i2": _mk(ks[26], L, L, 3),
        "fs": _mk(ks[27], L, L, 1),
        "nw": _mk(ks[28], L, L, 1),
        "minv": _mk(ks[29], L, L, 1),
        "iinv": _mk(ks[30], L, L, 1),
        "dvext": _mk(ks[31], L, L, 3),
    }
    return inp

def reference(edge_index, senders_pos, receivers_pos, edge_dx_, edge_attr, vector_a, vector_b, vector_c, senders_v_t_, senders_v_tm1_, senders_w_t_, senders_w_tm1_, senders_a_t_, senders_alpha_t_, receivers_v_t_, receivers_v_tm1_, receivers_w_t_, receivers_w_tm1_, receivers_a_t_, receivers_alpha_t_, node_latent, params):
    return _forward(edge_index, senders_pos, receivers_pos, edge_dx_, edge_attr, vector_a, vector_b, vector_c, senders_v_t_, senders_v_tm1_, senders_w_t_, senders_w_tm1_, senders_a_t_, senders_alpha_t_, receivers_v_t_, receivers_v_tm1_, receivers_w_t_, receivers_w_tm1_, receivers_a_t_, receivers_alpha_t_, node_latent, params)

if __name__ == "__main__":
    import jax
    _d = setup_inputs()
    print(jax.jit(kernel)(*tuple(_d.values())))

</pallas_src>

<mosaic_0001>
#map = affine_map<(d0, d1) -> (0, 0)>
#map1 = affine_map<(d0, d1) -> (0)>
module attributes {stable_mosaic.version = 14 : i64} {
  func.func @gather_k(%arg0: i32, %arg1: i32, %arg2: memref<10000x128xf32, #tpu.memory_space<hbm>>, %arg3: memref<10000xf32, #tpu.memory_space<hbm>>, %arg4: memref<320000xi32, #tpu.memory_space<hbm>>, %arg5: memref<320000xi32, #tpu.memory_space<hbm>>, %arg6: memref<320000x128xf32, #tpu.memory_space<hbm>>, %arg7: memref<320000x128xf32, #tpu.memory_space<hbm>>, %arg8: memref<320000xf32, #tpu.memory_space<hbm>>, %arg9: memref<320000xf32, #tpu.memory_space<hbm>>, %arg10: memref<80xi32, #tpu.memory_space<vmem>>, %arg11: memref<80xi32, #tpu.memory_space<vmem>>, %arg12: memref<80x128xf32, #tpu.memory_space<vmem>>, %arg13: memref<80x128xf32, #tpu.memory_space<vmem>>, %arg14: memref<80xf32, #tpu.memory_space<vmem>>, %arg15: memref<80xf32, #tpu.memory_space<vmem>>, %arg16: memref<80xi32, #tpu.memory_space<vmem>>, %arg17: memref<80xi32, #tpu.memory_space<vmem>>, %arg18: memref<80x128xf32, #tpu.memory_space<vmem>>, %arg19: memref<80x128xf32, #tpu.memory_space<vmem>>, %arg20: memref<80xf32, #tpu.memory_space<vmem>>, %arg21: memref<80xf32, #tpu.memory_space<vmem>>, %arg22: memref<!tpu.dma_semaphore, #tpu.memory_space<semaphore_mem>>, %arg23: memref<!tpu.dma_semaphore, #tpu.memory_space<semaphore_mem>>, %arg24: memref<!tpu.dma_semaphore, #tpu.memory_space<semaphore_mem>>, %arg25: memref<!tpu.dma_semaphore, #tpu.memory_space<semaphore_mem>>) attributes {dimension_semantics = [#tpu.dimension_semantics<core_parallel>, #tpu.dimension_semantics<subcore_parallel>], iteration_bounds = array<i64: 2, 16>, scalar_prefetch = 0 : i64, scratch_operands = 16 : i64, tpu.core_type = #tpu.core_type<sc_vector_subcore>, window_params = [{transform_indices = #map}, {transform_indices = #map1}, {transform_indices = #map1}, {transform_indices = #map1}, {transform_indices = #map}, {transform_indices = #map}, {transform_indices = #map1}, {transform_indices = #map1}]} {
    %mul3A = arith.constant 2 : i32
    %mul3A_0 = arith.muli %arg1, %mul3A : i32
    %add3A = arith.addi %mul3A_0, %arg0 : i32
    %mul3A_1 = arith.constant 125 : i32
    %mul3A_2 = arith.muli %add3A, %mul3A_1 : i32
    %add3A_3 = arith.constant 0 : i32
    %add3A_4 = arith.addi %mul3A_2, %add3A_3 : i32
    %mul3A_5 = arith.constant 80 : i32
    %mul3A_6 = arith.muli %add3A_4, %mul3A_5 : i32
    "tpu.region"() ({
      %run_scoped3A = tpu.sem_alloc : memref<!tpu.dma_semaphore, #tpu.memory_space<semaphore_mem>>
      %dma_start3A_78 = tpu.memref_slice %arg4[%mul3A_6] : memref<320000xi32, #tpu.memory_space<hbm>> -> memref<80xi32, #tpu.memory_space<hbm>>
      %dma_start3A_79 = tpu.memref_slice %arg4[%mul3A_6] : memref<320000xi32, #tpu.memory_space<hbm>> -> memref<80xi32, #tpu.memory_space<hbm>>
      tpu.enqueue_dma source(%dma_start3A_79 : memref<80xi32, #tpu.memory_space<hbm>>) target(%arg10 : memref<80xi32, #tpu.memory_space<vmem>>) target_semaphore(%run_scoped3A : memref<!tpu.dma_semaphore, #tpu.memory_space<semaphore_mem>>)
      %dma_wait3A_80 = tpu.memref_slice %arg4[%mul3A_6] : memref<320000xi32, #tpu.memory_space<hbm>> -> memref<80xi32, #tpu.memory_space<hbm>>
      %dma_wait3A_81 = tpu.memref_slice %arg4[%mul3A_6] : memref<320000xi32, #tpu.memory_space<hbm>> -> memref<80xi32, #tpu.memory_space<hbm>>
      tpu.wait_dma2 semaphore(%run_scoped3A : memref<!tpu.dma_semaphore, #tpu.memory_space<semaphore_mem>>) src(%dma_wait3A_81 : memref<80xi32, #tpu.memory_space<hbm>>) dst(%arg10 : memref<80xi32, #tpu.memory_space<vmem>>)
      tpu.yield
    }) : () -> ()
    "tpu.region"() ({
      %run_scoped3A = tpu.sem_alloc : memref<!tpu.dma_semaphore, #tpu.memory_space<semaphore_mem>>
      %dma_start3A_78 = tpu.memref_slice %arg5[%mul3A_6] : memref<320000xi32, #tpu.memory_space<hbm>> -> memref<80xi32, #tpu.memory_space<hbm>>
      %dma_start3A_79 = tpu.memref_slice %arg5[%mul3A_6] : memref<320000xi32, #tpu.memory_space<hbm>> -> memref<80xi32, #tpu.memory_space<hbm>>
      tpu.enqueue_dma source(%dma_start3A_79 : memref<80xi32, #tpu.memory_space<hbm>>) target(%arg11 : memref<80xi32, #tpu.memory_space<vmem>>) target_semaphore(%run_scoped3A : memref<!tpu.dma_semaphore, #tpu.memory_space<semaphore_mem>>)
      %dma_wait3A_80 = tpu.memref_slice %arg5[%mul3A_6] : memref<320000xi32, #tpu.memory_space<hbm>> -> memref<80xi32, #tpu.memory_space<hbm>>
      %dma_wait3A_81 = tpu.memref_slice %arg5[%mul3A_6] : memref<320000xi32, #tpu.memory_space<hbm>> -> memref<80xi32, #tpu.memory_space<hbm>>
      tpu.wait_dma2 semaphore(%run_scoped3A : memref<!tpu.dma_semaphore, #tpu.memory_space<semaphore_mem>>) src(%dma_wait3A_81 : memref<80xi32, #tpu.memory_space<hbm>>) dst(%arg11 : memref<80xi32, #tpu.memory_space<vmem>>)
      tpu.yield
    }) : () -> ()
    %dma_start3A = arith.constant 0 : i32
    %dma_start3A_7 = arith.constant 0 : i32
    %dma_start3A_8 = tpu.memref_slice %arg2[%dma_start3A, %dma_start3A_7] : memref<10000x128xf32, #tpu.memory_space<hbm>> -> memref<10000x128xf32, #tpu.memory_space<hbm>>
    tpu.enqueue_indirect_dma source(%dma_start3A_8 : memref<10000x128xf32, #tpu.memory_space<hbm>>) target(%arg12 : memref<80x128xf32, #tpu.memory_space<vmem>>) offsets(%arg10 : memref<80xi32, #tpu.memory_space<vmem>>) semaphore(%arg22 : memref<!tpu.dma_semaphore, #tpu.memory_space<semaphore_mem>>)
    %dma_start3A_9 = arith.constant 0 : i32
    %dma_start3A_10 = arith.constant 0 : i32
    %dma_start3A_11 = tpu.memref_slice %arg2[%dma_start3A_9, %dma_start3A_10] : memref<10000x128xf32, #tpu.memory_space<hbm>> -> memref<10000x128xf32, #tpu.memory_space<hbm>>
    tpu.enqueue_indirect_dma source(%dma_start3A_11 : memref<10000x128xf32, #tpu.memory_space<hbm>>) target(%arg13 : memref<80x128xf32, #tpu.memory_space<vmem>>) offsets(%arg11 : memref<80xi32, #tpu.memory_space<vmem>>) semaphore(%arg22 : memref<!tpu.dma_semaphore, #tpu.memory_space<semaphore_mem>>)
    %dma_start3A_12 = arith.constant 0 : i32
    %dma_start3A_13 = tpu.memref_slice %arg3[%dma_start3A_12] : memref<10000xf32, #tpu.memory_space<hbm>> -> memref<10000xf32, #tpu.memory_space<hbm>>
    tpu.enqueue_indirect_dma source(%dma_start3A_13 : memref<10000xf32, #tpu.memory_space<hbm>>) target(%arg14 : memref<80xf32, #tpu.memory_space<vmem>>) offsets(%arg10 : memref<80xi32, #tpu.memory_space<vmem>>) semaphore(%arg22 : memref<!tpu.dma_semaphore, #tpu.memory_space<semaphore_mem>>)
    %dma_start3A_14 = arith.constant 0 : i32
    %dma_start3A_15 = tpu.memref_slice %arg3[%dma_start3A_14] : memref<10000xf32, #tpu.memory_space<hbm>> -> memref<10000xf32, #tpu.memory_space<hbm>>
    tpu.enqueue_indirect_dma source(%dma_start3A_15 : memref<10000xf32, #tpu.memory_space<hbm>>) target(%arg15 : memref<80xf32, #tpu.memory_space<vmem>>) offsets(%arg11 : memref<80xi32, #tpu.memory_space<vmem>>) semaphore(%arg22 : memref<!tpu.dma_semaphore, #tpu.memory_space<semaphore_mem>>)
    %scan3A = arith.constant 0 : i32
    %scan3A_16 = arith.constant 0 : i32
    %scan3A_17 = arith.constant 62 : i32
    %scan3A_18 = arith.addi %scan3A_16, %scan3A_17 : i32
    %scan3A_19 = arith.constant 1 : i32
    scf.for %scan3A_78 = %scan3A_16 to %scan3A_18 step %scan3A_19  : i32 {
      %mul3A_79 = arith.constant 2 : i32
      %mul3A_80 = arith.muli %mul3A_79, %scan3A_78 : i32
      %add3A_81 = arith.constant 0 : i32
      %add3A_82 = arith.addi %mul3A_80, %add3A_81 : i32
      %ge3A = arith.constant 1 : i32
      %ge3A_83 = arith.cmpi sge, %add3A_82, %ge3A : i32
      %convert_element_type3A = arith.extui %ge3A_83 : i1 to i32
      %cond3A = arith.constant 0 : i32
      %cond3A_84 = arith.cmpi ne, %convert_element_type3A, %cond3A : i32
      scf.if %cond3A_84 {
        %sub3A = arith.constant 1 : i32
        %sub3A_174 = arith.subi %add3A_82, %sub3A : i32
        %add3A_175 = arith.addi %mul3A_2, %sub3A_174 : i32
        %mul3A_176 = arith.constant 80 : i32
        %mul3A_177 = arith.muli %add3A_175, %mul3A_176 : i32
        %dma_wait3A_178 = arith.constant 0 : i32
        %dma_wait3A_179 = tpu.memref_slice %arg6[%mul3A_177, %dma_wait3A_178] : memref<320000x128xf32, #tpu.memory_space<hbm>> -> memref<80x128xf32, #tpu.memory_space<hbm>>
        %dma_wait3A_180 = arith.constant 0 : i32
        %dma_wait3A_181 = tpu.memref_slice %arg6[%mul3A_177, %dma_wait3A_180] : memref<320000x128xf32, #tpu.memory_space<hbm>> -> memref<80x128xf32, #tpu.memory_space<hbm>>
        tpu.wait_dma2 semaphore(%arg25 : memref<!tpu.dma_semaphore, #tpu.memory_space<semaphore_mem>>) src(%arg18 : memref<80x128xf32, #tpu.memory_space<vmem>>) dst(%dma_wait3A_181 : memref<80x128xf32, #tpu.memory_space<hbm>>)
        %dma_wait3A_182 = arith.constant 0 : i32
        %dma_wait3A_183 = tpu.memref_slice %arg7[%mul3A_177, %dma_wait3A_182] : memref<320000x128xf32, #tpu.memory_space<hbm>> -> memref<80x128xf32, #tpu.memory_space<hbm>>
        %dma_wait3A_184 = arith.constant 0 : i32
        %dma_wait3A_185 = tpu.memref_slice %arg7[%mul3A_177, %dma_wait3A_184] : memref<320000x128xf32, #tpu.memory_space<hbm>> -> memref<80x128xf32, #tpu.memory_space<hbm>>
        tpu.wait_dma2 semaphore(%arg25 : memref<!tpu.dma_semaphore, #tpu.memory_space<semaphore_mem>>) src(%arg19 : memref<80x128xf32, #tpu.memory_space<vmem>>) dst(%dma_wait3A_185 : memref<80x128xf32, #tpu.memory_space<hbm>>)
        %dma_wait3A_186 = tpu.memref_slice %arg8[%mul3A_177] : memref<320000xf32, #tpu.memory_space<hbm>> -> memref<80xf32, #tpu.memory_space<hbm>>
        %dma_wait3A_187 = tpu.memref_slice %arg8[%mul3A_177] : memref<320000xf32, #tpu.memory_space<hbm>> -> memref<80xf32, #tpu.memory_space<hbm>>
        tpu.wait_dma2 semaphore(%arg25 : memref<!tpu.dma_semaphore, #tpu.memory_space<semaphore_mem>>) src(%arg20 : memref<80xf32, #tpu.memory_space<vmem>>) dst(%dma_wait3A_187 : memref<80xf32, #tpu.memory_space<hbm>>)
        %dma_wait3A_188 = tpu.memref_slice %arg9[%mul3A_177] : memref<320000xf32, #tpu.memory_space<hbm>> -> memref<80xf32, #tpu.memory_space<hbm>>
        %dma_wait3A_189 = tpu.memref_slice %arg9[%mul3A_177] : memref<320000xf32, #tpu.memory_space<hbm>> -> memref<80xf32, #tpu.memory_space<hbm>>
        tpu.wait_dma2 semaphore(%arg25 : memref<!tpu.dma_semaphore, #tpu.memory_space<semaphore_mem>>) src(%arg21 : memref<80xf32, #tpu.memory_space<vmem>>) dst(%dma_wait3A_189 : memref<80xf32, #tpu.memory_space<hbm>>)
      } else {
      }
      %add3A_85 = arith.constant 1 : i32
      %add3A_86 = arith.addi %add3A_82, %add3A_85 : i32
      %add3A_87 = arith.addi %mul3A_2, %add3A_86 : i32
      %mul3A_88 = arith.constant 80 : i32
      %mul3A_89 = arith.muli %add3A_87, %mul3A_88 : i32
      "tpu.region"() ({
        %run_scoped3A = tpu.sem_alloc : memref<!tpu.dma_semaphore, #tpu.memory_space<semaphore_mem>>
        %dma_start3A_174 = tpu.memref_slice %arg4[%mul3A_89] : memref<320000xi32, #tpu.memory_space<hbm>> -> memref<80xi32, #tpu.memory_space<hbm>>
        %dma_start3A_175 = tpu.memref_slice %arg4[%mul3A_89] : memref<320000xi32, #tpu.memory_space<hbm>> -> memref<80xi32, #tpu.memory_space<hbm>>
        tpu.enqueue_dma source(%dma_start3A_175 : memref<80xi32, #tpu.memory_space<hbm>>) target(%arg16 : memref<80xi32, #tpu.memory_space<vmem>>) target_semaphore(%run_scoped3A : memref<!tpu.dma_semaphore, #tpu.memory_space<semaphore_mem>>)
        %dma_wait3A_176 = tpu.memref_slice %arg4[%mul3A_89] : memref<320000xi32, #tpu.memory_space<hbm>> -> memref<80xi32, #tpu.memory_space<hbm>>
        %dma_wait3A_177 = tpu.memref_slice %arg4[%mul3A_89] : memref<320000xi32, #tpu.memory_space<hbm>> -> memref<80xi32, #tpu.memory_space<hbm>>
        tpu.wait_dma2 semaphore(%run_scoped3A : memref<!tpu.dma_semaphore, #tpu.memory_space<semaphore_mem>>) src(%dma_wait3A_177 : memref<80xi32, #tpu.memory_space<hbm>>) dst(%arg16 : memref<80xi32, #tpu.memory_space<vmem>>)
        tpu.yield
      }) : () -> ()
      "tpu.region"() ({
        %run_scoped3A = tpu.sem_alloc : memref<!tpu.dma_semaphore, #tpu.memory_space<semaphore_mem>>
        %dma_start3A_174 = tpu.memref_slice %arg5[%mul3A_89] : memref<320000xi32, #tpu.memory_space<hbm>> -> memref<80xi32, #tpu.memory_space<hbm>>
        %dma_start3A_175 = tpu.memref_slice %arg5[%mul3A_89] : memref<320000xi32, #tpu.memory_space<hbm>> -> memref<80xi32, #tpu.memory_space<hbm>>
        tpu.enqueue_dma source(%dma_start3A_175 : memref<80xi32, #tpu.memory_space<hbm>>) target(%arg17 : memref<80xi32, #tpu.memory_space<vmem>>) target_semaphore(%run_scoped3A : memref<!tpu.dma_semaphore, #tpu.memory_space<semaphore_mem>>)
        %dma_wait3A_176 = tpu.memref_slice %arg5[%mul3A_89] : memref<320000xi32, #tpu.memory_space<hbm>> -> memref<80xi32, #tpu.memory_space<hbm>>
        %dma_wait3A_177 = tpu.memref_slice %arg5[%mul3A_89] : memref<320000xi32, #tpu.memory_space<hbm>> -> memref<80xi32, #tpu.memory_space<hbm>>
        tpu.wait_dma2 semaphore(%run_scoped3A : memref<!tpu.dma_semaphore, #tpu.memory_space<semaphore_mem>>) src(%dma_wait3A_177 : memref<80xi32, #tpu.memory_space<hbm>>) dst(%arg17 : memref<80xi32, #tpu.memory_space<vmem>>)
        tpu.yield
      }) : () -> ()
      %dma_start3A_90 = arith.constant 0 : i32
      %dma_start3A_91 = arith.constant 0 : i32
      %dma_start3A_92 = tpu.memref_slice %arg2[%dma_start3A_90, %dma_start3A_91] : memref<10000x128xf32, #tpu.memory_space<hbm>> -> memref<10000x128xf32, #tpu.memory_space<hbm>>
      tpu.enqueue_indirect_dma source(%dma_start3A_92 : memref<10000x128xf32, #tpu.memory_space<hbm>>) target(%arg18 : memref<80x128xf32, #tpu.memory_space<vmem>>) offsets(%arg16 : memref<80xi32, #tpu.memory_space<vmem>>) semaphore(%arg23 : memref<!tpu.dma_semaphore, #tpu.memory_space<semaphore_mem>>)
      %dma_start3A_93 = arith.constant 0 : i32
      %dma_start3A_94 = arith.constant 0 : i32
      %dma_start3A_95 = tpu.memref_slice %arg2[%dma_start3A_93, %dma_start3A_94] : memref<10000x128xf32, #tpu.memory_space<hbm>> -> memref<10000x128xf32, #tpu.memory_space<hbm>>
      tpu.enqueue_indirect_dma source(%dma_start3A_95 : memref<10000x128xf32, #tpu.memory_space<hbm>>) target(%arg19 : memref<80x128xf32, #tpu.memory_space<vmem>>) offsets(%arg17 : memref<80xi32, #tpu.memory_space<vmem>>) semaphore(%arg23 : memref<!tpu.dma_semaphore, #tpu.memory_space<semaphore_mem>>)
      %dma_start3A_96 = arith.constant 0 : i32
      %dma_start3A_97 = tpu.memref_slice %arg3[%dma_start3A_96] : memref<10000xf32, #tpu.memory_space<hbm>> -> memref<10000xf32, #tpu.memory_space<hbm>>
      tpu.enqueue_indirect_dma source(%dma_start3A_97 : memref<10000xf32, #tpu.memory_space<hbm>>) target(%arg20 : memref<80xf32, #tpu.memory_space<vmem>>) offsets(%arg16 : memref<80xi32, #tpu.memory_space<vmem>>) semaphore(%arg23 : memref<!tpu.dma_semaphore, #tpu.memory_space<semaphore_mem>>)
      %dma_start3A_98 = arith.constant 0 : i32
      %dma_start3A_99 = tpu.memref_slice %arg3[%dma_start3A_98] : memref<10000xf32, #tpu.memory_space<hbm>> -> memref<10000xf32, #tpu.memory_space<hbm>>
      tpu.enqueue_indirect_dma source(%dma_start3A_99 : memref<10000xf32, #tpu.memory_space<hbm>>) target(%arg21 : memref<80xf32, #tpu.memory_space<vmem>>) offsets(%arg17 : memref<80xi32, #tpu.memory_space<vmem>>) semaphore(%arg23 : memref<!tpu.dma_semaphore, #tpu.memory_space<semaphore_mem>>)
      %dma_wait3A_100 = arith.constant 0 : i32
      %dma_wait3A_101 = arith.constant 0 : i32
      %dma_wait3A_102 = tpu.memref_slice %arg2[%dma_wait3A_100, %dma_wait3A_101] : memref<10000x128xf32, #tpu.memory_space<hbm>> -> memref<10000x128xf32, #tpu.memory_space<hbm>>
      tpu.wait_indirect_dma semaphore(%arg22 : memref<!tpu.dma_semaphore, #tpu.memory_space<semaphore_mem>>) src(%dma_wait3A_102 : memref<10000x128xf32, #tpu.memory_space<hbm>>) dst(%arg12 : memref<80x128xf32, #tpu.memory_space<vmem>>)
      %dma_wait3A_103 = arith.constant 0 : i32
      %dma_wait3A_104 = arith.constant 0 : i32
      %dma_wait3A_105 = tpu.memref_slice %arg2[%dma_wait3A_103, %dma_wait3A_104] : memref<10000x128xf32, #tpu.memory_space<hbm>> -> memref<10000x128xf32, #tpu.memory_space<hbm>>
      tpu.wait_indirect_dma semaphore(%arg22 : memref<!tpu.dma_semaphore, #tpu.memory_space<semaphore_mem>>) src(%dma_wait3A_105 : memref<10000x128xf32, #tpu.memory_space<hbm>>) dst(%arg13 : memref<80x128xf32, #tpu.memory_space<vmem>>)
      %dma_wait3A_106 = arith.constant 0 : i32
      %dma_wait3A_107 = tpu.memref_slice %arg3[%dma_wait3A_106] : memref<10000xf32, #tpu.memory_space<hbm>> -> memref<10000xf32, #tpu.memory_space<hbm>>
      tpu.wait_indirect_dma semaphore(%arg22 : memref<!tpu.dma_semaphore, #tpu.memory_space<semaphore_mem>>) src(%dma_wait3A_107 : memref<10000xf32, #tpu.memory_space<hbm>>) dst(%arg14 : memref<80xf32, #tpu.memory_space<vmem>>)
      %dma_wait3A_108 = arith.constant 0 : i32
      %dma_wait3A_109 = tpu.memref_slice %arg3[%dma_wait3A_108] : memref<10000xf32, #tpu.memory_space<hbm>> -> memref<10000xf32, #tpu.memory_space<hbm>>
      tpu.wait_indirect_dma semaphore(%arg22 : memref<!tpu.dma_semaphore, #tpu.memory_space<semaphore_mem>>) src(%dma_wait3A_109 : memref<10000xf32, #tpu.memory_space<hbm>>) dst(%arg15 : memref<80xf32, #tpu.memory_space<vmem>>)
      %add3A_110 = arith.addi %mul3A_2, %add3A_82 : i32
      %mul3A_111 = arith.constant 80 : i32
      %mul3A_112 = arith.muli %add3A_110, %mul3A_111 : i32
      %dma_start3A_113 = arith.constant 0 : i32
      %dma_start3A_114 = tpu.memref_slice %arg6[%mul3A_112, %dma_start3A_113] : memref<320000x128xf32, #tpu.memory_space<hbm>> -> memref<80x128xf32, #tpu.memory_space<hbm>>
      %dma_start3A_115 = arith.constant 0 : i32
      %dma_start3A_116 = tpu.memref_slice %arg6[%mul3A_112, %dma_start3A_115] : memref<320000x128xf32, #tpu.memory_space<hbm>> -> memref<80x128xf32, #tpu.memory_space<hbm>>
      tpu.enqueue_dma source(%arg12 : memref<80x128xf32, #tpu.memory_space<vmem>>) target(%dma_start3A_116 : memref<80x128xf32, #tpu.memory_space<hbm>>) target_semaphore(%arg24 : memref<!tpu.dma_semaphore, #tpu.memory_space<semaphore_mem>>)
      %dma_start3A_117 = arith.constant 0 : i32
      %dma_start3A_118 = tpu.memref_slice %arg7[%mul3A_112, %dma_start3A_117] : memref<320000x128xf32, #tpu.memory_space<hbm>> -> memref<80x128xf32, #tpu.memory_space<hbm>>
      %dma_start3A_119 = arith.constant 0 : i32
      %dma_start3A_120 = tpu.memref_slice %arg7[%mul3A_112, %dma_start3A_119] : memref<320000x128xf32, #tpu.memory_space<hbm>> -> memref<80x128xf32, #tpu.memory_space<hbm>>
      tpu.enqueue_dma source(%arg13 : memref<80x128xf32, #tpu.memory_space<vmem>>) target(%dma_start3A_120 : memref<80x128xf32, #tpu.memory_space<hbm>>) target_semaphore(%arg24 : memref<!tpu.dma_semaphore, #tpu.memory_space<semaphore_mem>>)
      %dma_start3A_121 = tpu.memref_slice %arg8[%mul3A_112] : memref<320000xf32, #tpu.memory_space<hbm>> -> memref<80xf32, #tpu.memory_space<hbm>>
      %dma_start3A_122 = tpu.memref_slice %arg8[%mul3A_112] : memref<320000xf32, #tpu.memory_space<hbm>> -> memref<80xf32, #tpu.memory_space<hbm>>
      tpu.enqueue_dma source(%arg14 : memref<80xf32, #tpu.memory_space<vmem>>) target(%dma_start3A_122 : memref<80xf32, #tpu.memory_space<hbm>>) target_semaphore(%arg24 : memref<!tpu.dma_semaphore, #tpu.memory_space<semaphore_mem>>)
      %dma_start3A_123 = tpu.memref_slice %arg9[%mul3A_112] : memref<320000xf32, #tpu.memory_space<hbm>> -> memref<80xf32, #tpu.memory_space<hbm>>
      %dma_start3A_124 = tpu.memref_slice %arg9[%mul3A_112] : memref<320000xf32, #tpu.memory_space<hbm>> -> memref<80xf32, #tpu.memory_space<hbm>>
      tpu.enqueue_dma source(%arg15 : memref<80xf32, #tpu.memory_space<vmem>>) target(%dma_start3A_124 : memref<80xf32, #tpu.memory_space<hbm>>) target_semaphore(%arg24 : memref<!tpu.dma_semaphore, #tpu.memory_space<semaphore_mem>>)
      %mul3A_125 = arith.constant 2 : i32
      %mul3A_126 = arith.muli %mul3A_125, %scan3A_78 : i32
      %add3A_127 = arith.constant 1 : i32
      %add3A_128 = arith.addi %mul3A_126, %add3A_127 : i32
      %ge3A_129 = arith.constant 1 : i32
      %ge3A_130 = arith.cmpi sge, %add3A_128, %ge3A_129 : i32
      %convert_element_type3A_131 = arith.extui %ge3A_130 : i1 to i32
      %cond3A_132 = arith.constant 0 : i32
      %cond3A_133 = arith.cmpi ne, %convert_element_type3A_131, %cond3A_132 : i32
      scf.if %cond3A_133 {
        %sub3A = arith.constant 1 : i32
        %sub3A_174 = arith.subi %add3A_128, %sub3A : i32
        %add3A_175 = arith.addi %mul3A_2, %sub3A_174 : i32
        %mul3A_176 = arith.constant 80 : i32
        %mul3A_177 = arith.muli %add3A_175, %mul3A_176 : i32
        %dma_wait3A_178 = arith.constant 0 : i32
        %dma_wait3A_179 = tpu.memref_slice %arg6[%mul3A_177, %dma_wait3A_178] : memref<320000x128xf32, #tpu.memory_space<hbm>> -> memref<80x128xf32, #tpu.memory_space<hbm>>
        %dma_wait3A_180 = arith.constant 0 : i32
        %dma_wait3A_181 = tpu.memref_slice %arg6[%mul3A_177, %dma_wait3A_180] : memref<320000x128xf32, #tpu.memory_space<hbm>> -> memref<80x128xf32, #tpu.memory_space<hbm>>
        tpu.wait_dma2 semaphore(%arg24 : memref<!tpu.dma_semaphore, #tpu.memory_space<semaphore_mem>>) src(%arg12 : memref<80x128xf32, #tpu.memory_space<vmem>>) dst(%dma_wait3A_181 : memref<80x128xf32, #tpu.memory_space<hbm>>)
        %dma_wait3A_182 = arith.constant 0 : i32
        %dma_wait3A_183 = tpu.memref_slice %arg7[%mul3A_177, %dma_wait3A_182] : memref<320000x128xf32, #tpu.memory_space<hbm>> -> memref<80x128xf32, #tpu.memory_space<hbm>>
        %dma_wait3A_184 = arith.constant 0 : i32
        %dma_wait3A_185 = tpu.memref_slice %arg7[%mul3A_177, %dma_wait3A_184] : memref<320000x128xf32, #tpu.memory_space<hbm>> -> memref<80x128xf32, #tpu.memory_space<hbm>>
        tpu.wait_dma2 semaphore(%arg24 : memref<!tpu.dma_semaphore, #tpu.memory_space<semaphore_mem>>) src(%arg13 : memref<80x128xf32, #tpu.memory_space<vmem>>) dst(%dma_wait3A_185 : memref<80x128xf32, #tpu.memory_space<hbm>>)
        %dma_wait3A_186 = tpu.memref_slice %arg8[%mul3A_177] : memref<320000xf32, #tpu.memory_space<hbm>> -> memref<80xf32, #tpu.memory_space<hbm>>
        %dma_wait3A_187 = tpu.memref_slice %arg8[%mul3A_177] : memref<320000xf32, #tpu.memory_space<hbm>> -> memref<80xf32, #tpu.memory_space<hbm>>
        tpu.wait_dma2 semaphore(%arg24 : memref<!tpu.dma_semaphore, #tpu.memory_space<semaphore_mem>>) src(%arg14 : memref<80xf32, #tpu.memory_space<vmem>>) dst(%dma_wait3A_187 : memref<80xf32, #tpu.memory_space<hbm>>)
        %dma_wait3A_188 = tpu.memref_slice %arg9[%mul3A_177] : memref<320000xf32, #tpu.memory_space<hbm>> -> memref<80xf32, #tpu.memory_space<hbm>>
        %dma_wait3A_189 = tpu.memref_slice %arg9[%mul3A_177] : memref<320000xf32, #tpu.memory_space<hbm>> -> memref<80xf32, #tpu.memory_space<hbm>>
        tpu.wait_dma2 semaphore(%arg24 : memref<!tpu.dma_semaphore, #tpu.memory_space<semaphore_mem>>) src(%arg15 : memref<80xf32, #tpu.memory_space<vmem>>) dst(%dma_wait3A_189 : memref<80xf32, #tpu.memory_space<hbm>>)
      } else {
      }
      %add3A_134 = arith.constant 1 : i32
      %add3A_135 = arith.addi %add3A_128, %add3A_134 : i32
      %add3A_136 = arith.addi %mul3A_2, %add3A_135 : i32
      %mul3A_137 = arith.constant 80 : i32
      %mul3A_138 = arith.muli %add3A_136, %mul3A_137 : i32
      "tpu.region"() ({
        %run_scoped3A = tpu.sem_alloc : memref<!tpu.dma_semaphore, #tpu.memory_space<semaphore_mem>>
        %dma_start3A_174 = tpu.memref_slice %arg4[%mul3A_138] : memref<320000xi32, #tpu.memory_space<hbm>> -> memref<80xi32, #tpu.memory_space<hbm>>
        %dma_start3A_175 = tpu.memref_slice %arg4[%mul3A_138] : memref<320000xi32, #tpu.memory_space<hbm>> -> memref<80xi32, #tpu.memory_space<hbm>>
        tpu.enqueue_dma source(%dma_start3A_175 : memref<80xi32, #tpu.memory_space<hbm>>) target(%arg10 : memref<80xi32, #tpu.memory_space<vmem>>) target_semaphore(%run_scoped3A : memref<!tpu.dma_semaphore, #tpu.memory_space<semaphore_mem>>)
        %dma_wait3A_176 = tpu.memref_slice %arg4[%mul3A_138] : memref<320000xi32, #tpu.memory_space<hbm>> -> memref<80xi32, #tpu.memory_space<hbm>>
        %dma_wait3A_177 = tpu.memref_slice %arg4[%mul3A_138] : memref<320000xi32, #tpu.memory_space<hbm>> -> memref<80xi32, #tpu.memory_space<hbm>>
        tpu.wait_dma2 semaphore(%run_scoped3A : memref<!tpu.dma_semaphore, #tpu.memory_space<semaphore_mem>>) src(%dma_wait3A_177 : memref<80xi32, #tpu.memory_space<hbm>>) dst(%arg10 : memref<80xi32, #tpu.memory_space<vmem>>)
        tpu.yield
      }) : () -> ()
      "tpu.region"() ({
        %run_scoped3A = tpu.sem_alloc : memref<!tpu.dma_semaphore, #tpu.memory_space<semaphore_mem>>
        %dma_start3A_174 = tpu.memref_slice %arg5[%mul3A_138] : memref<320000xi32, #tpu.memory_space<hbm>> -> memref<80xi32, #tpu.memory_space<hbm>>
        %dma_start3A_175 = tpu.memref_slice %arg5[%mul3A_138] : memref<320000xi32, #tpu.memory_space<hbm>> -> memref<80xi32, #tpu.memory_space<hbm>>
        tpu.enqueue_dma source(%dma_start3A_175 : memref<80xi32, #tpu.memory_space<hbm>>) target(%arg11 : memref<80xi32, #tpu.memory_space<vmem>>) target_semaphore(%run_scoped3A : memref<!tpu.dma_semaphore, #tpu.memory_space<semaphore_mem>>)
        %dma_wait3A_176 = tpu.memref_slice %arg5[%mul3A_138] : memref<320000xi32, #tpu.memory_space<hbm>> -> memref<80xi32, #tpu.memory_space<hbm>>
        %dma_wait3A_177 = tpu.memref_slice %arg5[%mul3A_138] : memref<320000xi32, #tpu.memory_space<hbm>> -> memref<80xi32, #tpu.memory_space<hbm>>
        tpu.wait_dma2 semaphore(%run_scoped3A : memref<!tpu.dma_semaphore, #tpu.memory_space<semaphore_mem>>) src(%dma_wait3A_177 : memref<80xi32, #tpu.memory_space<hbm>>) dst(%arg11 : memref<80xi32, #tpu.memory_space<vmem>>)
        tpu.yield
      }) : () -> ()
      %dma_start3A_139 = arith.constant 0 : i32
      %dma_start3A_140 = arith.constant 0 : i32
      %dma_start3A_141 = tpu.memref_slice %arg2[%dma_start3A_139, %dma_start3A_140] : memref<10000x128xf32, #tpu.memory_space<hbm>> -> memref<10000x128xf32, #tpu.memory_space<hbm>>
      tpu.enqueue_indirect_dma source(%dma_start3A_141 : memref<10000x128xf32, #tpu.memory_space<hbm>>) target(%arg12 : memref<80x128xf32, #tpu.memory_space<vmem>>) offsets(%arg10 : memref<80xi32, #tpu.memory_space<vmem>>) semaphore(%arg22 : memref<!tpu.dma_semaphore, #tpu.memory_space<semaphore_mem>>)
      %dma_start3A_142 = arith.constant 0 : i32
      %dma_start3A_143 = arith.constant 0 : i32
      %dma_start3A_144 = tpu.memref_slice %arg2[%dma_start3A_142, %dma_start3A_143] : memref<10000x128xf32, #tpu.memory_space<hbm>> -> memref<10000x128xf32, #tpu.memory_space<hbm>>
      tpu.enqueue_indirect_dma source(%dma_start3A_144 : memref<10000x128xf32, #tpu.memory_space<hbm>>) target(%arg13 : memref<80x128xf32, #tpu.memory_space<vmem>>) offsets(%arg11 : memref<80xi32, #tpu.memory_space<vmem>>) semaphore(%arg22 : memref<!tpu.dma_semaphore, #tpu.memory_space<semaphore_mem>>)
      %dma_start3A_145 = arith.constant 0 : i32
      %dma_start3A_146 = tpu.memref_slice %arg3[%dma_start3A_145] : memref<10000xf32, #tpu.memory_space<hbm>> -> memref<10000xf32, #tpu.memory_space<hbm>>
      tpu.enqueue_indirect_dma source(%dma_start3A_146 : memref<10000xf32, #tpu.memory_space<hbm>>) target(%arg14 : memref<80xf32, #tpu.memory_space<vmem>>) offsets(%arg10 : memref<80xi32, #tpu.memory_space<vmem>>) semaphore(%arg22 : memref<!tpu.dma_semaphore, #tpu.memory_space<semaphore_mem>>)
      %dma_start3A_147 = arith.constant 0 : i32
      %dma_start3A_148 = tpu.memref_slice %arg3[%dma_start3A_147] : memref<10000xf32, #tpu.memory_space<hbm>> -> memref<10000xf32, #tpu.memory_space<hbm>>
      tpu.enqueue_indirect_dma source(%dma_start3A_148 : memref<10000xf32, #tpu.memory_space<hbm>>) target(%arg15 : memref<80xf32, #tpu.memory_space<vmem>>) offsets(%arg11 : memref<80xi32, #tpu.memory_space<vmem>>) semaphore(%arg22 : memref<!tpu.dma_semaphore, #tpu.memory_space<semaphore_mem>>)
      %dma_wait3A_149 = arith.constant 0 : i32
      %dma_wait3A_150 = arith.constant 0 : i32
      %dma_wait3A_151 = tpu.memref_slice %arg2[%dma_wait3A_149, %dma_wait3A_150] : memref<10000x128xf32, #tpu.memory_space<hbm>> -> memref<10000x128xf32, #tpu.memory_space<hbm>>
      tpu.wait_indirect_dma semaphore(%arg23 : memref<!tpu.dma_semaphore, #tpu.memory_space<semaphore_mem>>) src(%dma_wait3A_151 : memref<10000x128xf32, #tpu.memory_space<hbm>>) dst(%arg18 : memref<80x128xf32, #tpu.memory_space<vmem>>)
      %dma_wait3A_152 = arith.constant 0 : i32
      %dma_wait3A_153 = arith.constant 0 : i32
      %dma_wait3A_154 = tpu.memref_slice %arg2[%dma_wait3A_152, %dma_wait3A_153] : memref<10000x128xf32, #tpu.memory_space<hbm>> -> memref<10000x128xf32, #tpu.memory_space<hbm>>
      tpu.wait_indirect_dma semaphore(%arg23 : memref<!tpu.dma_semaphore, #tpu.memory_space<semaphore_mem>>) src(%dma_wait3A_154 : memref<10000x128xf32, #tpu.memory_space<hbm>>) dst(%arg19 : memref<80x128xf32, #tpu.memory_space<vmem>>)
      %dma_wait3A_155 = arith.constant 0 : i32
      %dma_wait3A_156 = tpu.memref_slice %arg3[%dma_wait3A_155] : memref<10000xf32, #tpu.memory_space<hbm>> -> memref<10000xf32, #tpu.memory_space<hbm>>
      tpu.wait_indirect_dma semaphore(%arg23 : memref<!tpu.dma_semaphore, #tpu.memory_space<semaphore_mem>>) src(%dma_wait3A_156 : memref<10000xf32, #tpu.memory_space<hbm>>) dst(%arg20 : memref<80xf32, #tpu.memory_space<vmem>>)
      %dma_wait3A_157 = arith.constant 0 : i32
      %dma_wait3A_158 = tpu.memref_slice %arg3[%dma_wait3A_157] : memref<10000xf32, #tpu.memory_space<hbm>> -> memref<10000xf32, #tpu.memory_space<hbm>>
      tpu.wait_indirect_dma semaphore(%arg23 : memref<!tpu.dma_semaphore, #tpu.memory_space<semaphore_mem>>) src(%dma_wait3A_158 : memref<10000xf32, #tpu.memory_space<hbm>>) dst(%arg21 : memref<80xf32, #tpu.memory_space<vmem>>)
      %add3A_159 = arith.addi %mul3A_2, %add3A_128 : i32
      %mul3A_160 = arith.constant 80 : i32
      %mul3A_161 = arith.muli %add3A_159, %mul3A_160 : i32
      %dma_start3A_162 = arith.constant 0 : i32
      %dma_start3A_163 = tpu.memref_slice %arg6[%mul3A_161, %dma_start3A_162] : memref<320000x128xf32, #tpu.memory_space<hbm>> -> memref<80x128xf32, #tpu.memory_space<hbm>>
      %dma_start3A_164 = arith.constant 0 : i32
      %dma_start3A_165 = tpu.memref_slice %arg6[%mul3A_161, %dma_start3A_164] : memref<320000x128xf32, #tpu.memory_space<hbm>> -> memref<80x128xf32, #tpu.memory_space<hbm>>
      tpu.enqueue_dma source(%arg18 : memref<80x128xf32, #tpu.memory_space<vmem>>) target(%dma_start3A_165 : memref<80x128xf32, #tpu.memory_space<hbm>>) target_semaphore(%arg25 : memref<!tpu.dma_semaphore, #tpu.memory_space<semaphore_mem>>)
      %dma_start3A_166 = arith.constant 0 : i32
      %dma_start3A_167 = tpu.memref_slice %arg7[%mul3A_161, %dma_start3A_166] : memref<320000x128xf32, #tpu.memory_space<hbm>> -> memref<80x128xf32, #tpu.memory_space<hbm>>
      %dma_start3A_168 = arith.constant 0 : i32
      %dma_start3A_169 = tpu.memref_slice %arg7[%mul3A_161, %dma_start3A_168] : memref<320000x128xf32, #tpu.memory_space<hbm>> -> memref<80x128xf32, #tpu.memory_space<hbm>>
      tpu.enqueue_dma source(%arg19 : memref<80x128xf32, #tpu.memory_space<vmem>>) target(%dma_start3A_169 : memref<80x128xf32, #tpu.memory_space<hbm>>) target_semaphore(%arg25 : memref<!tpu.dma_semaphore, #tpu.memory_space<semaphore_mem>>)
      %dma_start3A_170 = tpu.memref_slice %arg8[%mul3A_161] : memref<320000xf32, #tpu.memory_space<hbm>> -> memref<80xf32, #tpu.memory_space<hbm>>
      %dma_start3A_171 = tpu.memref_slice %arg8[%mul3A_161] : memref<320000xf32, #tpu.memory_space<hbm>> -> memref<80xf32, #tpu.memory_space<hbm>>
      tpu.enqueue_dma source(%arg20 : memref<80xf32, #tpu.memory_space<vmem>>) target(%dma_start3A_171 : memref<80xf32, #tpu.memory_space<hbm>>) target_semaphore(%arg25 : memref<!tpu.dma_semaphore, #tpu.memory_space<semaphore_mem>>)
      %dma_start3A_172 = tpu.memref_slice %arg9[%mul3A_161] : memref<320000xf32, #tpu.memory_space<hbm>> -> memref<80xf32, #tpu.memory_space<hbm>>
      %dma_start3A_173 = tpu.memref_slice %arg9[%mul3A_161] : memref<320000xf32, #tpu.memory_space<hbm>> -> memref<80xf32, #tpu.memory_space<hbm>>
      tpu.enqueue_dma source(%arg21 : memref<80xf32, #tpu.memory_space<vmem>>) target(%dma_start3A_173 : memref<80xf32, #tpu.memory_space<hbm>>) target_semaphore(%arg25 : memref<!tpu.dma_semaphore, #tpu.memory_space<semaphore_mem>>)
    }
    %scan3A_20 = arith.constant 62 : i32
    %dma_wait3A = arith.constant 0 : i32
    %dma_wait3A_21 = arith.constant 0 : i32
    %dma_wait3A_22 = tpu.memref_slice %arg2[%dma_wait3A, %dma_wait3A_21] : memref<10000x128xf32, #tpu.memory_space<hbm>> -> memref<10000x128xf32, #tpu.memory_space<hbm>>
    tpu.wait_indirect_dma semaphore(%arg22 : memref<!tpu.dma_semaphore, #tpu.memory_space<semaphore_mem>>) src(%dma_wait3A_22 : memref<10000x128xf32, #tpu.memory_space<hbm>>) dst(%arg12 : memref<80x128xf32, #tpu.memory_space<vmem>>)
    %dma_wait3A_23 = arith.constant 0 : i32
    %dma_wait3A_24 = arith.constant 0 : i32
    %dma_wait3A_25 = tpu.memref_slice %arg2[%dma_wait3A_23, %dma_wait3A_24] : memref<10000x128xf32, #tpu.memory_space<hbm>> -> memref<10000x128xf32, #tpu.memory_space<hbm>>
    tpu.wait_indirect_dma semaphore(%arg22 : memref<!tpu.dma_semaphore, #tpu.memory_space<semaphore_mem>>) src(%dma_wait3A_25 : memref<10000x128xf32, #tpu.memory_space<hbm>>) dst(%arg13 : memref<80x128xf32, #tpu.memory_space<vmem>>)
    %dma_wait3A_26 = arith.constant 0 : i32
    %dma_wait3A_27 = tpu.memref_slice %arg3[%dma_wait3A_26] : memref<10000xf32, #tpu.memory_space<hbm>> -> memref<10000xf32, #tpu.memory_space<hbm>>
    tpu.wait_indirect_dma semaphore(%arg22 : memref<!tpu.dma_semaphore, #tpu.memory_space<semaphore_mem>>) src(%dma_wait3A_27 : memref<10000xf32, #tpu.memory_space<hbm>>) dst(%arg14 : memref<80xf32, #tpu.memory_space<vmem>>)
    %dma_wait3A_28 = arith.constant 0 : i32
    %dma_wait3A_29 = tpu.memref_slice %arg3[%dma_wait3A_28] : memref<10000xf32, #tpu.memory_space<hbm>> -> memref<10000xf32, #tpu.memory_space<hbm>>
    tpu.wait_indirect_dma semaphore(%arg22 : memref<!tpu.dma_semaphore, #tpu.memory_space<semaphore_mem>>) src(%dma_wait3A_29 : memref<10000xf32, #tpu.memory_space<hbm>>) dst(%arg15 : memref<80xf32, #tpu.memory_space<vmem>>)
    %add3A_30 = arith.constant 124 : i32
    %add3A_31 = arith.addi %mul3A_2, %add3A_30 : i32
    %mul3A_32 = arith.constant 80 : i32
    %mul3A_33 = arith.muli %add3A_31, %mul3A_32 : i32
    %dma_start3A_34 = arith.constant 0 : i32
    %dma_start3A_35 = tpu.memref_slice %arg6[%mul3A_33, %dma_start3A_34] : memref<320000x128xf32, #tpu.memory_space<hbm>> -> memref<80x128xf32, #tpu.memory_space<hbm>>
    %dma_start3A_36 = arith.constant 0 : i32
    %dma_start3A_37 = tpu.memref_slice %arg6[%mul3A_33, %dma_start3A_36] : memref<320000x128xf32, #tpu.memory_space<hbm>> -> memref<80x128xf32, #tpu.memory_space<hbm>>
    tpu.enqueue_dma source(%arg12 : memref<80x128xf32, #tpu.memory_space<vmem>>) target(%dma_start3A_37 : memref<80x128xf32, #tpu.memory_space<hbm>>) target_semaphore(%arg24 : memref<!tpu.dma_semaphore, #tpu.memory_space<semaphore_mem>>)
    %dma_start3A_38 = arith.constant 0 : i32
    %dma_start3A_39 = tpu.memref_slice %arg7[%mul3A_33, %dma_start3A_38] : memref<320000x128xf32, #tpu.memory_space<hbm>> -> memref<80x128xf32, #tpu.memory_space<hbm>>
    %dma_start3A_40 = arith.constant 0 : i32
    %dma_start3A_41 = tpu.memref_slice %arg7[%mul3A_33, %dma_start3A_40] : memref<320000x128xf32, #tpu.memory_space<hbm>> -> memref<80x128xf32, #tpu.memory_space<hbm>>
    tpu.enqueue_dma source(%arg13 : memref<80x128xf32, #tpu.memory_space<vmem>>) target(%dma_start3A_41 : memref<80x128xf32, #tpu.memory_space<hbm>>) target_semaphore(%arg24 : memref<!tpu.dma_semaphore, #tpu.memory_space<semaphore_mem>>)
    %dma_start3A_42 = tpu.memref_slice %arg8[%mul3A_33] : memref<320000xf32, #tpu.memory_space<hbm>> -> memref<80xf32, #tpu.memory_space<hbm>>
    %dma_start3A_43 = tpu.memref_slice %arg8[%mul3A_33] : memref<320000xf32, #tpu.memory_space<hbm>> -> memref<80xf32, #tpu.memory_space<hbm>>
    tpu.enqueue_dma source(%arg14 : memref<80xf32, #tpu.memory_space<vmem>>) target(%dma_start3A_43 : memref<80xf32, #tpu.memory_space<hbm>>) target_semaphore(%arg24 : memref<!tpu.dma_semaphore, #tpu.memory_space<semaphore_mem>>)
    %dma_start3A_44 = tpu.memref_slice %arg9[%mul3A_33] : memref<320000xf32, #tpu.memory_space<hbm>> -> memref<80xf32, #tpu.memory_space<hbm>>
    %dma_start3A_45 = tpu.memref_slice %arg9[%mul3A_33] : memref<320000xf32, #tpu.memory_space<hbm>> -> memref<80xf32, #tpu.memory_space<hbm>>
    tpu.enqueue_dma source(%arg15 : memref<80xf32, #tpu.memory_space<vmem>>) target(%dma_start3A_45 : memref<80xf32, #tpu.memory_space<hbm>>) target_semaphore(%arg24 : memref<!tpu.dma_semaphore, #tpu.memory_space<semaphore_mem>>)
    %add3A_46 = arith.constant 123 : i32
    %add3A_47 = arith.addi %mul3A_2, %add3A_46 : i32
    %mul3A_48 = arith.constant 80 : i32
    %mul3A_49 = arith.muli %add3A_47, %mul3A_48 : i32
    %dma_wait3A_50 = arith.constant 0 : i32
    %dma_wait3A_51 = tpu.memref_slice %arg6[%mul3A_49, %dma_wait3A_50] : memref<320000x128xf32, #tpu.memory_space<hbm>> -> memref<80x128xf32, #tpu.memory_space<hbm>>
    %dma_wait3A_52 = arith.constant 0 : i32
    %dma_wait3A_53 = tpu.memref_slice %arg6[%mul3A_49, %dma_wait3A_52] : memref<320000x128xf32, #tpu.memory_space<hbm>> -> memref<80x128xf32, #tpu.memory_space<hbm>>
    tpu.wait_dma2 semaphore(%arg25 : memref<!tpu.dma_semaphore, #tpu.memory_space<semaphore_mem>>) src(%arg18 : memref<80x128xf32, #tpu.memory_space<vmem>>) dst(%dma_wait3A_53 : memref<80x128xf32, #tpu.memory_space<hbm>>)
    %dma_wait3A_54 = arith.constant 0 : i32
    %dma_wait3A_55 = tpu.memref_slice %arg7[%mul3A_49, %dma_wait3A_54] : memref<320000x128xf32, #tpu.memory_space<hbm>> -> memref<80x128xf32, #tpu.memory_space<hbm>>
    %dma_wait3A_56 = arith.constant 0 : i32
    %dma_wait3A_57 = tpu.memref_slice %arg7[%mul3A_49, %dma_wait3A_56] : memref<320000x128xf32, #tpu.memory_space<hbm>> -> memref<80x128xf32, #tpu.memory_space<hbm>>
    tpu.wait_dma2 semaphore(%arg25 : memref<!tpu.dma_semaphore, #tpu.memory_space<semaphore_mem>>) src(%arg19 : memref<80x128xf32, #tpu.memory_space<vmem>>) dst(%dma_wait3A_57 : memref<80x128xf32, #tpu.memory_space<hbm>>)
    %dma_wait3A_58 = tpu.memref_slice %arg8[%mul3A_49] : memref<320000xf32, #tpu.memory_space<hbm>> -> memref<80xf32, #tpu.memory_space<hbm>>
    %dma_wait3A_59 = tpu.memref_slice %arg8[%mul3A_49] : memref<320000xf32, #tpu.memory_space<hbm>> -> memref<80xf32, #tpu.memory_space<hbm>>
    tpu.wait_dma2 semaphore(%arg25 : memref<!tpu.dma_semaphore, #tpu.memory_space<semaphore_mem>>) src(%arg20 : memref<80xf32, #tpu.memory_space<vmem>>) dst(%dma_wait3A_59 : memref<80xf32, #tpu.memory_space<hbm>>)
    %dma_wait3A_60 = tpu.memref_slice %arg9[%mul3A_49] : memref<320000xf32, #tpu.memory_space<hbm>> -> memref<80xf32, #tpu.memory_space<hbm>>
    %dma_wait3A_61 = tpu.memref_slice %arg9[%mul3A_49] : memref<320000xf32, #tpu.memory_space<hbm>> -> memref<80xf32, #tpu.memory_space<hbm>>
    tpu.wait_dma2 semaphore(%arg25 : memref<!tpu.dma_semaphore, #tpu.memory_space<semaphore_mem>>) src(%arg21 : memref<80xf32, #tpu.memory_space<vmem>>) dst(%dma_wait3A_61 : memref<80xf32, #tpu.memory_space<hbm>>)
    %add3A_62 = arith.constant 124 : i32
    %add3A_63 = arith.addi %mul3A_2, %add3A_62 : i32
    %mul3A_64 = arith.constant 80 : i32
    %mul3A_65 = arith.muli %add3A_63, %mul3A_64 : i32
    %dma_wait3A_66 = arith.constant 0 : i32
    %dma_wait3A_67 = tpu.memref_slice %arg6[%mul3A_65, %dma_wait3A_66] : memref<320000x128xf32, #tpu.memory_space<hbm>> -> memref<80x128xf32, #tpu.memory_space<hbm>>
    %dma_wait3A_68 = arith.constant 0 : i32
    %dma_wait3A_69 = tpu.memref_slice %arg6[%mul3A_65, %dma_wait3A_68] : memref<320000x128xf32, #tpu.memory_space<hbm>> -> memref<80x128xf32, #tpu.memory_space<hbm>>
    tpu.wait_dma2 semaphore(%arg24 : memref<!tpu.dma_semaphore, #tpu.memory_space<semaphore_mem>>) src(%arg12 : memref<80x128xf32, #tpu.memory_space<vmem>>) dst(%dma_wait3A_69 : memref<80x128xf32, #tpu.memory_space<hbm>>)
    %dma_wait3A_70 = arith.constant 0 : i32
    %dma_wait3A_71 = tpu.memref_slice %arg7[%mul3A_65, %dma_wait3A_70] : memref<320000x128xf32, #tpu.memory_space<hbm>> -> memref<80x128xf32, #tpu.memory_space<hbm>>
    %dma_wait3A_72 = arith.constant 0 : i32
    %dma_wait3A_73 = tpu.memref_slice %arg7[%mul3A_65, %dma_wait3A_72] : memref<320000x128xf32, #tpu.memory_space<hbm>> -> memref<80x128xf32, #tpu.memory_space<hbm>>
    tpu.wait_dma2 semaphore(%arg24 : memref<!tpu.dma_semaphore, #tpu.memory_space<semaphore_mem>>) src(%arg13 : memref<80x128xf32, #tpu.memory_space<vmem>>) dst(%dma_wait3A_73 : memref<80x128xf32, #tpu.memory_space<hbm>>)
    %dma_wait3A_74 = tpu.memref_slice %arg8[%mul3A_65] : memref<320000xf32, #tpu.memory_space<hbm>> -> memref<80xf32, #tpu.memory_space<hbm>>
    %dma_wait3A_75 = tpu.memref_slice %arg8[%mul3A_65] : memref<320000xf32, #tpu.memory_space<hbm>> -> memref<80xf32, #tpu.memory_space<hbm>>
    tpu.wait_dma2 semaphore(%arg24 : memref<!tpu.dma_semaphore, #tpu.memory_space<semaphore_mem>>) src(%arg14 : memref<80xf32, #tpu.memory_space<vmem>>) dst(%dma_wait3A_75 : memref<80xf32, #tpu.memory_space<hbm>>)
    %dma_wait3A_76 = tpu.memref_slice %arg9[%mul3A_65] : memref<320000xf32, #tpu.memory_space<hbm>> -> memref<80xf32, #tpu.memory_space<hbm>>
    %dma_wait3A_77 = tpu.memref_slice %arg9[%mul3A_65] : memref<320000xf32, #tpu.memory_space<hbm>> -> memref<80xf32, #tpu.memory_space<hbm>>
    tpu.wait_dma2 semaphore(%arg24 : memref<!tpu.dma_semaphore, #tpu.memory_space<semaphore_mem>>) src(%arg15 : memref<80xf32, #tpu.memory_space<vmem>>) dst(%dma_wait3A_77 : memref<80xf32, #tpu.memory_space<hbm>>)
    return
  }
}

#map = affine_map<(d0, d1) -> (0)>
#map1 = affine_map<(d0, d1) -> (0, 0)>
#map2 = affine_map<(d0, d1) -> (0, 0, 0)>
module attributes {stable_mosaic.version = 14 : i64} {
  func.func @scatter_k(%arg0: i32, %arg1: i32, %arg2: memref<320000xi32, #tpu.memory_space<hbm>>, %arg3: memref<320000x8xf32, #tpu.memory_space<hbm>>, %arg4: memref<10000x8xf32, #tpu.memory_space<hbm>>, %arg5: memref<2x10000x8xf32, #tpu.memory_space<hbm>>, %arg6: memref<10000x8xf32, #tpu.memory_space<vmem_shared>>, %arg7: memref<80xi32, #tpu.memory_space<vmem>>, %arg8: memref<80x8xf32, #tpu.memory_space<vmem>>, %arg9: memref<80xi32, #tpu.memory_space<vmem>>, %arg10: memref<80x8xf32, #tpu.memory_space<vmem>>, %arg11: memref<1000x8xf32, #tpu.memory_space<vmem>>, %arg12: memref<!tpu.dma_semaphore, #tpu.memory_space<semaphore_mem>>, %arg13: memref<!tpu.dma_semaphore, #tpu.memory_space<semaphore_mem>>) attributes {dimension_semantics = [#tpu.dimension_semantics<core_parallel>, #tpu.dimension_semantics<subcore_parallel>], iteration_bounds = array<i64: 2, 16>, scalar_prefetch = 0 : i64, scratch_operands = 8 : i64, tpu.core_type = #tpu.core_type<sc_vector_subcore>, window_params = [{transform_indices = #map}, {transform_indices = #map1}, {transform_indices = #map1}, {transform_indices = #map2}]} {
    %mul3A = arith.constant 2 : i32
    %mul3A_0 = arith.muli %arg1, %mul3A : i32
    %add3A = arith.addi %mul3A_0, %arg0 : i32
    %mul3A_1 = arith.constant 125 : i32
    %mul3A_2 = arith.muli %add3A, %mul3A_1 : i32
    %eq3A = arith.constant 0 : i32
    %eq3A_3 = arith.cmpi eq, %arg1, %eq3A : i32
    %convert_element_type3A = arith.extui %eq3A_3 : i1 to i32
    %cond3A = arith.constant 0 : i32
    %cond3A_4 = arith.cmpi ne, %convert_element_type3A, %cond3A : i32
    scf.if %cond3A_4 {
      "tpu.region"() ({
        %run_scoped3A = tpu.sem_alloc : memref<!tpu.dma_semaphore, #tpu.memory_space<semaphore_mem>>
        tpu.enqueue_dma source(%arg4 : memref<10000x8xf32, #tpu.memory_space<hbm>>) target(%arg6 : memref<10000x8xf32, #tpu.memory_space<vmem_shared>>) target_semaphore(%run_scoped3A : memref<!tpu.dma_semaphore, #tpu.memory_space<semaphore_mem>>)
        tpu.wait_dma2 semaphore(%run_scoped3A : memref<!tpu.dma_semaphore, #tpu.memory_space<semaphore_mem>>) src(%arg4 : memref<10000x8xf32, #tpu.memory_space<hbm>>) dst(%arg6 : memref<10000x8xf32, #tpu.memory_space<vmem_shared>>)
        tpu.yield
      }) : () -> ()
    } else {
    }
    %barrier3A = arith.constant 0 : index
    tpu.barrier barrier_id(%barrier3A)
    %add3A_5 = arith.constant 0 : i32
    %add3A_6 = arith.addi %mul3A_2, %add3A_5 : i32
    %mul3A_7 = arith.constant 80 : i32
    %mul3A_8 = arith.muli %add3A_6, %mul3A_7 : i32
    %dma_start3A = tpu.memref_slice %arg2[%mul3A_8] : memref<320000xi32, #tpu.memory_space<hbm>> -> memref<80xi32, #tpu.memory_space<hbm>>
    %dma_start3A_9 = tpu.memref_slice %arg2[%mul3A_8] : memref<320000xi32, #tpu.memory_space<hbm>> -> memref<80xi32, #tpu.memory_space<hbm>>
    tpu.enqueue_dma source(%dma_start3A_9 : memref<80xi32, #tpu.memory_space<hbm>>) target(%arg7 : memref<80xi32, #tpu.memory_space<vmem>>) target_semaphore(%arg12 : memref<!tpu.dma_semaphore, #tpu.memory_space<semaphore_mem>>)
    %dma_start3A_10 = arith.constant 0 : i32
    %dma_start3A_11 = tpu.memref_slice %arg3[%mul3A_8, %dma_start3A_10] : memref<320000x8xf32, #tpu.memory_space<hbm>> -> memref<80x8xf32, #tpu.memory_space<hbm>>
    %dma_start3A_12 = arith.constant 0 : i32
    %dma_start3A_13 = tpu.memref_slice %arg3[%mul3A_8, %dma_start3A_12] : memref<320000x8xf32, #tpu.memory_space<hbm>> -> memref<80x8xf32, #tpu.memory_space<hbm>>
    tpu.enqueue_dma source(%dma_start3A_13 : memref<80x8xf32, #tpu.memory_space<hbm>>) target(%arg8 : memref<80x8xf32, #tpu.memory_space<vmem>>) target_semaphore(%arg12 : memref<!tpu.dma_semaphore, #tpu.memory_space<semaphore_mem>>)
    %scan3A = arith.constant 0 : i32
    %scan3A_14 = arith.constant 0 : i32
    %scan3A_15 = arith.constant 62 : i32
    %scan3A_16 = arith.addi %scan3A_14, %scan3A_15 : i32
    %scan3A_17 = arith.constant 1 : i32
    scf.for %scan3A_33 = %scan3A_14 to %scan3A_16 step %scan3A_17  : i32 {
      %mul3A_34 = arith.constant 2 : i32
      %mul3A_35 = arith.muli %mul3A_34, %scan3A_33 : i32
      %add3A_36 = arith.constant 0 : i32
      %add3A_37 = arith.addi %mul3A_35, %add3A_36 : i32
      %add3A_38 = arith.addi %mul3A_2, %add3A_37 : i32
      %mul3A_39 = arith.constant 80 : i32
      %mul3A_40 = arith.muli %add3A_38, %mul3A_39 : i32
      %dma_wait3A_41 = tpu.memref_slice %arg2[%mul3A_40] : memref<320000xi32, #tpu.memory_space<hbm>> -> memref<80xi32, #tpu.memory_space<hbm>>
      %dma_wait3A_42 = tpu.memref_slice %arg2[%mul3A_40] : memref<320000xi32, #tpu.memory_space<hbm>> -> memref<80xi32, #tpu.memory_space<hbm>>
      tpu.wait_dma2 semaphore(%arg12 : memref<!tpu.dma_semaphore, #tpu.memory_space<semaphore_mem>>) src(%dma_wait3A_42 : memref<80xi32, #tpu.memory_space<hbm>>) dst(%arg7 : memref<80xi32, #tpu.memory_space<vmem>>)
      %dma_wait3A_43 = arith.constant 0 : i32
      %dma_wait3A_44 = tpu.memref_slice %arg3[%mul3A_40, %dma_wait3A_43] : memref<320000x8xf32, #tpu.memory_space<hbm>> -> memref<80x8xf32, #tpu.memory_space<hbm>>
      %dma_wait3A_45 = arith.constant 0 : i32
      %dma_wait3A_46 = tpu.memref_slice %arg3[%mul3A_40, %dma_wait3A_45] : memref<320000x8xf32, #tpu.memory_space<hbm>> -> memref<80x8xf32, #tpu.memory_space<hbm>>
      tpu.wait_dma2 semaphore(%arg12 : memref<!tpu.dma_semaphore, #tpu.memory_space<semaphore_mem>>) src(%dma_wait3A_46 : memref<80x8xf32, #tpu.memory_space<hbm>>) dst(%arg8 : memref<80x8xf32, #tpu.memory_space<vmem>>)
      %add3A_47 = arith.constant 1 : i32
      %add3A_48 = arith.addi %add3A_37, %add3A_47 : i32
      %add3A_49 = arith.addi %mul3A_2, %add3A_48 : i32
      %mul3A_50 = arith.constant 80 : i32
      %mul3A_51 = arith.muli %add3A_49, %mul3A_50 : i32
      %dma_start3A_52 = tpu.memref_slice %arg2[%mul3A_51] : memref<320000xi32, #tpu.memory_space<hbm>> -> memref<80xi32, #tpu.memory_space<hbm>>
      %dma_start3A_53 = tpu.memref_slice %arg2[%mul3A_51] : memref<320000xi32, #tpu.memory_space<hbm>> -> memref<80xi32, #tpu.memory_space<hbm>>
      tpu.enqueue_dma source(%dma_start3A_53 : memref<80xi32, #tpu.memory_space<hbm>>) target(%arg9 : memref<80xi32, #tpu.memory_space<vmem>>) target_semaphore(%arg13 : memref<!tpu.dma_semaphore, #tpu.memory_space<semaphore_mem>>)
      %dma_start3A_54 = arith.constant 0 : i32
      %dma_start3A_55 = tpu.memref_slice %arg3[%mul3A_51, %dma_start3A_54] : memref<320000x8xf32, #tpu.memory_space<hbm>> -> memref<80x8xf32, #tpu.memory_space<hbm>>
      %dma_start3A_56 = arith.constant 0 : i32
      %dma_start3A_57 = tpu.memref_slice %arg3[%mul3A_51, %dma_start3A_56] : memref<320000x8xf32, #tpu.memory_space<hbm>> -> memref<80x8xf32, #tpu.memory_space<hbm>>
      tpu.enqueue_dma source(%dma_start3A_57 : memref<80x8xf32, #tpu.memory_space<hbm>>) target(%arg10 : memref<80x8xf32, #tpu.memory_space<vmem>>) target_semaphore(%arg13 : memref<!tpu.dma_semaphore, #tpu.memory_space<semaphore_mem>>)
      "tpu.region"() ({
        %run_scoped3A = tpu.sem_alloc : memref<!tpu.dma_semaphore, #tpu.memory_space<semaphore_mem>>
        %dma_start3A_82 = arith.constant 0 : i32
        %dma_start3A_83 = arith.constant 0 : i32
        %dma_start3A_84 = tpu.memref_slice %arg6[%dma_start3A_82, %dma_start3A_83] : memref<10000x8xf32, #tpu.memory_space<vmem_shared>> -> memref<10000x8xf32, #tpu.memory_space<vmem_shared>>
        tpu.enqueue_indirect_dma source(%arg8 : memref<80x8xf32, #tpu.memory_space<vmem>>) target(%dma_start3A_84 : memref<10000x8xf32, #tpu.memory_space<vmem_shared>>) offsets(%arg7 : memref<80xi32, #tpu.memory_space<vmem>>) semaphore(%run_scoped3A : memref<!tpu.dma_semaphore, #tpu.memory_space<semaphore_mem>>) {add = true}
        %dma_wait3A_85 = arith.constant 0 : i32
        %dma_wait3A_86 = arith.constant 0 : i32
        %dma_wait3A_87 = tpu.memref_slice %arg6[%dma_wait3A_85, %dma_wait3A_86] : memref<10000x8xf32, #tpu.memory_space<vmem_shared>> -> memref<10000x8xf32, #tpu.memory_space<vmem_shared>>
        tpu.wait_indirect_dma semaphore(%run_scoped3A : memref<!tpu.dma_semaphore, #tpu.memory_space<semaphore_mem>>) src(%arg8 : memref<80x8xf32, #tpu.memory_space<vmem>>) dst(%dma_wait3A_87 : memref<10000x8xf32, #tpu.memory_space<vmem_shared>>)
        tpu.yield
      }) : () -> ()
      %mul3A_58 = arith.constant 2 : i32
      %mul3A_59 = arith.muli %mul3A_58, %scan3A_33 : i32
      %add3A_60 = arith.constant 1 : i32
      %add3A_61 = arith.addi %mul3A_59, %add3A_60 : i32
      %add3A_62 = arith.addi %mul3A_2, %add3A_61 : i32
      %mul3A_63 = arith.constant 80 : i32
      %mul3A_64 = arith.muli %add3A_62, %mul3A_63 : i32
      %dma_wait3A_65 = tpu.memref_slice %arg2[%mul3A_64] : memref<320000xi32, #tpu.memory_space<hbm>> -> memref<80xi32, #tpu.memory_space<hbm>>
      %dma_wait3A_66 = tpu.memref_slice %arg2[%mul3A_64] : memref<320000xi32, #tpu.memory_space<hbm>> -> memref<80xi32, #tpu.memory_space<hbm>>
      tpu.wait_dma2 semaphore(%arg13 : memref<!tpu.dma_semaphore, #tpu.memory_space<semaphore_mem>>) src(%dma_wait3A_66 : memref<80xi32, #tpu.memory_space<hbm>>) dst(%arg9 : memref<80xi32, #tpu.memory_space<vmem>>)
      %dma_wait3A_67 = arith.constant 0 : i32
      %dma_wait3A_68 = tpu.memref_slice %arg3[%mul3A_64, %dma_wait3A_67] : memref<320000x8xf32, #tpu.memory_space<hbm>> -> memref<80x8xf32, #tpu.memory_space<hbm>>
      %dma_wait3A_69 = arith.constant 0 : i32
      %dma_wait3A_70 = tpu.memref_slice %arg3[%mul3A_64, %dma_wait3A_69] : memref<320000x8xf32, #tpu.memory_space<hbm>> -> memref<80x8xf32, #tpu.memory_space<hbm>>
      tpu.wait_dma2 semaphore(%arg13 : memref<!tpu.dma_semaphore, #tpu.memory_space<semaphore_mem>>) src(%dma_wait3A_70 : memref<80x8xf32, #tpu.memory_space<hbm>>) dst(%arg10 : memref<80x8xf32, #tpu.memory_space<vmem>>)
      %add3A_71 = arith.constant 1 : i32
      %add3A_72 = arith.addi %add3A_61, %add3A_71 : i32
      %add3A_73 = arith.addi %mul3A_2, %add3A_72 : i32
      %mul3A_74 = arith.constant 80 : i32
      %mul3A_75 = arith.muli %add3A_73, %mul3A_74 : i32
      %dma_start3A_76 = tpu.memref_slice %arg2[%mul3A_75] : memref<320000xi32, #tpu.memory_space<hbm>> -> memref<80xi32, #tpu.memory_space<hbm>>
      %dma_start3A_77 = tpu.memref_slice %arg2[%mul3A_75] : memref<320000xi32, #tpu.memory_space<hbm>> -> memref<80xi32, #tpu.memory_space<hbm>>
      tpu.enqueue_dma source(%dma_start3A_77 : memref<80xi32, #tpu.memory_space<hbm>>) target(%arg7 : memref<80xi32, #tpu.memory_space<vmem>>) target_semaphore(%arg12 : memref<!tpu.dma_semaphore, #tpu.memory_space<semaphore_mem>>)
      %dma_start3A_78 = arith.constant 0 : i32
      %dma_start3A_79 = tpu.memref_slice %arg3[%mul3A_75, %dma_start3A_78] : memref<320000x8xf32, #tpu.memory_space<hbm>> -> memref<80x8xf32, #tpu.memory_space<hbm>>
      %dma_start3A_80 = arith.constant 0 : i32
      %dma_start3A_81 = tpu.memref_slice %arg3[%mul3A_75, %dma_start3A_80] : memref<320000x8xf32, #tpu.memory_space<hbm>> -> memref<80x8xf32, #tpu.memory_space<hbm>>
      tpu.enqueue_dma source(%dma_start3A_81 : memref<80x8xf32, #tpu.memory_space<hbm>>) target(%arg8 : memref<80x8xf32, #tpu.memory_space<vmem>>) target_semaphore(%arg12 : memref<!tpu.dma_semaphore, #tpu.memory_space<semaphore_mem>>)
      "tpu.region"() ({
        %run_scoped3A = tpu.sem_alloc : memref<!tpu.dma_semaphore, #tpu.memory_space<semaphore_mem>>
        %dma_start3A_82 = arith.constant 0 : i32
        %dma_start3A_83 = arith.constant 0 : i32
        %dma_start3A_84 = tpu.memref_slice %arg6[%dma_start3A_82, %dma_start3A_83] : memref<10000x8xf32, #tpu.memory_space<vmem_shared>> -> memref<10000x8xf32, #tpu.memory_space<vmem_shared>>
        tpu.enqueue_indirect_dma source(%arg10 : memref<80x8xf32, #tpu.memory_space<vmem>>) target(%dma_start3A_84 : memref<10000x8xf32, #tpu.memory_space<vmem_shared>>) offsets(%arg9 : memref<80xi32, #tpu.memory_space<vmem>>) semaphore(%run_scoped3A : memref<!tpu.dma_semaphore, #tpu.memory_space<semaphore_mem>>) {add = true}
        %dma_wait3A_85 = arith.constant 0 : i32
        %dma_wait3A_86 = arith.constant 0 : i32
        %dma_wait3A_87 = tpu.memref_slice %arg6[%dma_wait3A_85, %dma_wait3A_86] : memref<10000x8xf32, #tpu.memory_space<vmem_shared>> -> memref<10000x8xf32, #tpu.memory_space<vmem_shared>>
        tpu.wait_indirect_dma semaphore(%run_scoped3A : memref<!tpu.dma_semaphore, #tpu.memory_space<semaphore_mem>>) src(%arg10 : memref<80x8xf32, #tpu.memory_space<vmem>>) dst(%dma_wait3A_87 : memref<10000x8xf32, #tpu.memory_space<vmem_shared>>)
        tpu.yield
      }) : () -> ()
    }
    %scan3A_18 = arith.constant 62 : i32
    %add3A_19 = arith.constant 124 : i32
    %add3A_20 = arith.addi %mul3A_2, %add3A_19 : i32
    %mul3A_21 = arith.constant 80 : i32
    %mul3A_22 = arith.muli %add3A_20, %mul3A_21 : i32
    %dma_wait3A = tpu.memref_slice %arg2[%mul3A_22] : memref<320000xi32, #tpu.memory_space<hbm>> -> memref<80xi32, #tpu.memory_space<hbm>>
    %dma_wait3A_23 = tpu.memref_slice %arg2[%mul3A_22] : memref<320000xi32, #tpu.memory_space<hbm>> -> memref<80xi32, #tpu.memory_space<hbm>>
    tpu.wait_dma2 semaphore(%arg12 : memref<!tpu.dma_semaphore, #tpu.memory_space<semaphore_mem>>) src(%dma_wait3A_23 : memref<80xi32, #tpu.memory_space<hbm>>) dst(%arg7 : memref<80xi32, #tpu.memory_space<vmem>>)
    %dma_wait3A_24 = arith.constant 0 : i32
    %dma_wait3A_25 = tpu.memref_slice %arg3[%mul3A_22, %dma_wait3A_24] : memref<320000x8xf32, #tpu.memory_space<hbm>> -> memref<80x8xf32, #tpu.memory_space<hbm>>
    %dma_wait3A_26 = arith.constant 0 : i32
    %dma_wait3A_27 = tpu.memref_slice %arg3[%mul3A_22, %dma_wait3A_26] : memref<320000x8xf32, #tpu.memory_space<hbm>> -> memref<80x8xf32, #tpu.memory_space<hbm>>
    tpu.wait_dma2 semaphore(%arg12 : memref<!tpu.dma_semaphore, #tpu.memory_space<semaphore_mem>>) src(%dma_wait3A_27 : memref<80x8xf32, #tpu.memory_space<hbm>>) dst(%arg8 : memref<80x8xf32, #tpu.memory_space<vmem>>)
    "tpu.region"() ({
      %run_scoped3A = tpu.sem_alloc : memref<!tpu.dma_semaphore, #tpu.memory_space<semaphore_mem>>
      %dma_start3A_33 = arith.constant 0 : i32
      %dma_start3A_34 = arith.constant 0 : i32
      %dma_start3A_35 = tpu.memref_slice %arg6[%dma_start3A_33, %dma_start3A_34] : memref<10000x8xf32, #tpu.memory_space<vmem_shared>> -> memref<10000x8xf32, #tpu.memory_space<vmem_shared>>
      tpu.enqueue_indirect_dma source(%arg8 : memref<80x8xf32, #tpu.memory_space<vmem>>) target(%dma_start3A_35 : memref<10000x8xf32, #tpu.memory_space<vmem_shared>>) offsets(%arg7 : memref<80xi32, #tpu.memory_space<vmem>>) semaphore(%run_scoped3A : memref<!tpu.dma_semaphore, #tpu.memory_space<semaphore_mem>>) {add = true}
      %dma_wait3A_36 = arith.constant 0 : i32
      %dma_wait3A_37 = arith.constant 0 : i32
      %dma_wait3A_38 = tpu.memref_slice %arg6[%dma_wait3A_36, %dma_wait3A_37] : memref<10000x8xf32, #tpu.memory_space<vmem_shared>> -> memref<10000x8xf32, #tpu.memory_space<vmem_shared>>
      tpu.wait_indirect_dma semaphore(%run_scoped3A : memref<!tpu.dma_semaphore, #tpu.memory_space<semaphore_mem>>) src(%arg8 : memref<80x8xf32, #tpu.memory_space<vmem>>) dst(%dma_wait3A_38 : memref<10000x8xf32, #tpu.memory_space<vmem_shared>>)
      tpu.yield
    }) : () -> ()
    %barrier3A_28 = arith.constant 0 : index
    tpu.barrier barrier_id(%barrier3A_28)
    %lt3A = arith.constant 10 : i32
    %lt3A_29 = arith.cmpi slt, %arg1, %lt3A : i32
    %convert_element_type3A_30 = arith.extui %lt3A_29 : i1 to i32
    %cond3A_31 = arith.constant 0 : i32
    %cond3A_32 = arith.cmpi ne, %convert_element_type3A_30, %cond3A_31 : i32
    scf.if %cond3A_32 {
      %mul3A_33 = arith.constant 1000 : i32
      %mul3A_34 = arith.muli %arg1, %mul3A_33 : i32
      "tpu.region"() ({
        %run_scoped3A = tpu.sem_alloc : memref<!tpu.dma_semaphore, #tpu.memory_space<semaphore_mem>>
        %dma_start3A_37 = arith.constant 0 : i32
        %dma_start3A_38 = tpu.memref_slice %arg6[%mul3A_34, %dma_start3A_37] : memref<10000x8xf32, #tpu.memory_space<vmem_shared>> -> memref<1000x8xf32, #tpu.memory_space<vmem_shared>>
        %dma_start3A_39 = arith.constant 0 : i32
        %dma_start3A_40 = tpu.memref_slice %arg6[%mul3A_34, %dma_start3A_39] : memref<10000x8xf32, #tpu.memory_space<vmem_shared>> -> memref<1000x8xf32, #tpu.memory_space<vmem_shared>>
        tpu.enqueue_dma source(%dma_start3A_40 : memref<1000x8xf32, #tpu.memory_space<vmem_shared>>) target(%arg11 : memref<1000x8xf32, #tpu.memory_space<vmem>>) target_semaphore(%run_scoped3A : memref<!tpu.dma_semaphore, #tpu.memory_space<semaphore_mem>>)
        %dma_wait3A_41 = arith.constant 0 : i32
        %dma_wait3A_42 = tpu.memref_slice %arg6[%mul3A_34, %dma_wait3A_41] : memref<10000x8xf32, #tpu.memory_space<vmem_shared>> -> memref<1000x8xf32, #tpu.memory_space<vmem_shared>>
        %dma_wait3A_43 = arith.constant 0 : i32
        %dma_wait3A_44 = tpu.memref_slice %arg6[%mul3A_34, %dma_wait3A_43] : memref<10000x8xf32, #tpu.memory_space<vmem_shared>> -> memref<1000x8xf32, #tpu.memory_space<vmem_shared>>
        tpu.wait_dma2 semaphore(%run_scoped3A : memref<!tpu.dma_semaphore, #tpu.memory_space<semaphore_mem>>) src(%dma_wait3A_44 : memref<1000x8xf32, #tpu.memory_space<vmem_shared>>) dst(%arg11 : memref<1000x8xf32, #tpu.memory_space<vmem>>)
        tpu.yield
      }) : () -> ()
      %mul3A_35 = arith.constant 1000 : i32
      %mul3A_36 = arith.muli %arg1, %mul3A_35 : i32
      "tpu.region"() ({
        %run_scoped3A = tpu.sem_alloc : memref<!tpu.dma_semaphore, #tpu.memory_space<semaphore_mem>>
        %dma_start3A_37 = arith.constant 0 : i32
        %dma_start3A_38 = tpu.memref_slice %arg5[%arg0, %mul3A_36, %dma_start3A_37] : memref<2x10000x8xf32, #tpu.memory_space<hbm>> -> memref<1x1000x8xf32, #tpu.memory_space<hbm>>
        %dma_start3A_39 = tpu.memref_squeeze %dma_start3A_38 : memref<1x1000x8xf32, #tpu.memory_space<hbm>> -> memref<1000x8xf32, #tpu.memory_space<hbm>>
        %dma_start3A_40 = arith.constant 0 : i32
        %dma_start3A_41 = tpu.memref_slice %arg5[%arg0, %mul3A_36, %dma_start3A_40] : memref<2x10000x8xf32, #tpu.memory_space<hbm>> -> memref<1x1000x8xf32, #tpu.memory_space<hbm>>
        %dma_start3A_42 = tpu.memref_squeeze %dma_start3A_41 : memref<1x1000x8xf32, #tpu.memory_space<hbm>> -> memref<1000x8xf32, #tpu.memory_space<hbm>>
        tpu.enqueue_dma source(%arg11 : memref<1000x8xf32, #tpu.memory_space<vmem>>) target(%dma_start3A_42 : memref<1000x8xf32, #tpu.memory_space<hbm>>) target_semaphore(%run_scoped3A : memref<!tpu.dma_semaphore, #tpu.memory_space<semaphore_mem>>)
        %dma_wait3A_43 = arith.constant 0 : i32
        %dma_wait3A_44 = tpu.memref_slice %arg5[%arg0, %mul3A_36, %dma_wait3A_43] : memref<2x10000x8xf32, #tpu.memory_space<hbm>> -> memref<1x1000x8xf32, #tpu.memory_space<hbm>>
        %dma_wait3A_45 = tpu.memref_squeeze %dma_wait3A_44 : memref<1x1000x8xf32, #tpu.memory_space<hbm>> -> memref<1000x8xf32, #tpu.memory_space<hbm>>
        %dma_wait3A_46 = arith.constant 0 : i32
        %dma_wait3A_47 = tpu.memref_slice %arg5[%arg0, %mul3A_36, %dma_wait3A_46] : memref<2x10000x8xf32, #tpu.memory_space<hbm>> -> memref<1x1000x8xf32, #tpu.memory_space<hbm>>
        %dma_wait3A_48 = tpu.memref_squeeze %dma_wait3A_47 : memref<1x1000x8xf32, #tpu.memory_space<hbm>> -> memref<1000x8xf32, #tpu.memory_space<hbm>>
        tpu.wait_dma2 semaphore(%run_scoped3A : memref<!tpu.dma_semaphore, #tpu.memory_space<semaphore_mem>>) src(%arg11 : memref<1000x8xf32, #tpu.memory_space<vmem>>) dst(%dma_wait3A_48 : memref<1000x8xf32, #tpu.memory_space<hbm>>)
        tpu.yield
      }) : () -> ()
    } else {
    }
    return
  }
}

module attributes {stable_mosaic.version = 14 : i64} {
  func.func @_node_kernel(%arg0: i32, %arg1: memref<2000x128xf32, #tpu.memory_space<vmem>>, %arg2: memref<128x512xf32, #tpu.memory_space<vmem>>, %arg3: memref<1x512xf32, #tpu.memory_space<vmem>>, %arg4: memref<512x6xf32, #tpu.memory_space<vmem>>, %arg5: memref<1x6xf32, #tpu.memory_space<vmem>>, %arg6: memref<128x128xf32, #tpu.memory_space<vmem>>, %arg7: memref<2000x128xf32, #tpu.memory_space<vmem>>, %arg8: memref<2000x1xf32, #tpu.memory_space<vmem>>, %arg9: memref<2000x8xf32, #tpu.memory_space<vmem>>) attributes {dimension_semantics = [#tpu.dimension_semantics<arbitrary>], iteration_bounds = array<i64: 5>, scalar_prefetch = 0 : i64, scratch_operands = 0 : i64, tpu.core_type = #tpu.core_type<tc>, window_params = [{transform_indices = @transform_0, window_bounds = array<i64: 2000, 128>}, {pipeline_mode = #tpu.pipeline_mode<synchronous>, transform_indices = @transform_1, window_bounds = array<i64: 128, 512>}, {pipeline_mode = #tpu.pipeline_mode<synchronous>, transform_indices = @transform_2, window_bounds = array<i64: 1, 512>}, {pipeline_mode = #tpu.pipeline_mode<synchronous>, transform_indices = @transform_3, window_bounds = array<i64: 512, 6>}, {pipeline_mode = #tpu.pipeline_mode<synchronous>, transform_indices = @transform_4, window_bounds = array<i64: 1, 6>}, {pipeline_mode = #tpu.pipeline_mode<synchronous>, transform_indices = @transform_5, window_bounds = array<i64: 128, 128>}, {transform_indices = @transform_6, window_bounds = array<i64: 2000, 128>}, {transform_indices = @transform_7, window_bounds = array<i64: 2000, 1>}, {transform_indices = @transform_8, window_bounds = array<i64: 2000, 8>}]} {
    %get3A = arith.constant 0 : index
    %get3A_0 = arith.constant 0 : index
    %get3A_1 = vector.load %arg1[%get3A, %get3A_0] : memref<2000x128xf32, #tpu.memory_space<vmem>>, vector<2000x128xf32>
    %get3A_2 = arith.constant 0 : index
    %get3A_3 = arith.constant 0 : index
    %get3A_4 = vector.load %arg2[%get3A_2, %get3A_3] : memref<128x512xf32, #tpu.memory_space<vmem>>, vector<128x512xf32>
    %dot_general3A = arith.constant dense<0.000000e+00> : vector<2000x512xf32>
    %dot_general3A_5 = tpu.matmul %get3A_1, %get3A_4, %dot_general3A {dimension_numbers = #tpu.dot_dimension_numbers<[1], [0], [0], [1], [0, 0, 1, 1], [], []>, transpose_lhs_hint = false} : vector<2000x128xf32>, vector<128x512xf32>, vector<2000x512xf32> -> vector<2000x512xf32>
    %get3A_6 = arith.constant 0 : index
    %get3A_7 = arith.constant 0 : index
    %get3A_8 = vector.load %arg3[%get3A_6, %get3A_7] : memref<1x512xf32, #tpu.memory_space<vmem>>, vector<1x512xf32>
    %add3A = vector.broadcast %get3A_8 : vector<1x512xf32> to vector<2000x512xf32>
    %add3A_9 = arith.addf %dot_general3A_5, %add3A : vector<2000x512xf32>
    %max3A = arith.constant 0.000000e+00 : f32
    %max3A_10 = vector.broadcast %max3A : f32 to vector<2000x512xf32>
    %max3A_11 = arith.maximumf %add3A_9, %max3A_10 : vector<2000x512xf32>
    %get3A_12 = arith.constant 0 : index
    %get3A_13 = arith.constant 0 : index
    %get3A_14 = vector.load %arg4[%get3A_12, %get3A_13] : memref<512x6xf32, #tpu.memory_space<vmem>>, vector<512x6xf32>
    %dot_general3A_15 = arith.constant dense<0.000000e+00> : vector<2000x6xf32>
    %dot_general3A_16 = tpu.matmul %max3A_11, %get3A_14, %dot_general3A_15 {dimension_numbers = #tpu.dot_dimension_numbers<[1], [0], [0], [1], [0, 0, 1, 1], [], []>, transpose_lhs_hint = false} : vector<2000x512xf32>, vector<512x6xf32>, vector<2000x6xf32> -> vector<2000x6xf32>
    %get3A_17 = arith.constant 0 : index
    %get3A_18 = arith.constant 0 : index
    %get3A_19 = vector.load %arg5[%get3A_17, %get3A_18] : memref<1x6xf32, #tpu.memory_space<vmem>>, vector<1x6xf32>
    %add3A_20 = vector.broadcast %get3A_19 : vector<1x6xf32> to vector<2000x6xf32>
    %add3A_21 = arith.addf %dot_general3A_16, %add3A_20 : vector<2000x6xf32>
    %slice3A = vector.extract_strided_slice %add3A_21 {offsets = [0, 0], sizes = [2000, 1], strides = [1, 1]} : vector<2000x6xf32> to vector<2000x1xf32>
    %logistic3A = arith.negf %slice3A : vector<2000x1xf32>
    %logistic3A_22 = math.exp %logistic3A : vector<2000x1xf32>
    %logistic3A_23 = arith.constant 1.000000e+00 : f32
    %logistic3A_24 = vector.broadcast %logistic3A_23 : f32 to vector<2000x1xf32>
    %logistic3A_25 = arith.addf %logistic3A_24, %logistic3A_22 : vector<2000x1xf32>
    %logistic3A_26 = arith.divf %logistic3A_24, %logistic3A_25 : vector<2000x1xf32>
    %swap3A = arith.constant 0 : index
    %swap3A_27 = arith.constant 0 : index
    %swap3A_28 = vector.load %arg8[%swap3A, %swap3A_27] : memref<2000x1xf32, #tpu.memory_space<vmem>>, vector<2000x1xf32>
    tpu.vector_store %arg8[%swap3A, %swap3A_27], %logistic3A_26 {strides = array<i32>} : memref<2000x1xf32, #tpu.memory_space<vmem>>, vector<2000x1xf32>,
    %get3A_29 = arith.constant 0 : index
    %get3A_30 = arith.constant 0 : index
    %get3A_31 = vector.load %arg6[%get3A_29, %get3A_30] : memref<128x128xf32, #tpu.memory_space<vmem>>, vector<128x128xf32>
    %dot_general3A_32 = arith.constant dense<0.000000e+00> : vector<2000x128xf32>
    %dot_general3A_33 = tpu.matmul %get3A_1, %get3A_31, %dot_general3A_32 {dimension_numbers = #tpu.dot_dimension_numbers<[1], [0], [0], [1], [0, 0, 1, 1], [], []>, transpose_lhs_hint = false} : vector<2000x128xf32>, vector<128x128xf32>, vector<2000x128xf32> -> vector<2000x128xf32>
    %swap3A_34 = arith.constant 0 : index
    %swap3A_35 = arith.constant 0 : index
    %swap3A_36 = vector.load %arg7[%swap3A_34, %swap3A_35] : memref<2000x128xf32, #tpu.memory_space<vmem>>, vector<2000x128xf32>
    tpu.vector_store %arg7[%swap3A_34, %swap3A_35], %dot_general3A_33 {strides = array<i32>} : memref<2000x128xf32, #tpu.memory_space<vmem>>, vector<2000x128xf32>,
    %slice3A_37 = vector.extract_strided_slice %add3A_21 {offsets = [0, 1], sizes = [2000, 5], strides = [1, 1]} : vector<2000x6xf32> to vector<2000x5xf32>
    %broadcast_in_dim3A = arith.constant 0.000000e+00 : f32
    %broadcast_in_dim3A_38 = vector.broadcast %broadcast_in_dim3A : f32 to vector<2000x3xf32>
    %concatenate3A = tpu.concatenate %slice3A_37, %broadcast_in_dim3A_38 in 1 : vector<2000x5xf32>, vector<2000x3xf32> -> vector<2000x8xf32>
    %swap3A_39 = arith.constant 0 : index
    %swap3A_40 = arith.constant 0 : index
    %swap3A_41 = vector.load %arg9[%swap3A_39, %swap3A_40] : memref<2000x8xf32, #tpu.memory_space<vmem>>, vector<2000x8xf32>
    tpu.vector_store %arg9[%swap3A_39, %swap3A_40], %concatenate3A {strides = array<i32>} : memref<2000x8xf32, #tpu.memory_space<vmem>>, vector<2000x8xf32>,
    return
  }
  func.func @transform_0(%arg0: i32) -> (i32, i32) {
    %c0_i32 = arith.constant 0 : i32
    %c0_i32_0 = arith.constant 0 : i32
    return %arg0, %c0_i32 : i32, i32
  }
  func.func @transform_1(%arg0: i32) -> (i32, i32) {
    %c0_i32 = arith.constant 0 : i32
    %c0_i32_0 = arith.constant 0 : i32
    %c0_i32_1 = arith.constant 0 : i32
    return %c0_i32, %c0_i32_0 : i32, i32
  }
  func.func @transform_2(%arg0: i32) -> (i32, i32) {
    %c0_i32 = arith.constant 0 : i32
    %c0_i32_0 = arith.constant 0 : i32
    %c0_i32_1 = arith.constant 0 : i32
    return %c0_i32, %c0_i32_0 : i32, i32
  }
  func.func @transform_3(%arg0: i32) -> (i32, i32) {
    %c0_i32 = arith.constant 0 : i32
    %c0_i32_0 = arith.constant 0 : i32
    %c0_i32_1 = arith.constant 0 : i32
    return %c0_i32, %c0_i32_0 : i32, i32
  }
  func.func @transform_4(%arg0: i32) -> (i32, i32) {
    %c0_i32 = arith.constant 0 : i32
    %c0_i32_0 = arith.constant 0 : i32
    %c0_i32_1 = arith.constant 0 : i32
    return %c0_i32, %c0_i32_0 : i32, i32
  }
  func.func @transform_5(%arg0: i32) -> (i32, i32) {
    %c0_i32 = arith.constant 0 : i32
    %c0_i32_0 = arith.constant 0 : i32
    %c0_i32_1 = arith.constant 0 : i32
    return %c0_i32, %c0_i32_0 : i32, i32
  }
  func.func @transform_6(%arg0: i32) -> (i32, i32) {
    %c0_i32 = arith.constant 0 : i32
    %c0_i32_0 = arith.constant 0 : i32
    return %arg0, %c0_i32 : i32, i32
  }
  func.func @transform_7(%arg0: i32) -> (i32, i32) {
    %c0_i32 = arith.constant 0 : i32
    %c0_i32_0 = arith.constant 0 : i32
    return %arg0, %c0_i32 : i32, i32
  }
  func.func @transform_8(%arg0: i32) -> (i32, i32) {
    %c0_i32 = arith.constant 0 : i32
    %c0_i32_0 = arith.constant 0 : i32
    return %arg0, %c0_i32 : i32, i32
  }
}

module attributes {stable_mosaic.version = 14 : i64} {
  func.func @_edge_kernel(%arg0: i32, %arg1: memref<70x1280xf32, #tpu.memory_space<vmem>>, %arg2: memref<1280x128xf32, #tpu.memory_space<vmem>>, %arg3: memref<1280x128xf32, #tpu.memory_space<vmem>>, %arg4: memref<1x1280xf32, #tpu.memory_space<vmem>>, %arg5: memref<1x1280xf32, #tpu.memory_space<vmem>>, %arg6: memref<17x128xf32, #tpu.memory_space<vmem>>, %arg7: memref<128x128xf32, #tpu.memory_space<vmem>>, %arg8: memref<1x128xf32, #tpu.memory_space<vmem>>, %arg9: memref<1x128xf32, #tpu.memory_space<vmem>>, %arg10: memref<1x128xf32, #tpu.memory_space<vmem>>, %arg11: memref<1x128xf32, #tpu.memory_space<vmem>>, %arg12: memref<18x128xf32, #tpu.memory_space<vmem>>, %arg13: memref<128x128xf32, #tpu.memory_space<vmem>>, %arg14: memref<1x128xf32, #tpu.memory_space<vmem>>, %arg15: memref<1x128xf32, #tpu.memory_space<vmem>>, %arg16: memref<1x128xf32, #tpu.memory_space<vmem>>, %arg17: memref<1x128xf32, #tpu.memory_space<vmem>>, %arg18: memref<128x128xf32, #tpu.memory_space<vmem>>, %arg19: memref<128x128xf32, #tpu.memory_space<vmem>>, %arg20: memref<128x128xf32, #tpu.memory_space<vmem>>, %arg21: memref<1x128xf32, #tpu.memory_space<vmem>>, %arg22: memref<1x128xf32, #tpu.memory_space<vmem>>, %arg23: memref<1x128xf32, #tpu.memory_space<vmem>>, %arg24: memref<1x128xf32, #tpu.memory_space<vmem>>, %arg25: memref<128x384xf32, #tpu.memory_space<vmem>>, %arg26: memref<1x384xf32, #tpu.memory_space<vmem>>, %arg27: memref<384x7xf32, #tpu.memory_space<vmem>>, %arg28: memref<7x1xf32, #tpu.memory_space<vmem>>, %arg29: memref<1280x128xf32, #tpu.memory_space<vmem>>, %arg30: memref<8x1280xf32, #tpu.memory_space<vmem>>) attributes {dimension_semantics = [#tpu.dimension_semantics<arbitrary>], iteration_bounds = array<i64: 250>, scalar_prefetch = 0 : i64, scratch_operands = 0 : i64, tpu.core_type = #tpu.core_type<tc>, window_params = [{transform_indices = @transform_0, window_bounds = array<i64: 70, 1280>}, {transform_indices = @transform_1, window_bounds = array<i64: 1280, 128>}, {transform_indices = @transform_2, window_bounds = array<i64: 1280, 128>}, {transform_indices = @transform_3, window_bounds = array<i64: 1, 1280>}, {transform_indices = @transform_4, window_bounds = array<i64: 1, 1280>}, {pipeline_mode = #tpu.pipeline_mode<synchronous>, transform_indices = @transform_5, window_bounds = array<i64: 17, 128>}, {pipeline_mode = #tpu.pipeline_mode<synchronous>, transform_indices = @transform_6, window_bounds = array<i64: 128, 128>}, {pipeline_mode = #tpu.pipeline_mode<synchronous>, transform_indices = @transform_7, window_bounds = array<i64: 1, 128>}, {pipeline_mode = #tpu.pipeline_mode<synchronous>, transform_indices = @transform_8, window_bounds = array<i64: 1, 128>}, {pipeline_mode = #tpu.pipeline_mode<synchronous>, transform_indices = @transform_9, window_bounds = array<i64: 1, 128>}, {pipeline_mode = #tpu.pipeline_mode<synchronous>, transform_indices = @transform_10, window_bounds = array<i64: 1, 128>}, {pipeline_mode = #tpu.pipeline_mode<synchronous>, transform_indices = @transform_11, window_bounds = array<i64: 18, 128>}, {pipeline_mode = #tpu.pipeline_mode<synchronous>, transform_indices = @transform_12, window_bounds = array<i64: 128, 128>}, {pipeline_mode = #tpu.pipeline_mode<synchronous>, transform_indices = @transform_13, window_bounds = array<i64: 1, 128>}, {pipeline_mode = #tpu.pipeline_mode<synchronous>, transform_indices = @transform_14, window_bounds = array<i64: 1, 128>}, {pipeline_mode = #tpu.pipeline_mode<synchronous>, transform_indices = @transform_15, window_bounds = array<i64: 1, 128>}, {pipeline_mode = #tpu.pipeline_mode<synchronous>, transform_indices = @transform_16, window_bounds = array<i64: 1, 128>}, {pipeline_mode = #tpu.pipeline_mode<synchronous>, transform_indices = @transform_17, window_bounds = array<i64: 128, 128>}, {pipeline_mode = #tpu.pipeline_mode<synchronous>, transform_indices = @transform_18, window_bounds = array<i64: 128, 128>}, {pipeline_mode = #tpu.pipeline_mode<synchronous>, transform_indices = @transform_19, window_bounds = array<i64: 128, 128>}, {pipeline_mode = #tpu.pipeline_mode<synchronous>, transform_indices = @transform_20, window_bounds = array<i64: 1, 128>}, {pipeline_mode = #tpu.pipeline_mode<synchronous>, transform_indices = @transform_21, window_bounds = array<i64: 1, 128>}, {pipeline_mode = #tpu.pipeline_mode<synchronous>, transform_indices = @transform_22, window_bounds = array<i64: 1, 128>}, {pipeline_mode = #tpu.pipeline_mode<synchronous>, transform_indices = @transform_23, window_bounds = array<i64: 1, 128>}, {pipeline_mode = #tpu.pipeline_mode<synchronous>, transform_indices = @transform_24, window_bounds = array<i64: 128, 384>}, {pipeline_mode = #tpu.pipeline_mode<synchronous>, transform_indices = @transform_25, window_bounds = array<i64: 1, 384>}, {pipeline_mode = #tpu.pipeline_mode<synchronous>, transform_indices = @transform_26, window_bounds = array<i64: 384, 7>}, {pipeline_mode = #tpu.pipeline_mode<synchronous>, transform_indices = @transform_27, window_bounds = array<i64: 7, 1>}, {transform_indices = @transform_28, window_bounds = array<i64: 1280, 128>}, {transform_indices = @transform_29, window_bounds = array<i64: 8, 1280>}]} {
    %get3A = arith.constant 0 : index
    %get3A_0 = arith.constant 0 : index
    %get3A_1 = vector.load %arg1[%get3A, %get3A_0] : memref<70x1280xf32, #tpu.memory_space<vmem>>, vector<70x1280xf32>
    %slice3A = vector.extract_strided_slice %get3A_1 {offsets = [0, 0], sizes = [3, 1280], strides = [1, 1]} : vector<70x1280xf32> to vector<3x1280xf32>
    %slice3A_2 = vector.extract_strided_slice %get3A_1 {offsets = [3, 0], sizes = [3, 1280], strides = [1, 1]} : vector<70x1280xf32> to vector<3x1280xf32>
    %slice3A_3 = vector.extract_strided_slice %get3A_1 {offsets = [6, 0], sizes = [3, 1280], strides = [1, 1]} : vector<70x1280xf32> to vector<3x1280xf32>
    %slice3A_4 = vector.extract_strided_slice %get3A_1 {offsets = [9, 0], sizes = [18, 1280], strides = [1, 1]} : vector<70x1280xf32> to vector<18x1280xf32>
    %slice3A_5 = vector.extract_strided_slice %slice3A_4 {offsets = [0, 0], sizes = [1, 1280], strides = [1, 1]} : vector<18x1280xf32> to vector<1x1280xf32>
    %slice3A_6 = vector.extract_strided_slice %slice3A_4 {offsets = [1, 0], sizes = [1, 1280], strides = [1, 1]} : vector<18x1280xf32> to vector<1x1280xf32>
    %slice3A_7 = vector.extract_strided_slice %slice3A_4 {offsets = [2, 0], sizes = [1, 1280], strides = [1, 1]} : vector<18x1280xf32> to vector<1x1280xf32>
    %slice3A_8 = vector.extract_strided_slice %slice3A {offsets = [0, 0], sizes = [1, 1280], strides = [1, 1]} : vector<3x1280xf32> to vector<1x1280xf32>
    %mul3A = arith.mulf %slice3A_5, %slice3A_8 : vector<1x1280xf32>
    %slice3A_9 = vector.extract_strided_slice %slice3A {offsets = [1, 0], sizes = [1, 1280], strides = [1, 1]} : vector<3x1280xf32> to vector<1x1280xf32>
    %mul3A_10 = arith.mulf %slice3A_6, %slice3A_9 : vector<1x1280xf32>
    %add3A = arith.addf %mul3A, %mul3A_10 : vector<1x1280xf32>
    %slice3A_11 = vector.extract_strided_slice %slice3A {offsets = [2, 0], sizes = [1, 1280], strides = [1, 1]} : vector<3x1280xf32> to vector<1x1280xf32>
    %mul3A_12 = arith.mulf %slice3A_7, %slice3A_11 : vector<1x1280xf32>
    %add3A_13 = arith.addf %add3A, %mul3A_12 : vector<1x1280xf32>
    %slice3A_14 = vector.extract_strided_slice %slice3A_2 {offsets = [0, 0], sizes = [1, 1280], strides = [1, 1]} : vector<3x1280xf32> to vector<1x1280xf32>
    %mul3A_15 = arith.mulf %slice3A_5, %slice3A_14 : vector<1x1280xf32>
    %slice3A_16 = vector.extract_strided_slice %slice3A_2 {offsets = [1, 0], sizes = [1, 1280], strides = [1, 1]} : vector<3x1280xf32> to vector<1x1280xf32>
    %mul3A_17 = arith.mulf %slice3A_6, %slice3A_16 : vector<1x1280xf32>
    %add3A_18 = arith.addf %mul3A_15, %mul3A_17 : vector<1x1280xf32>
    %slice3A_19 = vector.extract_strided_slice %slice3A_2 {offsets = [2, 0], sizes = [1, 1280], strides = [1, 1]} : vector<3x1280xf32> to vector<1x1280xf32>
    %mul3A_20 = arith.mulf %slice3A_7, %slice3A_19 : vector<1x1280xf32>
    %add3A_21 = arith.addf %add3A_18, %mul3A_20 : vector<1x1280xf32>
    %slice3A_22 = vector.extract_strided_slice %slice3A_3 {offsets = [0, 0], sizes = [1, 1280], strides = [1, 1]} : vector<3x1280xf32> to vector<1x1280xf32>
    %mul3A_23 = arith.mulf %slice3A_5, %slice3A_22 : vector<1x1280xf32>
    %slice3A_24 = vector.extract_strided_slice %slice3A_3 {offsets = [1, 0], sizes = [1, 1280], strides = [1, 1]} : vector<3x1280xf32> to vector<1x1280xf32>
    %mul3A_25 = arith.mulf %slice3A_6, %slice3A_24 : vector<1x1280xf32>
    %add3A_26 = arith.addf %mul3A_23, %mul3A_25 : vector<1x1280xf32>
    %slice3A_27 = vector.extract_strided_slice %slice3A_3 {offsets = [2, 0], sizes = [1, 1280], strides = [1, 1]} : vector<3x1280xf32> to vector<1x1280xf32>
    %mul3A_28 = arith.mulf %slice3A_7, %slice3A_27 : vector<1x1280xf32>
    %add3A_29 = arith.addf %add3A_26, %mul3A_28 : vector<1x1280xf32>
    %slice3A_30 = vector.extract_strided_slice %slice3A_4 {offsets = [3, 0], sizes = [1, 1280], strides = [1, 1]} : vector<18x1280xf32> to vector<1x1280xf32>
    %slice3A_31 = vector.extract_strided_slice %slice3A_4 {offsets = [4, 0], sizes = [1, 1280], strides = [1, 1]} : vector<18x1280xf32> to vector<1x1280xf32>
    %slice3A_32 = vector.extract_strided_slice %slice3A_4 {offsets = [5, 0], sizes = [1, 1280], strides = [1, 1]} : vector<18x1280xf32> to vector<1x1280xf32>
    %slice3A_33 = vector.extract_strided_slice %slice3A {offsets = [0, 0], sizes = [1, 1280], strides = [1, 1]} : vector<3x1280xf32> to vector<1x1280xf32>
    %mul3A_34 = arith.mulf %slice3A_30, %slice3A_33 : vector<1x1280xf32>
    %slice3A_35 = vector.extract_strided_slice %slice3A {offsets = [1, 0], sizes = [1, 1280], strides = [1, 1]} : vector<3x1280xf32> to vector<1x1280xf32>
    %mul3A_36 = arith.mulf %slice3A_31, %slice3A_35 : vector<1x1280xf32>
    %add3A_37 = arith.addf %mul3A_34, %mul3A_36 : vector<1x1280xf32>
    %slice3A_38 = vector.extract_strided_slice %slice3A {offsets = [2, 0], sizes = [1, 1280], strides = [1, 1]} : vector<3x1280xf32> to vector<1x1280xf32>
    %mul3A_39 = arith.mulf %slice3A_32, %slice3A_38 : vector<1x1280xf32>
    %add3A_40 = arith.addf %add3A_37, %mul3A_39 : vector<1x1280xf32>
    %slice3A_41 = vector.extract_strided_slice %slice3A_2 {offsets = [0, 0], sizes = [1, 1280], strides = [1, 1]} : vector<3x1280xf32> to vector<1x1280xf32>
    %mul3A_42 = arith.mulf %slice3A_30, %slice3A_41 : vector<1x1280xf32>
    %slice3A_43 = vector.extract_strided_slice %slice3A_2 {offsets = [1, 0], sizes = [1, 1280], strides = [1, 1]} : vector<3x1280xf32> to vector<1x1280xf32>
    %mul3A_44 = arith.mulf %slice3A_31, %slice3A_43 : vector<1x1280xf32>
    %add3A_45 = arith.addf %mul3A_42, %mul3A_44 : vector<1x1280xf32>
    %slice3A_46 = vector.extract_strided_slice %slice3A_2 {offsets = [2, 0], sizes = [1, 1280], strides = [1, 1]} : vector<3x1280xf32> to vector<1x1280xf32>
    %mul3A_47 = arith.mulf %slice3A_32, %slice3A_46 : vector<1x1280xf32>
    %add3A_48 = arith.addf %add3A_45, %mul3A_47 : vector<1x1280xf32>
    %slice3A_49 = vector.extract_strided_slice %slice3A_3 {offsets = [0, 0], sizes = [1, 1280], strides = [1, 1]} : vector<3x1280xf32> to vector<1x1280xf32>
    %mul3A_50 = arith.mulf %slice3A_30, %slice3A_49 : vector<1x1280xf32>
    %slice3A_51 = vector.extract_strided_slice %slice3A_3 {offsets = [1, 0], sizes = [1, 1280], strides = [1, 1]} : vector<3x1280xf32> to vector<1x1280xf32>
    %mul3A_52 = arith.mulf %slice3A_31, %slice3A_51 : vector<1x1280xf32>
    %add3A_53 = arith.addf %mul3A_50, %mul3A_52 : vector<1x1280xf32>
    %slice3A_54 = vector.extract_strided_slice %slice3A_3 {offsets = [2, 0], sizes = [1, 1280], strides = [1, 1]} : vector<3x1280xf32> to vector<1x1280xf32>
    %mul3A_55 = arith.mulf %slice3A_32, %slice3A_54 : vector<1x1280xf32>
    %add3A_56 = arith.addf %add3A_53, %mul3A_55 : vector<1x1280xf32>
    %slice3A_57 = vector.extract_strided_slice %slice3A_4 {offsets = [6, 0], sizes = [1, 1280], strides = [1, 1]} : vector<18x1280xf32> to vector<1x1280xf32>
    %slice3A_58 = vector.extract_strided_slice %slice3A_4 {offsets = [7, 0], sizes = [1, 1280], strides = [1, 1]} : vector<18x1280xf32> to vector<1x1280xf32>
    %slice3A_59 = vector.extract_strided_slice %slice3A_4 {offsets = [8, 0], sizes = [1, 1280], strides = [1, 1]} : vector<18x1280xf32> to vector<1x1280xf32>
    %slice3A_60 = vector.extract_strided_slice %slice3A {offsets = [0, 0], sizes = [1, 1280], strides = [1, 1]} : vector<3x1280xf32> to vector<1x1280xf32>
    %mul3A_61 = arith.mulf %slice3A_57, %slice3A_60 : vector<1x1280xf32>
    %slice3A_62 = vector.extract_strided_slice %slice3A {offsets = [1, 0], sizes = [1, 1280], strides = [1, 1]} : vector<3x1280xf32> to vector<1x1280xf32>
    %mul3A_63 = arith.mulf %slice3A_58, %slice3A_62 : vector<1x1280xf32>
    %add3A_64 = arith.addf %mul3A_61, %mul3A_63 : vector<1x1280xf32>
    %slice3A_65 = vector.extract_strided_slice %slice3A {offsets = [2, 0], sizes = [1, 1280], strides = [1, 1]} : vector<3x1280xf32> to vector<1x1280xf32>
    %mul3A_66 = arith.mulf %slice3A_59, %slice3A_65 : vector<1x1280xf32>
    %add3A_67 = arith.addf %add3A_64, %mul3A_66 : vector<1x1280xf32>
    %slice3A_68 = vector.extract_strided_slice %slice3A_2 {offsets = [0, 0], sizes = [1, 1280], strides = [1, 1]} : vector<3x1280xf32> to vector<1x1280xf32>
    %mul3A_69 = arith.mulf %slice3A_57, %slice3A_68 : vector<1x1280xf32>
    %slice3A_70 = vector.extract_strided_slice %slice3A_2 {offsets = [1, 0], sizes = [1, 1280], strides = [1, 1]} : vector<3x1280xf32> to vector<1x1280xf32>
    %mul3A_71 = arith.mulf %slice3A_58, %slice3A_70 : vector<1x1280xf32>
    %add3A_72 = arith.addf %mul3A_69, %mul3A_71 : vector<1x1280xf32>
    %slice3A_73 = vector.extract_strided_slice %slice3A_2 {offsets = [2, 0], sizes = [1, 1280], strides = [1, 1]} : vector<3x1280xf32> to vector<1x1280xf32>
    %mul3A_74 = arith.mulf %slice3A_59, %slice3A_73 : vector<1x1280xf32>
    %add3A_75 = arith.addf %add3A_72, %mul3A_74 : vector<1x1280xf32>
    %slice3A_76 = vector.extract_strided_slice %slice3A_3 {offsets = [0, 0], sizes = [1, 1280], strides = [1, 1]} : vector<3x1280xf32> to vector<1x1280xf32>
    %mul3A_77 = arith.mulf %slice3A_57, %slice3A_76 : vector<1x1280xf32>
    %slice3A_78 = vector.extract_strided_slice %slice3A_3 {offsets = [1, 0], sizes = [1, 1280], strides = [1, 1]} : vector<3x1280xf32> to vector<1x1280xf32>
    %mul3A_79 = arith.mulf %slice3A_58, %slice3A_78 : vector<1x1280xf32>
    %add3A_80 = arith.addf %mul3A_77, %mul3A_79 : vector<1x1280xf32>
    %slice3A_81 = vector.extract_strided_slice %slice3A_3 {offsets = [2, 0], sizes = [1, 1280], strides = [1, 1]} : vector<3x1280xf32> to vector<1x1280xf32>
    %mul3A_82 = arith.mulf %slice3A_59, %slice3A_81 : vector<1x1280xf32>
    %add3A_83 = arith.addf %add3A_80, %mul3A_82 : vector<1x1280xf32>
    %slice3A_84 = vector.extract_strided_slice %slice3A_4 {offsets = [9, 0], sizes = [1, 1280], strides = [1, 1]} : vector<18x1280xf32> to vector<1x1280xf32>
    %slice3A_85 = vector.extract_strided_slice %slice3A_4 {offsets = [10, 0], sizes = [1, 1280], strides = [1, 1]} : vector<18x1280xf32> to vector<1x1280xf32>
    %slice3A_86 = vector.extract_strided_slice %slice3A_4 {offsets = [11, 0], sizes = [1, 1280], strides = [1, 1]} : vector<18x1280xf32> to vector<1x1280xf32>
    %slice3A_87 = vector.extract_strided_slice %slice3A {offsets = [0, 0], sizes = [1, 1280], strides = [1, 1]} : vector<3x1280xf32> to vector<1x1280xf32>
    %mul3A_88 = arith.mulf %slice3A_84, %slice3A_87 : vector<1x1280xf32>
    %slice3A_89 = vector.extract_strided_slice %slice3A {offsets = [1, 0], sizes = [1, 1280], strides = [1, 1]} : vector<3x1280xf32> to vector<1x1280xf32>
    %mul3A_90 = arith.mulf %slice3A_85, %slice3A_89 : vector<1x1280xf32>
    %add3A_91 = arith.addf %mul3A_88, %mul3A_90 : vector<1x1280xf32>
    %slice3A_92 = vector.extract_strided_slice %slice3A {offsets = [2, 0], sizes = [1, 1280], strides = [1, 1]} : vector<3x1280xf32> to vector<1x1280xf32>
    %mul3A_93 = arith.mulf %slice3A_86, %slice3A_92 : vector<1x1280xf32>
    %add3A_94 = arith.addf %add3A_91, %mul3A_93 : vector<1x1280xf32>
    %slice3A_95 = vector.extract_strided_slice %slice3A_2 {offsets = [0, 0], sizes = [1, 1280], strides = [1, 1]} : vector<3x1280xf32> to vector<1x1280xf32>
    %mul3A_96 = arith.mulf %slice3A_84, %slice3A_95 : vector<1x1280xf32>
    %slice3A_97 = vector.extract_strided_slice %slice3A_2 {offsets = [1, 0], sizes = [1, 1280], strides = [1, 1]} : vector<3x1280xf32> to vector<1x1280xf32>
    %mul3A_98 = arith.mulf %slice3A_85, %slice3A_97 : vector<1x1280xf32>
    %add3A_99 = arith.addf %mul3A_96, %mul3A_98 : vector<1x1280xf32>
    %slice3A_100 = vector.extract_strided_slice %slice3A_2 {offsets = [2, 0], sizes = [1, 1280], strides = [1, 1]} : vector<3x1280xf32> to vector<1x1280xf32>
    %mul3A_101 = arith.mulf %slice3A_86, %slice3A_100 : vector<1x1280xf32>
    %add3A_102 = arith.addf %add3A_99, %mul3A_101 : vector<1x1280xf32>
    %slice3A_103 = vector.extract_strided_slice %slice3A_3 {offsets = [0, 0], sizes = [1, 1280], strides = [1, 1]} : vector<3x1280xf32> to vector<1x1280xf32>
    %mul3A_104 = arith.mulf %slice3A_84, %slice3A_103 : vector<1x1280xf32>
    %slice3A_105 = vector.extract_strided_slice %slice3A_3 {offsets = [1, 0], sizes = [1, 1280], strides = [1, 1]} : vector<3x1280xf32> to vector<1x1280xf32>
    %mul3A_106 = arith.mulf %slice3A_85, %slice3A_105 : vector<1x1280xf32>
    %add3A_107 = arith.addf %mul3A_104, %mul3A_106 : vector<1x1280xf32>
    %slice3A_108 = vector.extract_strided_slice %slice3A_3 {offsets = [2, 0], sizes = [1, 1280], strides = [1, 1]} : vector<3x1280xf32> to vector<1x1280xf32>
    %mul3A_109 = arith.mulf %slice3A_86, %slice3A_108 : vector<1x1280xf32>
    %add3A_110 = arith.addf %add3A_107, %mul3A_109 : vector<1x1280xf32>
    %slice3A_111 = vector.extract_strided_slice %slice3A_4 {offsets = [12, 0], sizes = [1, 1280], strides = [1, 1]} : vector<18x1280xf32> to vector<1x1280xf32>
    %slice3A_112 = vector.extract_strided_slice %slice3A_4 {offsets = [13, 0], sizes = [1, 1280], strides = [1, 1]} : vector<18x1280xf32> to vector<1x1280xf32>
    %slice3A_113 = vector.extract_strided_slice %slice3A_4 {offsets = [14, 0], sizes = [1, 1280], strides = [1, 1]} : vector<18x1280xf32> to vector<1x1280xf32>
    %slice3A_114 = vector.extract_strided_slice %slice3A {offsets = [0, 0], sizes = [1, 1280], strides = [1, 1]} : vector<3x1280xf32> to vector<1x1280xf32>
    %mul3A_115 = arith.mulf %slice3A_111, %slice3A_114 : vector<1x1280xf32>
    %slice3A_116 = vector.extract_strided_slice %slice3A {offsets = [1, 0], sizes = [1, 1280], strides = [1, 1]} : vector<3x1280xf32> to vector<1x1280xf32>
    %mul3A_117 = arith.mulf %slice3A_112, %slice3A_116 : vector<1x1280xf32>
    %add3A_118 = arith.addf %mul3A_115, %mul3A_117 : vector<1x1280xf32>
    %slice3A_119 = vector.extract_strided_slice %slice3A {offsets = [2, 0], sizes = [1, 1280], strides = [1, 1]} : vector<3x1280xf32> to vector<1x1280xf32>
    %mul3A_120 = arith.mulf %slice3A_113, %slice3A_119 : vector<1x1280xf32>
    %add3A_121 = arith.addf %add3A_118, %mul3A_120 : vector<1x1280xf32>
    %slice3A_122 = vector.extract_strided_slice %slice3A_2 {offsets = [0, 0], sizes = [1, 1280], strides = [1, 1]} : vector<3x1280xf32> to vector<1x1280xf32>
    %mul3A_123 = arith.mulf %slice3A_111, %slice3A_122 : vector<1x1280xf32>
    %slice3A_124 = vector.extract_strided_slice %slice3A_2 {offsets = [1, 0], sizes = [1, 1280], strides = [1, 1]} : vector<3x1280xf32> to vector<1x1280xf32>
    %mul3A_125 = arith.mulf %slice3A_112, %slice3A_124 : vector<1x1280xf32>
    %add3A_126 = arith.addf %mul3A_123, %mul3A_125 : vector<1x1280xf32>
    %slice3A_127 = vector.extract_strided_slice %slice3A_2 {offsets = [2, 0], sizes = [1, 1280], strides = [1, 1]} : vector<3x1280xf32> to vector<1x1280xf32>
    %mul3A_128 = arith.mulf %slice3A_113, %slice3A_127 : vector<1x1280xf32>
    %add3A_129 = arith.addf %add3A_126, %mul3A_128 : vector<1x1280xf32>
    %slice3A_130 = vector.extract_strided_slice %slice3A_3 {offsets = [0, 0], sizes = [1, 1280], strides = [1, 1]} : vector<3x1280xf32> to vector<1x1280xf32>
    %mul3A_131 = arith.mulf %slice3A_111, %slice3A_130 : vector<1x1280xf32>
    %slice3A_132 = vector.extract_strided_slice %slice3A_3 {offsets = [1, 0], sizes = [1, 1280], strides = [1, 1]} : vector<3x1280xf32> to vector<1x1280xf32>
    %mul3A_133 = arith.mulf %slice3A_112, %slice3A_132 : vector<1x1280xf32>
    %add3A_134 = arith.addf %mul3A_131, %mul3A_133 : vector<1x1280xf32>
    %slice3A_135 = vector.extract_strided_slice %slice3A_3 {offsets = [2, 0], sizes = [1, 1280], strides = [1, 1]} : vector<3x1280xf32> to vector<1x1280xf32>
    %mul3A_136 = arith.mulf %slice3A_113, %slice3A_135 : vector<1x1280xf32>
    %add3A_137 = arith.addf %add3A_134, %mul3A_136 : vector<1x1280xf32>
    %slice3A_138 = vector.extract_strided_slice %slice3A_4 {offsets = [15, 0], sizes = [1, 1280], strides = [1, 1]} : vector<18x1280xf32> to vector<1x1280xf32>
    %slice3A_139 = vector.extract_strided_slice %slice3A_4 {offsets = [16, 0], sizes = [1, 1280], strides = [1, 1]} : vector<18x1280xf32> to vector<1x1280xf32>
    %slice3A_140 = vector.extract_strided_slice %slice3A_4 {offsets = [17, 0], sizes = [1, 1280], strides = [1, 1]} : vector<18x1280xf32> to vector<1x1280xf32>
    %slice3A_141 = vector.extract_strided_slice %slice3A {offsets = [0, 0], sizes = [1, 1280], strides = [1, 1]} : vector<3x1280xf32> to vector<1x1280xf32>
    %mul3A_142 = arith.mulf %slice3A_138, %slice3A_141 : vector<1x1280xf32>
    %slice3A_143 = vector.extract_strided_slice %slice3A {offsets = [1, 0], sizes = [1, 1280], strides = [1, 1]} : vector<3x1280xf32> to vector<1x1280xf32>
    %mul3A_144 = arith.mulf %slice3A_139, %slice3A_143 : vector<1x1280xf32>
    %add3A_145 = arith.addf %mul3A_142, %mul3A_144 : vector<1x1280xf32>
    %slice3A_146 = vector.extract_strided_slice %slice3A {offsets = [2, 0], sizes = [1, 1280], strides = [1, 1]} : vector<3x1280xf32> to vector<1x1280xf32>
    %mul3A_147 = arith.mulf %slice3A_140, %slice3A_146 : vector<1x1280xf32>
    %add3A_148 = arith.addf %add3A_145, %mul3A_147 : vector<1x1280xf32>
    %slice3A_149 = vector.extract_strided_slice %slice3A_2 {offsets = [0, 0], sizes = [1, 1280], strides = [1, 1]} : vector<3x1280xf32> to vector<1x1280xf32>
    %mul3A_150 = arith.mulf %slice3A_138, %slice3A_149 : vector<1x1280xf32>
    %slice3A_151 = vector.extract_strided_slice %slice3A_2 {offsets = [1, 0], sizes = [1, 1280], strides = [1, 1]} : vector<3x1280xf32> to vector<1x1280xf32>
    %mul3A_152 = arith.mulf %slice3A_139, %slice3A_151 : vector<1x1280xf32>
    %add3A_153 = arith.addf %mul3A_150, %mul3A_152 : vector<1x1280xf32>
    %slice3A_154 = vector.extract_strided_slice %slice3A_2 {offsets = [2, 0], sizes = [1, 1280], strides = [1, 1]} : vector<3x1280xf32> to vector<1x1280xf32>
    %mul3A_155 = arith.mulf %slice3A_140, %slice3A_154 : vector<1x1280xf32>
    %add3A_156 = arith.addf %add3A_153, %mul3A_155 : vector<1x1280xf32>
    %slice3A_157 = vector.extract_strided_slice %slice3A_3 {offsets = [0, 0], sizes = [1, 1280], strides = [1, 1]} : vector<3x1280xf32> to vector<1x1280xf32>
    %mul3A_158 = arith.mulf %slice3A_138, %slice3A_157 : vector<1x1280xf32>
    %slice3A_159 = vector.extract_strided_slice %slice3A_3 {offsets = [1, 0], sizes = [1, 1280], strides = [1, 1]} : vector<3x1280xf32> to vector<1x1280xf32>
    %mul3A_160 = arith.mulf %slice3A_139, %slice3A_159 : vector<1x1280xf32>
    %add3A_161 = arith.addf %mul3A_158, %mul3A_160 : vector<1x1280xf32>
    %slice3A_162 = vector.extract_strided_slice %slice3A_3 {offsets = [2, 0], sizes = [1, 1280], strides = [1, 1]} : vector<3x1280xf32> to vector<1x1280xf32>
    %mul3A_163 = arith.mulf %slice3A_140, %slice3A_162 : vector<1x1280xf32>
    %add3A_164 = arith.addf %add3A_161, %mul3A_163 : vector<1x1280xf32>
    %concatenate3A = tpu.concatenate %add3A_13, %add3A_21, %add3A_29, %add3A_40, %add3A_48, %add3A_56, %add3A_67, %add3A_75, %add3A_83, %add3A_94, %add3A_102, %add3A_110, %add3A_121, %add3A_129, %add3A_137, %add3A_148, %add3A_156, %add3A_164 in 0 : vector<1x1280xf32>, vector<1x1280xf32>, vector<1x1280xf32>, vector<1x1280xf32>, vector<1x1280xf32>, vector<1x1280xf32>, vector<1x1280xf32>, vector<1x1280xf32>, vector<1x1280xf32>, vector<1x1280xf32>, vector<1x1280xf32>, vector<1x1280xf32>, vector<1x1280xf32>, vector<1x1280xf32>, vector<1x1280xf32>, vector<1x1280xf32>, vector<1x1280xf32>, vector<1x1280xf32> -> vector<18x1280xf32>
    %slice3A_165 = vector.extract_strided_slice %get3A_1 {offsets = [27, 0], sizes = [18, 1280], strides = [1, 1]} : vector<70x1280xf32> to vector<18x1280xf32>
    %slice3A_166 = vector.extract_strided_slice %slice3A_165 {offsets = [0, 0], sizes = [1, 1280], strides = [1, 1]} : vector<18x1280xf32> to vector<1x1280xf32>
    %slice3A_167 = vector.extract_strided_slice %slice3A_165 {offsets = [1, 0], sizes = [1, 1280], strides = [1, 1]} : vector<18x1280xf32> to vector<1x1280xf32>
    %slice3A_168 = vector.extract_strided_slice %slice3A_165 {offsets = [2, 0], sizes = [1, 1280], strides = [1, 1]} : vector<18x1280xf32> to vector<1x1280xf32>
    %slice3A_169 = vector.extract_strided_slice %slice3A {offsets = [0, 0], sizes = [1, 1280], strides = [1, 1]} : vector<3x1280xf32> to vector<1x1280xf32>
    %mul3A_170 = arith.mulf %slice3A_166, %slice3A_169 : vector<1x1280xf32>
    %slice3A_171 = vector.extract_strided_slice %slice3A {offsets = [1, 0], sizes = [1, 1280], strides = [1, 1]} : vector<3x1280xf32> to vector<1x1280xf32>
    %mul3A_172 = arith.mulf %slice3A_167, %slice3A_171 : vector<1x1280xf32>
    %add3A_173 = arith.addf %mul3A_170, %mul3A_172 : vector<1x1280xf32>
    %slice3A_174 = vector.extract_strided_slice %slice3A {offsets = [2, 0], sizes = [1, 1280], strides = [1, 1]} : vector<3x1280xf32> to vector<1x1280xf32>
    %mul3A_175 = arith.mulf %slice3A_168, %slice3A_174 : vector<1x1280xf32>
    %add3A_176 = arith.addf %add3A_173, %mul3A_175 : vector<1x1280xf32>
    %mul3A_177 = arith.constant -1.000000e+00 : f32
    %mul3A_178 = vector.broadcast %mul3A_177 : f32 to vector<1x1280xf32>
    %mul3A_179 = arith.mulf %add3A_176, %mul3A_178 : vector<1x1280xf32>
    %slice3A_180 = vector.extract_strided_slice %slice3A_2 {offsets = [0, 0], sizes = [1, 1280], strides = [1, 1]} : vector<3x1280xf32> to vector<1x1280xf32>
    %mul3A_181 = arith.mulf %slice3A_166, %slice3A_180 : vector<1x1280xf32>
    %slice3A_182 = vector.extract_strided_slice %slice3A_2 {offsets = [1, 0], sizes = [1, 1280], strides = [1, 1]} : vector<3x1280xf32> to vector<1x1280xf32>
    %mul3A_183 = arith.mulf %slice3A_167, %slice3A_182 : vector<1x1280xf32>
    %add3A_184 = arith.addf %mul3A_181, %mul3A_183 : vector<1x1280xf32>
    %slice3A_185 = vector.extract_strided_slice %slice3A_2 {offsets = [2, 0], sizes = [1, 1280], strides = [1, 1]} : vector<3x1280xf32> to vector<1x1280xf32>
    %mul3A_186 = arith.mulf %slice3A_168, %slice3A_185 : vector<1x1280xf32>
    %add3A_187 = arith.addf %add3A_184, %mul3A_186 : vector<1x1280xf32>
    %mul3A_188 = arith.constant -1.000000e+00 : f32
    %mul3A_189 = vector.broadcast %mul3A_188 : f32 to vector<1x1280xf32>
    %mul3A_190 = arith.mulf %add3A_187, %mul3A_189 : vector<1x1280xf32>
    %slice3A_191 = vector.extract_strided_slice %slice3A_3 {offsets = [0, 0], sizes = [1, 1280], strides = [1, 1]} : vector<3x1280xf32> to vector<1x1280xf32>
    %mul3A_192 = arith.mulf %slice3A_166, %slice3A_191 : vector<1x1280xf32>
    %slice3A_193 = vector.extract_strided_slice %slice3A_3 {offsets = [1, 0], sizes = [1, 1280], strides = [1, 1]} : vector<3x1280xf32> to vector<1x1280xf32>
    %mul3A_194 = arith.mulf %slice3A_167, %slice3A_193 : vector<1x1280xf32>
    %add3A_195 = arith.addf %mul3A_192, %mul3A_194 : vector<1x1280xf32>
    %slice3A_196 = vector.extract_strided_slice %slice3A_3 {offsets = [2, 0], sizes = [1, 1280], strides = [1, 1]} : vector<3x1280xf32> to vector<1x1280xf32>
    %mul3A_197 = arith.mulf %slice3A_168, %slice3A_196 : vector<1x1280xf32>
    %add3A_198 = arith.addf %add3A_195, %mul3A_197 : vector<1x1280xf32>
    %mul3A_199 = arith.constant -1.000000e+00 : f32
    %mul3A_200 = vector.broadcast %mul3A_199 : f32 to vector<1x1280xf32>
    %mul3A_201 = arith.mulf %add3A_198, %mul3A_200 : vector<1x1280xf32>
    %slice3A_202 = vector.extract_strided_slice %slice3A_165 {offsets = [3, 0], sizes = [1, 1280], strides = [1, 1]} : vector<18x1280xf32> to vector<1x1280xf32>
    %slice3A_203 = vector.extract_strided_slice %slice3A_165 {offsets = [4, 0], sizes = [1, 1280], strides = [1, 1]} : vector<18x1280xf32> to vector<1x1280xf32>
    %slice3A_204 = vector.extract_strided_slice %slice3A_165 {offsets = [5, 0], sizes = [1, 1280], strides = [1, 1]} : vector<18x1280xf32> to vector<1x1280xf32>
    %slice3A_205 = vector.extract_strided_slice %slice3A {offsets = [0, 0], sizes = [1, 1280], strides = [1, 1]} : vector<3x1280xf32> to vector<1x1280xf32>
    %mul3A_206 = arith.mulf %slice3A_202, %slice3A_205 : vector<1x1280xf32>
    %slice3A_207 = vector.extract_strided_slice %slice3A {offsets = [1, 0], sizes = [1, 1280], strides = [1, 1]} : vector<3x1280xf32> to vector<1x1280xf32>
    %mul3A_208 = arith.mulf %slice3A_203, %slice3A_207 : vector<1x1280xf32>
    %add3A_209 = arith.addf %mul3A_206, %mul3A_208 : vector<1x1280xf32>
    %slice3A_210 = vector.extract_strided_slice %slice3A {offsets = [2, 0], sizes = [1, 1280], strides = [1, 1]} : vector<3x1280xf32> to vector<1x1280xf32>
    %mul3A_211 = arith.mulf %slice3A_204, %slice3A_210 : vector<1x1280xf32>
    %add3A_212 = arith.addf %add3A_209, %mul3A_211 : vector<1x1280xf32>
    %mul3A_213 = arith.constant -1.000000e+00 : f32
    %mul3A_214 = vector.broadcast %mul3A_213 : f32 to vector<1x1280xf32>
    %mul3A_215 = arith.mulf %add3A_212, %mul3A_214 : vector<1x1280xf32>
    %slice3A_216 = vector.extract_strided_slice %slice3A_2 {offsets = [0, 0], sizes = [1, 1280], strides = [1, 1]} : vector<3x1280xf32> to vector<1x1280xf32>
    %mul3A_217 = arith.mulf %slice3A_202, %slice3A_216 : vector<1x1280xf32>
    %slice3A_218 = vector.extract_strided_slice %slice3A_2 {offsets = [1, 0], sizes = [1, 1280], strides = [1, 1]} : vector<3x1280xf32> to vector<1x1280xf32>
    %mul3A_219 = arith.mulf %slice3A_203, %slice3A_218 : vector<1x1280xf32>
    %add3A_220 = arith.addf %mul3A_217, %mul3A_219 : vector<1x1280xf32>
    %slice3A_221 = vector.extract_strided_slice %slice3A_2 {offsets = [2, 0], sizes = [1, 1280], strides = [1, 1]} : vector<3x1280xf32> to vector<1x1280xf32>
    %mul3A_222 = arith.mulf %slice3A_204, %slice3A_221 : vector<1x1280xf32>
    %add3A_223 = arith.addf %add3A_220, %mul3A_222 : vector<1x1280xf32>
    %mul3A_224 = arith.constant -1.000000e+00 : f32
    %mul3A_225 = vector.broadcast %mul3A_224 : f32 to vector<1x1280xf32>
    %mul3A_226 = arith.mulf %add3A_223, %mul3A_225 : vector<1x1280xf32>
    %slice3A_227 = vector.extract_strided_slice %slice3A_3 {offsets = [0, 0], sizes = [1, 1280], strides = [1, 1]} : vector<3x1280xf32> to vector<1x1280xf32>
    %mul3A_228 = arith.mulf %slice3A_202, %slice3A_227 : vector<1x1280xf32>
    %slice3A_229 = vector.extract_strided_slice %slice3A_3 {offsets = [1, 0], sizes = [1, 1280], strides = [1, 1]} : vector<3x1280xf32> to vector<1x1280xf32>
    %mul3A_230 = arith.mulf %slice3A_203, %slice3A_229 : vector<1x1280xf32>
    %add3A_231 = arith.addf %mul3A_228, %mul3A_230 : vector<1x1280xf32>
    %slice3A_232 = vector.extract_strided_slice %slice3A_3 {offsets = [2, 0], sizes = [1, 1280], strides = [1, 1]} : vector<3x1280xf32> to vector<1x1280xf32>
    %mul3A_233 = arith.mulf %slice3A_204, %slice3A_232 : vector<1x1280xf32>
    %add3A_234 = arith.addf %add3A_231, %mul3A_233 : vector<1x1280xf32>
    %mul3A_235 = arith.constant -1.000000e+00 : f32
    %mul3A_236 = vector.broadcast %mul3A_235 : f32 to vector<1x1280xf32>
    %mul3A_237 = arith.mulf %add3A_234, %mul3A_236 : vector<1x1280xf32>
    %slice3A_238 = vector.extract_strided_slice %slice3A_165 {offsets = [6, 0], sizes = [1, 1280], strides = [1, 1]} : vector<18x1280xf32> to vector<1x1280xf32>
    %slice3A_239 = vector.extract_strided_slice %slice3A_165 {offsets = [7, 0], sizes = [1, 1280], strides = [1, 1]} : vector<18x1280xf32> to vector<1x1280xf32>
    %slice3A_240 = vector.extract_strided_slice %slice3A_165 {offsets = [8, 0], sizes = [1, 1280], strides = [1, 1]} : vector<18x1280xf32> to vector<1x1280xf32>
    %slice3A_241 = vector.extract_strided_slice %slice3A {offsets = [0, 0], sizes = [1, 1280], strides = [1, 1]} : vector<3x1280xf32> to vector<1x1280xf32>
    %mul3A_242 = arith.mulf %slice3A_238, %slice3A_241 : vector<1x1280xf32>
    %slice3A_243 = vector.extract_strided_slice %slice3A {offsets = [1, 0], sizes = [1, 1280], strides = [1, 1]} : vector<3x1280xf32> to vector<1x1280xf32>
    %mul3A_244 = arith.mulf %slice3A_239, %slice3A_243 : vector<1x1280xf32>
    %add3A_245 = arith.addf %mul3A_242, %mul3A_244 : vector<1x1280xf32>
    %slice3A_246 = vector.extract_strided_slice %slice3A {offsets = [2, 0], sizes = [1, 1280], strides = [1, 1]} : vector<3x1280xf32> to vector<1x1280xf32>
    %mul3A_247 = arith.mulf %slice3A_240, %slice3A_246 : vector<1x1280xf32>
    %add3A_248 = arith.addf %add3A_245, %mul3A_247 : vector<1x1280xf32>
    %mul3A_249 = arith.constant -1.000000e+00 : f32
    %mul3A_250 = vector.broadcast %mul3A_249 : f32 to vector<1x1280xf32>
    %mul3A_251 = arith.mulf %add3A_248, %mul3A_250 : vector<1x1280xf32>
    %slice3A_252 = vector.extract_strided_slice %slice3A_2 {offsets = [0, 0], sizes = [1, 1280], strides = [1, 1]} : vector<3x1280xf32> to vector<1x1280xf32>
    %mul3A_253 = arith.mulf %slice3A_238, %slice3A_252 : vector<1x1280xf32>
    %slice3A_254 = vector.extract_strided_slice %slice3A_2 {offsets = [1, 0], sizes = [1, 1280], strides = [1, 1]} : vector<3x1280xf32> to vector<1x1280xf32>
    %mul3A_255 = arith.mulf %slice3A_239, %slice3A_254 : vector<1x1280xf32>
    %add3A_256 = arith.addf %mul3A_253, %mul3A_255 : vector<1x1280xf32>
    %slice3A_257 = vector.extract_strided_slice %slice3A_2 {offsets = [2, 0], sizes = [1, 1280], strides = [1, 1]} : vector<3x1280xf32> to vector<1x1280xf32>
    %mul3A_258 = arith.mulf %slice3A_240, %slice3A_257 : vector<1x1280xf32>
    %add3A_259 = arith.addf %add3A_256, %mul3A_258 : vector<1x1280xf32>
    %mul3A_260 = arith.constant -1.000000e+00 : f32
    %mul3A_261 = vector.broadcast %mul3A_260 : f32 to vector<1x1280xf32>
    %mul3A_262 = arith.mulf %add3A_259, %mul3A_261 : vector<1x1280xf32>
    %slice3A_263 = vector.extract_strided_slice %slice3A_3 {offsets = [0, 0], sizes = [1, 1280], strides = [1, 1]} : vector<3x1280xf32> to vector<1x1280xf32>
    %mul3A_264 = arith.mulf %slice3A_238, %slice3A_263 : vector<1x1280xf32>
    %slice3A_265 = vector.extract_strided_slice %slice3A_3 {offsets = [1, 0], sizes = [1, 1280], strides = [1, 1]} : vector<3x1280xf32> to vector<1x1280xf32>
    %mul3A_266 = arith.mulf %slice3A_239, %slice3A_265 : vector<1x1280xf32>
    %add3A_267 = arith.addf %mul3A_264, %mul3A_266 : vector<1x1280xf32>
    %slice3A_268 = vector.extract_strided_slice %slice3A_3 {offsets = [2, 0], sizes = [1, 1280], strides = [1, 1]} : vector<3x1280xf32> to vector<1x1280xf32>
    %mul3A_269 = arith.mulf %slice3A_240, %slice3A_268 : vector<1x1280xf32>
    %add3A_270 = arith.addf %add3A_267, %mul3A_269 : vector<1x1280xf32>
    %mul3A_271 = arith.constant -1.000000e+00 : f32
    %mul3A_272 = vector.broadcast %mul3A_271 : f32 to vector<1x1280xf32>
    %mul3A_273 = arith.mulf %add3A_270, %mul3A_272 : vector<1x1280xf32>
    %slice3A_274 = vector.extract_strided_slice %slice3A_165 {offsets = [9, 0], sizes = [1, 1280], strides = [1, 1]} : vector<18x1280xf32> to vector<1x1280xf32>
    %slice3A_275 = vector.extract_strided_slice %slice3A_165 {offsets = [10, 0], sizes = [1, 1280], strides = [1, 1]} : vector<18x1280xf32> to vector<1x1280xf32>
    %slice3A_276 = vector.extract_strided_slice %slice3A_165 {offsets = [11, 0], sizes = [1, 1280], strides = [1, 1]} : vector<18x1280xf32> to vector<1x1280xf32>
    %slice3A_277 = vector.extract_strided_slice %slice3A {offsets = [0, 0], sizes = [1, 1280], strides = [1, 1]} : vector<3x1280xf32> to vector<1x1280xf32>
    %mul3A_278 = arith.mulf %slice3A_274, %slice3A_277 : vector<1x1280xf32>
    %slice3A_279 = vector.extract_strided_slice %slice3A {offsets = [1, 0], sizes = [1, 1280], strides = [1, 1]} : vector<3x1280xf32> to vector<1x1280xf32>
    %mul3A_280 = arith.mulf %slice3A_275, %slice3A_279 : vector<1x1280xf32>
    %add3A_281 = arith.addf %mul3A_278, %mul3A_280 : vector<1x1280xf32>
    %slice3A_282 = vector.extract_strided_slice %slice3A {offsets = [2, 0], sizes = [1, 1280], strides = [1, 1]} : vector<3x1280xf32> to vector<1x1280xf32>
    %mul3A_283 = arith.mulf %slice3A_276, %slice3A_282 : vector<1x1280xf32>
    %add3A_284 = arith.addf %add3A_281, %mul3A_283 : vector<1x1280xf32>
    %mul3A_285 = arith.constant 1.000000e+00 : f32
    %mul3A_286 = vector.broadcast %mul3A_285 : f32 to vector<1x1280xf32>
    %mul3A_287 = arith.mulf %add3A_284, %mul3A_286 : vector<1x1280xf32>
    %slice3A_288 = vector.extract_strided_slice %slice3A_2 {offsets = [0, 0], sizes = [1, 1280], strides = [1, 1]} : vector<3x1280xf32> to vector<1x1280xf32>
    %mul3A_289 = arith.mulf %slice3A_274, %slice3A_288 : vector<1x1280xf32>
    %slice3A_290 = vector.extract_strided_slice %slice3A_2 {offsets = [1, 0], sizes = [1, 1280], strides = [1, 1]} : vector<3x1280xf32> to vector<1x1280xf32>
    %mul3A_291 = arith.mulf %slice3A_275, %slice3A_290 : vector<1x1280xf32>
    %add3A_292 = arith.addf %mul3A_289, %mul3A_291 : vector<1x1280xf32>
    %slice3A_293 = vector.extract_strided_slice %slice3A_2 {offsets = [2, 0], sizes = [1, 1280], strides = [1, 1]} : vector<3x1280xf32> to vector<1x1280xf32>
    %mul3A_294 = arith.mulf %slice3A_276, %slice3A_293 : vector<1x1280xf32>
    %add3A_295 = arith.addf %add3A_292, %mul3A_294 : vector<1x1280xf32>
    %mul3A_296 = arith.constant 1.000000e+00 : f32
    %mul3A_297 = vector.broadcast %mul3A_296 : f32 to vector<1x1280xf32>
    %mul3A_298 = arith.mulf %add3A_295, %mul3A_297 : vector<1x1280xf32>
    %slice3A_299 = vector.extract_strided_slice %slice3A_3 {offsets = [0, 0], sizes = [1, 1280], strides = [1, 1]} : vector<3x1280xf32> to vector<1x1280xf32>
    %mul3A_300 = arith.mulf %slice3A_274, %slice3A_299 : vector<1x1280xf32>
    %slice3A_301 = vector.extract_strided_slice %slice3A_3 {offsets = [1, 0], sizes = [1, 1280], strides = [1, 1]} : vector<3x1280xf32> to vector<1x1280xf32>
    %mul3A_302 = arith.mulf %slice3A_275, %slice3A_301 : vector<1x1280xf32>
    %add3A_303 = arith.addf %mul3A_300, %mul3A_302 : vector<1x1280xf32>
    %slice3A_304 = vector.extract_strided_slice %slice3A_3 {offsets = [2, 0], sizes = [1, 1280], strides = [1, 1]} : vector<3x1280xf32> to vector<1x1280xf32>
    %mul3A_305 = arith.mulf %slice3A_276, %slice3A_304 : vector<1x1280xf32>
    %add3A_306 = arith.addf %add3A_303, %mul3A_305 : vector<1x1280xf32>
    %mul3A_307 = arith.constant 1.000000e+00 : f32
    %mul3A_308 = vector.broadcast %mul3A_307 : f32 to vector<1x1280xf32>
    %mul3A_309 = arith.mulf %add3A_306, %mul3A_308 : vector<1x1280xf32>
    %slice3A_310 = vector.extract_strided_slice %slice3A_165 {offsets = [12, 0], sizes = [1, 1280], strides = [1, 1]} : vector<18x1280xf32> to vector<1x1280xf32>
    %slice3A_311 = vector.extract_strided_slice %slice3A_165 {offsets = [13, 0], sizes = [1, 1280], strides = [1, 1]} : vector<18x1280xf32> to vector<1x1280xf32>
    %slice3A_312 = vector.extract_strided_slice %slice3A_165 {offsets = [14, 0], sizes = [1, 1280], strides = [1, 1]} : vector<18x1280xf32> to vector<1x1280xf32>
    %slice3A_313 = vector.extract_strided_slice %slice3A {offsets = [0, 0], sizes = [1, 1280], strides = [1, 1]} : vector<3x1280xf32> to vector<1x1280xf32>
    %mul3A_314 = arith.mulf %slice3A_310, %slice3A_313 : vector<1x1280xf32>
    %slice3A_315 = vector.extract_strided_slice %slice3A {offsets = [1, 0], sizes = [1, 1280], strides = [1, 1]} : vector<3x1280xf32> to vector<1x1280xf32>
    %mul3A_316 = arith.mulf %slice3A_311, %slice3A_315 : vector<1x1280xf32>
    %add3A_317 = arith.addf %mul3A_314, %mul3A_316 : vector<1x1280xf32>
    %slice3A_318 = vector.extract_strided_slice %slice3A {offsets = [2, 0], sizes = [1, 1280], strides = [1, 1]} : vector<3x1280xf32> to vector<1x1280xf32>
    %mul3A_319 = arith.mulf %slice3A_312, %slice3A_318 : vector<1x1280xf32>
    %add3A_320 = arith.addf %add3A_317, %mul3A_319 : vector<1x1280xf32>
    %mul3A_321 = arith.constant -1.000000e+00 : f32
    %mul3A_322 = vector.broadcast %mul3A_321 : f32 to vector<1x1280xf32>
    %mul3A_323 = arith.mulf %add3A_320, %mul3A_322 : vector<1x1280xf32>
    %slice3A_324 = vector.extract_strided_slice %slice3A_2 {offsets = [0, 0], sizes = [1, 1280], strides = [1, 1]} : vector<3x1280xf32> to vector<1x1280xf32>
    %mul3A_325 = arith.mulf %slice3A_310, %slice3A_324 : vector<1x1280xf32>
    %slice3A_326 = vector.extract_strided_slice %slice3A_2 {offsets = [1, 0], sizes = [1, 1280], strides = [1, 1]} : vector<3x1280xf32> to vector<1x1280xf32>
    %mul3A_327 = arith.mulf %slice3A_311, %slice3A_326 : vector<1x1280xf32>
    %add3A_328 = arith.addf %mul3A_325, %mul3A_327 : vector<1x1280xf32>
    %slice3A_329 = vector.extract_strided_slice %slice3A_2 {offsets = [2, 0], sizes = [1, 1280], strides = [1, 1]} : vector<3x1280xf32> to vector<1x1280xf32>
    %mul3A_330 = arith.mulf %slice3A_312, %slice3A_329 : vector<1x1280xf32>
    %add3A_331 = arith.addf %add3A_328, %mul3A_330 : vector<1x1280xf32>
    %mul3A_332 = arith.constant -1.000000e+00 : f32
    %mul3A_333 = vector.broadcast %mul3A_332 : f32 to vector<1x1280xf32>
    %mul3A_334 = arith.mulf %add3A_331, %mul3A_333 : vector<1x1280xf32>
    %slice3A_335 = vector.extract_strided_slice %slice3A_3 {offsets = [0, 0], sizes = [1, 1280], strides = [1, 1]} : vector<3x1280xf32> to vector<1x1280xf32>
    %mul3A_336 = arith.mulf %slice3A_310, %slice3A_335 : vector<1x1280xf32>
    %slice3A_337 = vector.extract_strided_slice %slice3A_3 {offsets = [1, 0], sizes = [1, 1280], strides = [1, 1]} : vector<3x1280xf32> to vector<1x1280xf32>
    %mul3A_338 = arith.mulf %slice3A_311, %slice3A_337 : vector<1x1280xf32>
    %add3A_339 = arith.addf %mul3A_336, %mul3A_338 : vector<1x1280xf32>
    %slice3A_340 = vector.extract_strided_slice %slice3A_3 {offsets = [2, 0], sizes = [1, 1280], strides = [1, 1]} : vector<3x1280xf32> to vector<1x1280xf32>
    %mul3A_341 = arith.mulf %slice3A_312, %slice3A_340 : vector<1x1280xf32>
    %add3A_342 = arith.addf %add3A_339, %mul3A_341 : vector<1x1280xf32>
    %mul3A_343 = arith.constant -1.000000e+00 : f32
    %mul3A_344 = vector.broadcast %mul3A_343 : f32 to vector<1x1280xf32>
    %mul3A_345 = arith.mulf %add3A_342, %mul3A_344 : vector<1x1280xf32>
    %slice3A_346 = vector.extract_strided_slice %slice3A_165 {offsets = [15, 0], sizes = [1, 1280], strides = [1, 1]} : vector<18x1280xf32> to vector<1x1280xf32>
    %slice3A_347 = vector.extract_strided_slice %slice3A_165 {offsets = [16, 0], sizes = [1, 1280], strides = [1, 1]} : vector<18x1280xf32> to vector<1x1280xf32>
    %slice3A_348 = vector.extract_strided_slice %slice3A_165 {offsets = [17, 0], sizes = [1, 1280], strides = [1, 1]} : vector<18x1280xf32> to vector<1x1280xf32>
    %slice3A_349 = vector.extract_strided_slice %slice3A {offsets = [0, 0], sizes = [1, 1280], strides = [1, 1]} : vector<3x1280xf32> to vector<1x1280xf32>
    %mul3A_350 = arith.mulf %slice3A_346, %slice3A_349 : vector<1x1280xf32>
    %slice3A_351 = vector.extract_strided_slice %slice3A {offsets = [1, 0], sizes = [1, 1280], strides = [1, 1]} : vector<3x1280xf32> to vector<1x1280xf32>
    %mul3A_352 = arith.mulf %slice3A_347, %slice3A_351 : vector<1x1280xf32>
    %add3A_353 = arith.addf %mul3A_350, %mul3A_352 : vector<1x1280xf32>
    %slice3A_354 = vector.extract_strided_slice %slice3A {offsets = [2, 0], sizes = [1, 1280], strides = [1, 1]} : vector<3x1280xf32> to vector<1x1280xf32>
    %mul3A_355 = arith.mulf %slice3A_348, %slice3A_354 : vector<1x1280xf32>
    %add3A_356 = arith.addf %add3A_353, %mul3A_355 : vector<1x1280xf32>
    %mul3A_357 = arith.constant 1.000000e+00 : f32
    %mul3A_358 = vector.broadcast %mul3A_357 : f32 to vector<1x1280xf32>
    %mul3A_359 = arith.mulf %add3A_356, %mul3A_358 : vector<1x1280xf32>
    %slice3A_360 = vector.extract_strided_slice %slice3A_2 {offsets = [0, 0], sizes = [1, 1280], strides = [1, 1]} : vector<3x1280xf32> to vector<1x1280xf32>
    %mul3A_361 = arith.mulf %slice3A_346, %slice3A_360 : vector<1x1280xf32>
    %slice3A_362 = vector.extract_strided_slice %slice3A_2 {offsets = [1, 0], sizes = [1, 1280], strides = [1, 1]} : vector<3x1280xf32> to vector<1x1280xf32>
    %mul3A_363 = arith.mulf %slice3A_347, %slice3A_362 : vector<1x1280xf32>
    %add3A_364 = arith.addf %mul3A_361, %mul3A_363 : vector<1x1280xf32>
    %slice3A_365 = vector.extract_strided_slice %slice3A_2 {offsets = [2, 0], sizes = [1, 1280], strides = [1, 1]} : vector<3x1280xf32> to vector<1x1280xf32>
    %mul3A_366 = arith.mulf %slice3A_348, %slice3A_365 : vector<1x1280xf32>
    %add3A_367 = arith.addf %add3A_364, %mul3A_366 : vector<1x1280xf32>
    %mul3A_368 = arith.constant 1.000000e+00 : f32
    %mul3A_369 = vector.broadcast %mul3A_368 : f32 to vector<1x1280xf32>
    %mul3A_370 = arith.mulf %add3A_367, %mul3A_369 : vector<1x1280xf32>
    %slice3A_371 = vector.extract_strided_slice %slice3A_3 {offsets = [0, 0], sizes = [1, 1280], strides = [1, 1]} : vector<3x1280xf32> to vector<1x1280xf32>
    %mul3A_372 = arith.mulf %slice3A_346, %slice3A_371 : vector<1x1280xf32>
    %slice3A_373 = vector.extract_strided_slice %slice3A_3 {offsets = [1, 0], sizes = [1, 1280], strides = [1, 1]} : vector<3x1280xf32> to vector<1x1280xf32>
    %mul3A_374 = arith.mulf %slice3A_347, %slice3A_373 : vector<1x1280xf32>
    %add3A_375 = arith.addf %mul3A_372, %mul3A_374 : vector<1x1280xf32>
    %slice3A_376 = vector.extract_strided_slice %slice3A_3 {offsets = [2, 0], sizes = [1, 1280], strides = [1, 1]} : vector<3x1280xf32> to vector<1x1280xf32>
    %mul3A_377 = arith.mulf %slice3A_348, %slice3A_376 : vector<1x1280xf32>
    %add3A_378 = arith.addf %add3A_375, %mul3A_377 : vector<1x1280xf32>
    %mul3A_379 = arith.constant 1.000000e+00 : f32
    %mul3A_380 = vector.broadcast %mul3A_379 : f32 to vector<1x1280xf32>
    %mul3A_381 = arith.mulf %add3A_378, %mul3A_380 : vector<1x1280xf32>
    %concatenate3A_382 = tpu.concatenate %mul3A_179, %mul3A_190, %mul3A_201, %mul3A_215, %mul3A_226, %mul3A_237, %mul3A_251, %mul3A_262, %mul3A_273, %mul3A_287, %mul3A_298, %mul3A_309, %mul3A_323, %mul3A_334, %mul3A_345, %mul3A_359, %mul3A_370, %mul3A_381 in 0 : vector<1x1280xf32>, vector<1x1280xf32>, vector<1x1280xf32>, vector<1x1280xf32>, vector<1x1280xf32>, vector<1x1280xf32>, vector<1x1280xf32>, vector<1x1280xf32>, vector<1x1280xf32>, vector<1x1280xf32>, vector<1x1280xf32>, vector<1x1280xf32>, vector<1x1280xf32>, vector<1x1280xf32>, vector<1x1280xf32>, vector<1x1280xf32>, vector<1x1280xf32>, vector<1x1280xf32> -> vector<18x1280xf32>
    %slice3A_383 = vector.extract_strided_slice %get3A_1 {offsets = [45, 0], sizes = [3, 1280], strides = [1, 1]} : vector<70x1280xf32> to vector<3x1280xf32>
    %slice3A_384 = vector.extract_strided_slice %get3A_1 {offsets = [48, 0], sizes = [3, 1280], strides = [1, 1]} : vector<70x1280xf32> to vector<3x1280xf32>
    %slice3A_385 = vector.extract_strided_slice %get3A_1 {offsets = [51, 0], sizes = [3, 1280], strides = [1, 1]} : vector<70x1280xf32> to vector<3x1280xf32>
    %slice3A_386 = vector.extract_strided_slice %get3A_1 {offsets = [54, 0], sizes = [16, 1280], strides = [1, 1]} : vector<70x1280xf32> to vector<16x1280xf32>
    %slice3A_387 = vector.extract_strided_slice %slice3A_385 {offsets = [0, 0], sizes = [1, 1280], strides = [1, 1]} : vector<3x1280xf32> to vector<1x1280xf32>
    %slice3A_388 = vector.extract_strided_slice %slice3A_385 {offsets = [0, 0], sizes = [1, 1280], strides = [1, 1]} : vector<3x1280xf32> to vector<1x1280xf32>
    %mul3A_389 = arith.mulf %slice3A_387, %slice3A_388 : vector<1x1280xf32>
    %slice3A_390 = vector.extract_strided_slice %slice3A_385 {offsets = [1, 0], sizes = [1, 1280], strides = [1, 1]} : vector<3x1280xf32> to vector<1x1280xf32>
    %slice3A_391 = vector.extract_strided_slice %slice3A_385 {offsets = [1, 0], sizes = [1, 1280], strides = [1, 1]} : vector<3x1280xf32> to vector<1x1280xf32>
    %mul3A_392 = arith.mulf %slice3A_390, %slice3A_391 : vector<1x1280xf32>
    %add3A_393 = arith.addf %mul3A_389, %mul3A_392 : vector<1x1280xf32>
    %slice3A_394 = vector.extract_strided_slice %slice3A_385 {offsets = [2, 0], sizes = [1, 1280], strides = [1, 1]} : vector<3x1280xf32> to vector<1x1280xf32>
    %slice3A_395 = vector.extract_strided_slice %slice3A_385 {offsets = [2, 0], sizes = [1, 1280], strides = [1, 1]} : vector<3x1280xf32> to vector<1x1280xf32>
    %mul3A_396 = arith.mulf %slice3A_394, %slice3A_395 : vector<1x1280xf32>
    %add3A_397 = arith.addf %add3A_393, %mul3A_396 : vector<1x1280xf32>
    %sqrt3A = math.sqrt %add3A_397 : vector<1x1280xf32>
    %get3A_398 = arith.constant 0 : index
    %get3A_399 = arith.constant 0 : index
    %get3A_400 = vector.load %arg6[%get3A_398, %get3A_399] : memref<17x128xf32, #tpu.memory_space<vmem>>, vector<17x128xf32>
    %slice3A_401 = vector.extract_strided_slice %get3A_400 {offsets = [0, 0], sizes = [1, 128], strides = [1, 1]} : vector<17x128xf32> to vector<1x128xf32>
    %dot_general3A = arith.constant dense<0.000000e+00> : vector<1280x128xf32>
    %dot_general3A_402 = tpu.matmul %sqrt3A, %slice3A_401, %dot_general3A {dimension_numbers = #tpu.dot_dimension_numbers<[0], [0], [1], [1], [0, 1, 1, 1], [], []>, transpose_lhs_hint = false} : vector<1x1280xf32>, vector<1x128xf32>, vector<1280x128xf32> -> vector<1280x128xf32>
    %slice3A_403 = vector.extract_strided_slice %get3A_400 {offsets = [1, 0], sizes = [16, 128], strides = [1, 1]} : vector<17x128xf32> to vector<16x128xf32>
    %dot_general3A_404 = arith.constant dense<0.000000e+00> : vector<1280x128xf32>
    %dot_general3A_405 = tpu.matmul %slice3A_386, %slice3A_403, %dot_general3A_404 {dimension_numbers = #tpu.dot_dimension_numbers<[0], [0], [1], [1], [0, 1, 1, 1], [], []>, transpose_lhs_hint = false} : vector<16x1280xf32>, vector<16x128xf32>, vector<1280x128xf32> -> vector<1280x128xf32>
    %add3A_406 = arith.addf %dot_general3A_402, %dot_general3A_405 : vector<1280x128xf32>
    %get3A_407 = arith.constant 0 : index
    %get3A_408 = arith.constant 0 : index
    %get3A_409 = vector.load %arg8[%get3A_407, %get3A_408] : memref<1x128xf32, #tpu.memory_space<vmem>>, vector<1x128xf32>
    %add3A_410 = vector.broadcast %get3A_409 : vector<1x128xf32> to vector<1280x128xf32>
    %add3A_411 = arith.addf %add3A_406, %add3A_410 : vector<1280x128xf32>
    %max3A = arith.constant 0.000000e+00 : f32
    %max3A_412 = vector.broadcast %max3A : f32 to vector<1280x128xf32>
    %max3A_413 = arith.maximumf %add3A_411, %max3A_412 : vector<1280x128xf32>
    %get3A_414 = arith.constant 0 : index
    %get3A_415 = arith.constant 0 : index
    %get3A_416 = vector.load %arg7[%get3A_414, %get3A_415] : memref<128x128xf32, #tpu.memory_space<vmem>>, vector<128x128xf32>
    %dot_general3A_417 = arith.constant dense<0.000000e+00> : vector<1280x128xf32>
    %dot_general3A_418 = tpu.matmul %max3A_413, %get3A_416, %dot_general3A_417 {dimension_numbers = #tpu.dot_dimension_numbers<[1], [0], [0], [1], [0, 0, 1, 1], [], []>, transpose_lhs_hint = false} : vector<1280x128xf32>, vector<128x128xf32>, vector<1280x128xf32> -> vector<1280x128xf32>
    %get3A_419 = arith.constant 0 : index
    %get3A_420 = arith.constant 0 : index
    %get3A_421 = vector.load %arg9[%get3A_419, %get3A_420] : memref<1x128xf32, #tpu.memory_space<vmem>>, vector<1x128xf32>
    %add3A_422 = vector.broadcast %get3A_421 : vector<1x128xf32> to vector<1280x128xf32>
    %add3A_423 = arith.addf %dot_general3A_418, %add3A_422 : vector<1280x128xf32>
    %get3A_424 = arith.constant 0 : index
    %get3A_425 = arith.constant 0 : index
    %get3A_426 = vector.load %arg10[%get3A_424, %get3A_425] : memref<1x128xf32, #tpu.memory_space<vmem>>, vector<1x128xf32>
    %get3A_427 = arith.constant 0 : index
    %get3A_428 = arith.constant 0 : index
    %get3A_429 = vector.load %arg11[%get3A_427, %get3A_428] : memref<1x128xf32, #tpu.memory_space<vmem>>, vector<1x128xf32>
    %reduce_sum3A = arith.constant dense<0.000000e+00> : vector<1280xf32>
    %reduce_sum3A_430 = vector.multi_reduction <add>, %add3A_423, %reduce_sum3A [1] : vector<1280x128xf32> to vector<1280xf32>
    %broadcast_in_dim3A = vector.shape_cast %reduce_sum3A_430 : vector<1280xf32> to vector<1280x1xf32>
    %div3A = arith.constant 1.280000e+02 : f32
    %div3A_431 = vector.broadcast %div3A : f32 to vector<1280x1xf32>
    %div3A_432 = arith.divf %broadcast_in_dim3A, %div3A_431 : vector<1280x1xf32>
    %sub3A = vector.broadcast %div3A_432 : vector<1280x1xf32> to vector<1280x128xf32>
    %sub3A_433 = arith.subf %add3A_423, %sub3A : vector<1280x128xf32>
    %mul3A_434 = arith.mulf %sub3A_433, %sub3A_433 : vector<1280x128xf32>
    %reduce_sum3A_435 = arith.constant dense<0.000000e+00> : vector<1280xf32>
    %reduce_sum3A_436 = vector.multi_reduction <add>, %mul3A_434, %reduce_sum3A_435 [1] : vector<1280x128xf32> to vector<1280xf32>
    %broadcast_in_dim3A_437 = vector.shape_cast %reduce_sum3A_436 : vector<1280xf32> to vector<1280x1xf32>
    %div3A_438 = arith.constant 1.280000e+02 : f32
    %div3A_439 = vector.broadcast %div3A_438 : f32 to vector<1280x1xf32>
    %div3A_440 = arith.divf %broadcast_in_dim3A_437, %div3A_439 : vector<1280x1xf32>
    %add3A_441 = arith.constant 9.99999974E-6 : f32
    %add3A_442 = vector.broadcast %add3A_441 : f32 to vector<1280x1xf32>
    %add3A_443 = arith.addf %div3A_440, %add3A_442 : vector<1280x1xf32>
    %rsqrt3A = math.rsqrt %add3A_443 : vector<1280x1xf32>
    %mul3A_444 = vector.broadcast %rsqrt3A : vector<1280x1xf32> to vector<1280x128xf32>
    %mul3A_445 = arith.mulf %sub3A_433, %mul3A_444 : vector<1280x128xf32>
    %mul3A_446 = vector.broadcast %get3A_426 : vector<1x128xf32> to vector<1280x128xf32>
    %mul3A_447 = arith.mulf %mul3A_445, %mul3A_446 : vector<1280x128xf32>
    %add3A_448 = vector.broadcast %get3A_429 : vector<1x128xf32> to vector<1280x128xf32>
    %add3A_449 = arith.addf %mul3A_447, %add3A_448 : vector<1280x128xf32>
    %get3A_450 = arith.constant 0 : index
    %get3A_451 = arith.constant 0 : index
    %get3A_452 = vector.load %arg12[%get3A_450, %get3A_451] : memref<18x128xf32, #tpu.memory_space<vmem>>, vector<18x128xf32>
    %get3A_453 = arith.constant 0 : index
    %get3A_454 = arith.constant 0 : index
    %get3A_455 = vector.load %arg14[%get3A_453, %get3A_454] : memref<1x128xf32, #tpu.memory_space<vmem>>, vector<1x128xf32>
    %get3A_456 = arith.constant 0 : index
    %get3A_457 = arith.constant 0 : index
    %get3A_458 = vector.load %arg13[%get3A_456, %get3A_457] : memref<128x128xf32, #tpu.memory_space<vmem>>, vector<128x128xf32>
    %get3A_459 = arith.constant 0 : index
    %get3A_460 = arith.constant 0 : index
    %get3A_461 = vector.load %arg15[%get3A_459, %get3A_460] : memref<1x128xf32, #tpu.memory_space<vmem>>, vector<1x128xf32>
    %get3A_462 = arith.constant 0 : index
    %get3A_463 = arith.constant 0 : index
    %get3A_464 = vector.load %arg16[%get3A_462, %get3A_463] : memref<1x128xf32, #tpu.memory_space<vmem>>, vector<1x128xf32>
    %get3A_465 = arith.constant 0 : index
    %get3A_466 = arith.constant 0 : index
    %get3A_467 = vector.load %arg17[%get3A_465, %get3A_466] : memref<1x128xf32, #tpu.memory_space<vmem>>, vector<1x128xf32>
    %dot_general3A_468 = arith.constant dense<0.000000e+00> : vector<1280x128xf32>
    %dot_general3A_469 = tpu.matmul %concatenate3A, %get3A_452, %dot_general3A_468 {dimension_numbers = #tpu.dot_dimension_numbers<[0], [0], [1], [1], [0, 1, 1, 1], [], []>, transpose_lhs_hint = false} : vector<18x1280xf32>, vector<18x128xf32>, vector<1280x128xf32> -> vector<1280x128xf32>
    %add3A_470 = vector.broadcast %get3A_455 : vector<1x128xf32> to vector<1280x128xf32>
    %add3A_471 = arith.addf %dot_general3A_469, %add3A_470 : vector<1280x128xf32>
    %max3A_472 = arith.constant 0.000000e+00 : f32
    %max3A_473 = vector.broadcast %max3A_472 : f32 to vector<1280x128xf32>
    %max3A_474 = arith.maximumf %add3A_471, %max3A_473 : vector<1280x128xf32>
    %dot_general3A_475 = arith.constant dense<0.000000e+00> : vector<1280x128xf32>
    %dot_general3A_476 = tpu.matmul %max3A_474, %get3A_458, %dot_general3A_475 {dimension_numbers = #tpu.dot_dimension_numbers<[1], [0], [0], [1], [0, 0, 1, 1], [], []>, transpose_lhs_hint = false} : vector<1280x128xf32>, vector<128x128xf32>, vector<1280x128xf32> -> vector<1280x128xf32>
    %add3A_477 = vector.broadcast %get3A_461 : vector<1x128xf32> to vector<1280x128xf32>
    %add3A_478 = arith.addf %dot_general3A_476, %add3A_477 : vector<1280x128xf32>
    %reduce_sum3A_479 = arith.constant dense<0.000000e+00> : vector<1280xf32>
    %reduce_sum3A_480 = vector.multi_reduction <add>, %add3A_478, %reduce_sum3A_479 [1] : vector<1280x128xf32> to vector<1280xf32>
    %broadcast_in_dim3A_481 = vector.shape_cast %reduce_sum3A_480 : vector<1280xf32> to vector<1280x1xf32>
    %div3A_482 = arith.constant 1.280000e+02 : f32
    %div3A_483 = vector.broadcast %div3A_482 : f32 to vector<1280x1xf32>
    %div3A_484 = arith.divf %broadcast_in_dim3A_481, %div3A_483 : vector<1280x1xf32>
    %sub3A_485 = vector.broadcast %div3A_484 : vector<1280x1xf32> to vector<1280x128xf32>
    %sub3A_486 = arith.subf %add3A_478, %sub3A_485 : vector<1280x128xf32>
    %mul3A_487 = arith.mulf %sub3A_486, %sub3A_486 : vector<1280x128xf32>
    %reduce_sum3A_488 = arith.constant dense<0.000000e+00> : vector<1280xf32>
    %reduce_sum3A_489 = vector.multi_reduction <add>, %mul3A_487, %reduce_sum3A_488 [1] : vector<1280x128xf32> to vector<1280xf32>
    %broadcast_in_dim3A_490 = vector.shape_cast %reduce_sum3A_489 : vector<1280xf32> to vector<1280x1xf32>
    %div3A_491 = arith.constant 1.280000e+02 : f32
    %div3A_492 = vector.broadcast %div3A_491 : f32 to vector<1280x1xf32>
    %div3A_493 = arith.divf %broadcast_in_dim3A_490, %div3A_492 : vector<1280x1xf32>
    %add3A_494 = arith.constant 9.99999974E-6 : f32
    %add3A_495 = vector.broadcast %add3A_494 : f32 to vector<1280x1xf32>
    %add3A_496 = arith.addf %div3A_493, %add3A_495 : vector<1280x1xf32>
    %rsqrt3A_497 = math.rsqrt %add3A_496 : vector<1280x1xf32>
    %mul3A_498 = vector.broadcast %rsqrt3A_497 : vector<1280x1xf32> to vector<1280x128xf32>
    %mul3A_499 = arith.mulf %sub3A_486, %mul3A_498 : vector<1280x128xf32>
    %mul3A_500 = vector.broadcast %get3A_464 : vector<1x128xf32> to vector<1280x128xf32>
    %mul3A_501 = arith.mulf %mul3A_499, %mul3A_500 : vector<1280x128xf32>
    %add3A_502 = vector.broadcast %get3A_467 : vector<1x128xf32> to vector<1280x128xf32>
    %add3A_503 = arith.addf %mul3A_501, %add3A_502 : vector<1280x128xf32>
    %dot_general3A_504 = arith.constant dense<0.000000e+00> : vector<1280x128xf32>
    %dot_general3A_505 = tpu.matmul %concatenate3A_382, %get3A_452, %dot_general3A_504 {dimension_numbers = #tpu.dot_dimension_numbers<[0], [0], [1], [1], [0, 1, 1, 1], [], []>, transpose_lhs_hint = false} : vector<18x1280xf32>, vector<18x128xf32>, vector<1280x128xf32> -> vector<1280x128xf32>
    %add3A_506 = vector.broadcast %get3A_455 : vector<1x128xf32> to vector<1280x128xf32>
    %add3A_507 = arith.addf %dot_general3A_505, %add3A_506 : vector<1280x128xf32>
    %max3A_508 = arith.constant 0.000000e+00 : f32
    %max3A_509 = vector.broadcast %max3A_508 : f32 to vector<1280x128xf32>
    %max3A_510 = arith.maximumf %add3A_507, %max3A_509 : vector<1280x128xf32>
    %dot_general3A_511 = arith.constant dense<0.000000e+00> : vector<1280x128xf32>
    %dot_general3A_512 = tpu.matmul %max3A_510, %get3A_458, %dot_general3A_511 {dimension_numbers = #tpu.dot_dimension_numbers<[1], [0], [0], [1], [0, 0, 1, 1], [], []>, transpose_lhs_hint = false} : vector<1280x128xf32>, vector<128x128xf32>, vector<1280x128xf32> -> vector<1280x128xf32>
    %add3A_513 = vector.broadcast %get3A_461 : vector<1x128xf32> to vector<1280x128xf32>
    %add3A_514 = arith.addf %dot_general3A_512, %add3A_513 : vector<1280x128xf32>
    %reduce_sum3A_515 = arith.constant dense<0.000000e+00> : vector<1280xf32>
    %reduce_sum3A_516 = vector.multi_reduction <add>, %add3A_514, %reduce_sum3A_515 [1] : vector<1280x128xf32> to vector<1280xf32>
    %broadcast_in_dim3A_517 = vector.shape_cast %reduce_sum3A_516 : vector<1280xf32> to vector<1280x1xf32>
    %div3A_518 = arith.constant 1.280000e+02 : f32
    %div3A_519 = vector.broadcast %div3A_518 : f32 to vector<1280x1xf32>
    %div3A_520 = arith.divf %broadcast_in_dim3A_517, %div3A_519 : vector<1280x1xf32>
    %sub3A_521 = vector.broadcast %div3A_520 : vector<1280x1xf32> to vector<1280x128xf32>
    %sub3A_522 = arith.subf %add3A_514, %sub3A_521 : vector<1280x128xf32>
    %mul3A_523 = arith.mulf %sub3A_522, %sub3A_522 : vector<1280x128xf32>
    %reduce_sum3A_524 = arith.constant dense<0.000000e+00> : vector<1280xf32>
    %reduce_sum3A_525 = vector.multi_reduction <add>, %mul3A_523, %reduce_sum3A_524 [1] : vector<1280x128xf32> to vector<1280xf32>
    %broadcast_in_dim3A_526 = vector.shape_cast %reduce_sum3A_525 : vector<1280xf32> to vector<1280x1xf32>
    %div3A_527 = arith.constant 1.280000e+02 : f32
    %div3A_528 = vector.broadcast %div3A_527 : f32 to vector<1280x1xf32>
    %div3A_529 = arith.divf %broadcast_in_dim3A_526, %div3A_528 : vector<1280x1xf32>
    %add3A_530 = arith.constant 9.99999974E-6 : f32
    %add3A_531 = vector.broadcast %add3A_530 : f32 to vector<1280x1xf32>
    %add3A_532 = arith.addf %div3A_529, %add3A_531 : vector<1280x1xf32>
    %rsqrt3A_533 = math.rsqrt %add3A_532 : vector<1280x1xf32>
    %mul3A_534 = vector.broadcast %rsqrt3A_533 : vector<1280x1xf32> to vector<1280x128xf32>
    %mul3A_535 = arith.mulf %sub3A_522, %mul3A_534 : vector<1280x128xf32>
    %mul3A_536 = vector.broadcast %get3A_464 : vector<1x128xf32> to vector<1280x128xf32>
    %mul3A_537 = arith.mulf %mul3A_535, %mul3A_536 : vector<1280x128xf32>
    %add3A_538 = vector.broadcast %get3A_467 : vector<1x128xf32> to vector<1280x128xf32>
    %add3A_539 = arith.addf %mul3A_537, %add3A_538 : vector<1280x128xf32>
    %add3A_540 = arith.addf %add3A_503, %add3A_539 : vector<1280x128xf32>
    %get3A_541 = arith.constant 0 : index
    %get3A_542 = arith.constant 0 : index
    %get3A_543 = vector.load %arg2[%get3A_541, %get3A_542] : memref<1280x128xf32, #tpu.memory_space<vmem>>, vector<1280x128xf32>
    %get3A_544 = arith.constant 0 : index
    %get3A_545 = arith.constant 0 : index
    %get3A_546 = vector.load %arg3[%get3A_544, %get3A_545] : memref<1280x128xf32, #tpu.memory_space<vmem>>, vector<1280x128xf32>
    %add3A_547 = arith.addf %get3A_543, %get3A_546 : vector<1280x128xf32>
    %get3A_548 = arith.constant 0 : index
    %get3A_549 = arith.constant 0 : index
    %get3A_550 = vector.load %arg18[%get3A_548, %get3A_549] : memref<128x128xf32, #tpu.memory_space<vmem>>, vector<128x128xf32>
    %dot_general3A_551 = arith.constant dense<0.000000e+00> : vector<1280x128xf32>
    %dot_general3A_552 = tpu.matmul %add3A_540, %get3A_550, %dot_general3A_551 {dimension_numbers = #tpu.dot_dimension_numbers<[1], [0], [0], [1], [0, 0, 1, 1], [], []>, transpose_lhs_hint = false} : vector<1280x128xf32>, vector<128x128xf32>, vector<1280x128xf32> -> vector<1280x128xf32>
    %add3A_553 = arith.addf %dot_general3A_552, %add3A_547 : vector<1280x128xf32>
    %get3A_554 = arith.constant 0 : index
    %get3A_555 = arith.constant 0 : index
    %get3A_556 = vector.load %arg19[%get3A_554, %get3A_555] : memref<128x128xf32, #tpu.memory_space<vmem>>, vector<128x128xf32>
    %dot_general3A_557 = arith.constant dense<0.000000e+00> : vector<1280x128xf32>
    %dot_general3A_558 = tpu.matmul %add3A_449, %get3A_556, %dot_general3A_557 {dimension_numbers = #tpu.dot_dimension_numbers<[1], [0], [0], [1], [0, 0, 1, 1], [], []>, transpose_lhs_hint = false} : vector<1280x128xf32>, vector<128x128xf32>, vector<1280x128xf32> -> vector<1280x128xf32>
    %add3A_559 = arith.addf %add3A_553, %dot_general3A_558 : vector<1280x128xf32>
    %get3A_560 = arith.constant 0 : index
    %get3A_561 = arith.constant 0 : index
    %get3A_562 = vector.load %arg21[%get3A_560, %get3A_561] : memref<1x128xf32, #tpu.memory_space<vmem>>, vector<1x128xf32>
    %add3A_563 = vector.broadcast %get3A_562 : vector<1x128xf32> to vector<1280x128xf32>
    %add3A_564 = arith.addf %add3A_559, %add3A_563 : vector<1280x128xf32>
    %max3A_565 = arith.constant 0.000000e+00 : f32
    %max3A_566 = vector.broadcast %max3A_565 : f32 to vector<1280x128xf32>
    %max3A_567 = arith.maximumf %add3A_564, %max3A_566 : vector<1280x128xf32>
    %get3A_568 = arith.constant 0 : index
    %get3A_569 = arith.constant 0 : index
    %get3A_570 = vector.load %arg20[%get3A_568, %get3A_569] : memref<128x128xf32, #tpu.memory_space<vmem>>, vector<128x128xf32>
    %dot_general3A_571 = arith.constant dense<0.000000e+00> : vector<1280x128xf32>
    %dot_general3A_572 = tpu.matmul %max3A_567, %get3A_570, %dot_general3A_571 {dimension_numbers = #tpu.dot_dimension_numbers<[1], [0], [0], [1], [0, 0, 1, 1], [], []>, transpose_lhs_hint = false} : vector<1280x128xf32>, vector<128x128xf32>, vector<1280x128xf32> -> vector<1280x128xf32>
    %get3A_573 = arith.constant 0 : index
    %get3A_574 = arith.constant 0 : index
    %get3A_575 = vector.load %arg22[%get3A_573, %get3A_574] : memref<1x128xf32, #tpu.memory_space<vmem>>, vector<1x128xf32>
    %add3A_576 = vector.broadcast %get3A_575 : vector<1x128xf32> to vector<1280x128xf32>
    %add3A_577 = arith.addf %dot_general3A_572, %add3A_576 : vector<1280x128xf32>
    %get3A_578 = arith.constant 0 : index
    %get3A_579 = arith.constant 0 : index
    %get3A_580 = vector.load %arg23[%get3A_578, %get3A_579] : memref<1x128xf32, #tpu.memory_space<vmem>>, vector<1x128xf32>
    %get3A_581 = arith.constant 0 : index
    %get3A_582 = arith.constant 0 : index
    %get3A_583 = vector.load %arg24[%get3A_581, %get3A_582] : memref<1x128xf32, #tpu.memory_space<vmem>>, vector<1x128xf32>
    %reduce_sum3A_584 = arith.constant dense<0.000000e+00> : vector<1280xf32>
    %reduce_sum3A_585 = vector.multi_reduction <add>, %add3A_577, %reduce_sum3A_584 [1] : vector<1280x128xf32> to vector<1280xf32>
    %broadcast_in_dim3A_586 = vector.shape_cast %reduce_sum3A_585 : vector<1280xf32> to vector<1280x1xf32>
    %div3A_587 = arith.constant 1.280000e+02 : f32
    %div3A_588 = vector.broadcast %div3A_587 : f32 to vector<1280x1xf32>
    %div3A_589 = arith.divf %broadcast_in_dim3A_586, %div3A_588 : vector<1280x1xf32>
    %sub3A_590 = vector.broadcast %div3A_589 : vector<1280x1xf32> to vector<1280x128xf32>
    %sub3A_591 = arith.subf %add3A_577, %sub3A_590 : vector<1280x128xf32>
    %mul3A_592 = arith.mulf %sub3A_591, %sub3A_591 : vector<1280x128xf32>
    %reduce_sum3A_593 = arith.constant dense<0.000000e+00> : vector<1280xf32>
    %reduce_sum3A_594 = vector.multi_reduction <add>, %mul3A_592, %reduce_sum3A_593 [1] : vector<1280x128xf32> to vector<1280xf32>
    %broadcast_in_dim3A_595 = vector.shape_cast %reduce_sum3A_594 : vector<1280xf32> to vector<1280x1xf32>
    %div3A_596 = arith.constant 1.280000e+02 : f32
    %div3A_597 = vector.broadcast %div3A_596 : f32 to vector<1280x1xf32>
    %div3A_598 = arith.divf %broadcast_in_dim3A_595, %div3A_597 : vector<1280x1xf32>
    %add3A_599 = arith.constant 9.99999974E-6 : f32
    %add3A_600 = vector.broadcast %add3A_599 : f32 to vector<1280x1xf32>
    %add3A_601 = arith.addf %div3A_598, %add3A_600 : vector<1280x1xf32>
    %rsqrt3A_602 = math.rsqrt %add3A_601 : vector<1280x1xf32>
    %mul3A_603 = vector.broadcast %rsqrt3A_602 : vector<1280x1xf32> to vector<1280x128xf32>
    %mul3A_604 = arith.mulf %sub3A_591, %mul3A_603 : vector<1280x128xf32>
    %mul3A_605 = vector.broadcast %get3A_580 : vector<1x128xf32> to vector<1280x128xf32>
    %mul3A_606 = arith.mulf %mul3A_604, %mul3A_605 : vector<1280x128xf32>
    %add3A_607 = vector.broadcast %get3A_583 : vector<1x128xf32> to vector<1280x128xf32>
    %add3A_608 = arith.addf %mul3A_606, %add3A_607 : vector<1280x128xf32>
    %swap3A = arith.constant 0 : index
    %swap3A_609 = arith.constant 0 : index
    %swap3A_610 = vector.load %arg29[%swap3A, %swap3A_609] : memref<1280x128xf32, #tpu.memory_space<vmem>>, vector<1280x128xf32>
    tpu.vector_store %arg29[%swap3A, %swap3A_609], %add3A_608 {strides = array<i32>} : memref<1280x128xf32, #tpu.memory_space<vmem>>, vector<1280x128xf32>,
    %get3A_611 = arith.constant 0 : index
    %get3A_612 = arith.constant 0 : index
    %get3A_613 = vector.load %arg25[%get3A_611, %get3A_612] : memref<128x384xf32, #tpu.memory_space<vmem>>, vector<128x384xf32>
    %dot_general3A_614 = arith.constant dense<0.000000e+00> : vector<1280x384xf32>
    %dot_general3A_615 = tpu.matmul %add3A_608, %get3A_613, %dot_general3A_614 {dimension_numbers = #tpu.dot_dimension_numbers<[1], [0], [0], [1], [0, 0, 1, 1], [], []>, transpose_lhs_hint = false} : vector<1280x128xf32>, vector<128x384xf32>, vector<1280x384xf32> -> vector<1280x384xf32>
    %get3A_616 = arith.constant 0 : index
    %get3A_617 = arith.constant 0 : index
    %get3A_618 = vector.load %arg26[%get3A_616, %get3A_617] : memref<1x384xf32, #tpu.memory_space<vmem>>, vector<1x384xf32>
    %add3A_619 = vector.broadcast %get3A_618 : vector<1x384xf32> to vector<1280x384xf32>
    %add3A_620 = arith.addf %dot_general3A_615, %add3A_619 : vector<1280x384xf32>
    %max3A_621 = arith.constant 0.000000e+00 : f32
    %max3A_622 = vector.broadcast %max3A_621 : f32 to vector<1280x384xf32>
    %max3A_623 = arith.maximumf %add3A_620, %max3A_622 : vector<1280x384xf32>
    %get3A_624 = arith.constant 0 : index
    %get3A_625 = arith.constant 0 : index
    %get3A_626 = vector.load %arg27[%get3A_624, %get3A_625] : memref<384x7xf32, #tpu.memory_space<vmem>>, vector<384x7xf32>
    %dot_general3A_627 = arith.constant dense<0.000000e+00> : vector<7x1280xf32>
    %dot_general3A_628 = tpu.matmul %get3A_626, %max3A_623, %dot_general3A_627 {dimension_numbers = #tpu.dot_dimension_numbers<[0], [1], [1], [0], [0, 1, 1, 0], [], []>, transpose_lhs_hint = false} : vector<384x7xf32>, vector<1280x384xf32>, vector<7x1280xf32> -> vector<7x1280xf32>
    %get3A_629 = arith.constant 0 : index
    %get3A_630 = arith.constant 0 : index
    %get3A_631 = vector.load %arg28[%get3A_629, %get3A_630] : memref<7x1xf32, #tpu.memory_space<vmem>>, vector<7x1xf32>
    %add3A_632 = vector.broadcast %get3A_631 : vector<7x1xf32> to vector<7x1280xf32>
    %add3A_633 = arith.addf %dot_general3A_628, %add3A_632 : vector<7x1280xf32>
    %slice3A_634 = vector.extract_strided_slice %add3A_633 {offsets = [0, 0], sizes = [1, 1280], strides = [1, 1]} : vector<7x1280xf32> to vector<1x1280xf32>
    %mul3A_635 = vector.broadcast %slice3A_634 : vector<1x1280xf32> to vector<3x1280xf32>
    %mul3A_636 = arith.mulf %slice3A, %mul3A_635 : vector<3x1280xf32>
    %slice3A_637 = vector.extract_strided_slice %add3A_633 {offsets = [1, 0], sizes = [1, 1280], strides = [1, 1]} : vector<7x1280xf32> to vector<1x1280xf32>
    %mul3A_638 = vector.broadcast %slice3A_637 : vector<1x1280xf32> to vector<3x1280xf32>
    %mul3A_639 = arith.mulf %slice3A_2, %mul3A_638 : vector<3x1280xf32>
    %add3A_640 = arith.addf %mul3A_636, %mul3A_639 : vector<3x1280xf32>
    %slice3A_641 = vector.extract_strided_slice %add3A_633 {offsets = [2, 0], sizes = [1, 1280], strides = [1, 1]} : vector<7x1280xf32> to vector<1x1280xf32>
    %mul3A_642 = vector.broadcast %slice3A_641 : vector<1x1280xf32> to vector<3x1280xf32>
    %mul3A_643 = arith.mulf %slice3A_3, %mul3A_642 : vector<3x1280xf32>
    %add3A_644 = arith.addf %add3A_640, %mul3A_643 : vector<3x1280xf32>
    %slice3A_645 = vector.extract_strided_slice %add3A_633 {offsets = [3, 0], sizes = [1, 1280], strides = [1, 1]} : vector<7x1280xf32> to vector<1x1280xf32>
    %mul3A_646 = vector.broadcast %slice3A_645 : vector<1x1280xf32> to vector<3x1280xf32>
    %mul3A_647 = arith.mulf %slice3A, %mul3A_646 : vector<3x1280xf32>
    %slice3A_648 = vector.extract_strided_slice %add3A_633 {offsets = [4, 0], sizes = [1, 1280], strides = [1, 1]} : vector<7x1280xf32> to vector<1x1280xf32>
    %mul3A_649 = vector.broadcast %slice3A_648 : vector<1x1280xf32> to vector<3x1280xf32>
    %mul3A_650 = arith.mulf %slice3A_2, %mul3A_649 : vector<3x1280xf32>
    %add3A_651 = arith.addf %mul3A_647, %mul3A_650 : vector<3x1280xf32>
    %slice3A_652 = vector.extract_strided_slice %add3A_633 {offsets = [5, 0], sizes = [1, 1280], strides = [1, 1]} : vector<7x1280xf32> to vector<1x1280xf32>
    %mul3A_653 = vector.broadcast %slice3A_652 : vector<1x1280xf32> to vector<3x1280xf32>
    %mul3A_654 = arith.mulf %slice3A_3, %mul3A_653 : vector<3x1280xf32>
    %add3A_655 = arith.addf %add3A_651, %mul3A_654 : vector<3x1280xf32>
    %slice3A_656 = vector.extract_strided_slice %add3A_633 {offsets = [6, 0], sizes = [1, 1280], strides = [1, 1]} : vector<7x1280xf32> to vector<1x1280xf32>
    %get3A_657 = arith.constant 0 : index
    %get3A_658 = arith.constant 0 : index
    %get3A_659 = vector.load %arg4[%get3A_657, %get3A_658] : memref<1x1280xf32, #tpu.memory_space<vmem>>, vector<1x1280xf32>
    %get3A_660 = arith.constant 0 : index
    %get3A_661 = arith.constant 0 : index
    %get3A_662 = vector.load %arg5[%get3A_660, %get3A_661] : memref<1x1280xf32, #tpu.memory_space<vmem>>, vector<1x1280xf32>
    %mul3A_663 = vector.broadcast %get3A_659 : vector<1x1280xf32> to vector<3x1280xf32>
    %mul3A_664 = arith.mulf %mul3A_663, %slice3A_383 : vector<3x1280xf32>
    %mul3A_665 = vector.broadcast %get3A_662 : vector<1x1280xf32> to vector<3x1280xf32>
    %mul3A_666 = arith.mulf %mul3A_665, %slice3A_384 : vector<3x1280xf32>
    %add3A_667 = arith.addf %mul3A_664, %mul3A_666 : vector<3x1280xf32>
    %add3A_668 = arith.addf %get3A_659, %get3A_662 : vector<1x1280xf32>
    %add3A_669 = arith.constant 9.99999993E-9 : f32
    %add3A_670 = vector.broadcast %add3A_669 : f32 to vector<1x1280xf32>
    %add3A_671 = arith.addf %add3A_668, %add3A_670 : vector<1x1280xf32>
    %div3A_672 = vector.broadcast %add3A_671 : vector<1x1280xf32> to vector<3x1280xf32>
    %div3A_673 = arith.divf %add3A_667, %div3A_672 : vector<3x1280xf32>
    %sub3A_674 = arith.subf %slice3A_384, %div3A_673 : vector<3x1280xf32>
    %mul3A_675 = vector.broadcast %slice3A_656 : vector<1x1280xf32> to vector<3x1280xf32>
    %mul3A_676 = arith.mulf %add3A_644, %mul3A_675 : vector<3x1280xf32>
    %slice3A_677 = vector.extract_strided_slice %sub3A_674 {offsets = [1, 0], sizes = [1, 1280], strides = [1, 1]} : vector<3x1280xf32> to vector<1x1280xf32>
    %slice3A_678 = vector.extract_strided_slice %mul3A_676 {offsets = [2, 0], sizes = [1, 1280], strides = [1, 1]} : vector<3x1280xf32> to vector<1x1280xf32>
    %mul3A_679 = arith.mulf %slice3A_677, %slice3A_678 : vector<1x1280xf32>
    %slice3A_680 = vector.extract_strided_slice %sub3A_674 {offsets = [2, 0], sizes = [1, 1280], strides = [1, 1]} : vector<3x1280xf32> to vector<1x1280xf32>
    %slice3A_681 = vector.extract_strided_slice %mul3A_676 {offsets = [1, 0], sizes = [1, 1280], strides = [1, 1]} : vector<3x1280xf32> to vector<1x1280xf32>
    %mul3A_682 = arith.mulf %slice3A_680, %slice3A_681 : vector<1x1280xf32>
    %sub3A_683 = arith.subf %mul3A_679, %mul3A_682 : vector<1x1280xf32>
    %slice3A_684 = vector.extract_strided_slice %sub3A_674 {offsets = [2, 0], sizes = [1, 1280], strides = [1, 1]} : vector<3x1280xf32> to vector<1x1280xf32>
    %slice3A_685 = vector.extract_strided_slice %mul3A_676 {offsets = [0, 0], sizes = [1, 1280], strides = [1, 1]} : vector<3x1280xf32> to vector<1x1280xf32>
    %mul3A_686 = arith.mulf %slice3A_684, %slice3A_685 : vector<1x1280xf32>
    %slice3A_687 = vector.extract_strided_slice %sub3A_674 {offsets = [0, 0], sizes = [1, 1280], strides = [1, 1]} : vector<3x1280xf32> to vector<1x1280xf32>
    %slice3A_688 = vector.extract_strided_slice %mul3A_676 {offsets = [2, 0], sizes = [1, 1280], strides = [1, 1]} : vector<3x1280xf32> to vector<1x1280xf32>
    %mul3A_689 = arith.mulf %slice3A_687, %slice3A_688 : vector<1x1280xf32>
    %sub3A_690 = arith.subf %mul3A_686, %mul3A_689 : vector<1x1280xf32>
    %slice3A_691 = vector.extract_strided_slice %sub3A_674 {offsets = [0, 0], sizes = [1, 1280], strides = [1, 1]} : vector<3x1280xf32> to vector<1x1280xf32>
    %slice3A_692 = vector.extract_strided_slice %mul3A_676 {offsets = [1, 0], sizes = [1, 1280], strides = [1, 1]} : vector<3x1280xf32> to vector<1x1280xf32>
    %mul3A_693 = arith.mulf %slice3A_691, %slice3A_692 : vector<1x1280xf32>
    %slice3A_694 = vector.extract_strided_slice %sub3A_674 {offsets = [1, 0], sizes = [1, 1280], strides = [1, 1]} : vector<3x1280xf32> to vector<1x1280xf32>
    %slice3A_695 = vector.extract_strided_slice %mul3A_676 {offsets = [0, 0], sizes = [1, 1280], strides = [1, 1]} : vector<3x1280xf32> to vector<1x1280xf32>
    %mul3A_696 = arith.mulf %slice3A_694, %slice3A_695 : vector<1x1280xf32>
    %sub3A_697 = arith.subf %mul3A_693, %mul3A_696 : vector<1x1280xf32>
    %concatenate3A_698 = tpu.concatenate %sub3A_683, %sub3A_690, %sub3A_697 in 0 : vector<1x1280xf32>, vector<1x1280xf32>, vector<1x1280xf32> -> vector<3x1280xf32>
    %sub3A_699 = arith.subf %add3A_655, %concatenate3A_698 : vector<3x1280xf32>
    %broadcast_in_dim3A_700 = arith.constant 0.000000e+00 : f32
    %broadcast_in_dim3A_701 = vector.broadcast %broadcast_in_dim3A_700 : f32 to vector<2x1280xf32>
    %concatenate3A_702 = tpu.concatenate %add3A_644, %sub3A_699, %broadcast_in_dim3A_701 in 0 : vector<3x1280xf32>, vector<3x1280xf32>, vector<2x1280xf32> -> vector<8x1280xf32>
    %swap3A_703 = arith.constant 0 : index
    %swap3A_704 = arith.constant 0 : index
    %swap3A_705 = vector.load %arg30[%swap3A_703, %swap3A_704] : memref<8x1280xf32, #tpu.memory_space<vmem>>, vector<8x1280xf32>
    tpu.vector_store %arg30[%swap3A_703, %swap3A_704], %concatenate3A_702 {strides = array<i32>} : memref<8x1280xf32, #tpu.memory_space<vmem>>, vector<8x1280xf32>,
    return
  }
  func.func @transform_0(%arg0: i32) -> (i32, i32) {
    %c0_i32 = arith.constant 0 : i32
    %c0_i32_0 = arith.constant 0 : i32
    return %c0_i32, %arg0 : i32, i32
  }
  func.func @transform_1(%arg0: i32) -> (i32, i32) {
    %c0_i32 = arith.constant 0 : i32
    %c0_i32_0 = arith.constant 0 : i32
    return %arg0, %c0_i32 : i32, i32
  }
  func.func @transform_2(%arg0: i32) -> (i32, i32) {
    %c0_i32 = arith.constant 0 : i32
    %c0_i32_0 = arith.constant 0 : i32
    return %arg0, %c0_i32 : i32, i32
  }
  func.func @transform_3(%arg0: i32) -> (i32, i32) {
    %c0_i32 = arith.constant 0 : i32
    %c0_i32_0 = arith.constant 0 : i32
    return %c0_i32, %arg0 : i32, i32
  }
  func.func @transform_4(%arg0: i32) -> (i32, i32) {
    %c0_i32 = arith.constant 0 : i32
    %c0_i32_0 = arith.constant 0 : i32
    return %c0_i32, %arg0 : i32, i32
  }
  func.func @transform_5(%arg0: i32) -> (i32, i32) {
    %c0_i32 = arith.constant 0 : i32
    %c0_i32_0 = arith.constant 0 : i32
    %c0_i32_1 = arith.constant 0 : i32
    return %c0_i32, %c0_i32_0 : i32, i32
  }
  func.func @transform_6(%arg0: i32) -> (i32, i32) {
    %c0_i32 = arith.constant 0 : i32
    %c0_i32_0 = arith.constant 0 : i32
    %c0_i32_1 = arith.constant 0 : i32
    return %c0_i32, %c0_i32_0 : i32, i32
  }
  func.func @transform_7(%arg0: i32) -> (i32, i32) {
    %c0_i32 = arith.constant 0 : i32
    %c0_i32_0 = arith.constant 0 : i32
    %c0_i32_1 = arith.constant 0 : i32
    return %c0_i32, %c0_i32_0 : i32, i32
  }
  func.func @transform_8(%arg0: i32) -> (i32, i32) {
    %c0_i32 = arith.constant 0 : i32
    %c0_i32_0 = arith.constant 0 : i32
    %c0_i32_1 = arith.constant 0 : i32
    return %c0_i32, %c0_i32_0 : i32, i32
  }
  func.func @transform_9(%arg0: i32) -> (i32, i32) {
    %c0_i32 = arith.constant 0 : i32
    %c0_i32_0 = arith.constant 0 : i32
    %c0_i32_1 = arith.constant 0 : i32
    return %c0_i32, %c0_i32_0 : i32, i32
  }
  func.func @transform_10(%arg0: i32) -> (i32, i32) {
    %c0_i32 = arith.constant 0 : i32
    %c0_i32_0 = arith.constant 0 : i32
    %c0_i32_1 = arith.constant 0 : i32
    return %c0_i32, %c0_i32_0 : i32, i32
  }
  func.func @transform_11(%arg0: i32) -> (i32, i32) {
    %c0_i32 = arith.constant 0 : i32
    %c0_i32_0 = arith.constant 0 : i32
    %c0_i32_1 = arith.constant 0 : i32
    return %c0_i32, %c0_i32_0 : i32, i32
  }
  func.func @transform_12(%arg0: i32) -> (i32, i32) {
    %c0_i32 = arith.constant 0 : i32
    %c0_i32_0 = arith.constant 0 : i32
    %c0_i32_1 = arith.constant 0 : i32
    return %c0_i32, %c0_i32_0 : i32, i32
  }
  func.func @transform_13(%arg0: i32) -> (i32, i32) {
    %c0_i32 = arith.constant 0 : i32
    %c0_i32_0 = arith.constant 0 : i32
    %c0_i32_1 = arith.constant 0 : i32
    return %c0_i32, %c0_i32_0 : i32, i32
  }
  func.func @transform_14(%arg0: i32) -> (i32, i32) {
    %c0_i32 = arith.constant 0 : i32
    %c0_i32_0 = arith.constant 0 : i32
    %c0_i32_1 = arith.constant 0 : i32
    return %c0_i32, %c0_i32_0 : i32, i32
  }
  func.func @transform_15(%arg0: i32) -> (i32, i32) {
    %c0_i32 = arith.constant 0 : i32
    %c0_i32_0 = arith.constant 0 : i32
    %c0_i32_1 = arith.constant 0 : i32
    return %c0_i32, %c0_i32_0 : i32, i32
  }
  func.func @transform_16(%arg0: i32) -> (i32, i32) {
    %c0_i32 = arith.constant 0 : i32
    %c0_i32_0 = arith.constant 0 : i32
    %c0_i32_1 = arith.constant 0 : i32
    return %c0_i32, %c0_i32_0 : i32, i32
  }
  func.func @transform_17(%arg0: i32) -> (i32, i32) {
    %c0_i32 = arith.constant 0 : i32
    %c0_i32_0 = arith.constant 0 : i32
    %c0_i32_1 = arith.constant 0 : i32
    return %c0_i32, %c0_i32_0 : i32, i32
  }
  func.func @transform_18(%arg0: i32) -> (i32, i32) {
    %c0_i32 = arith.constant 0 : i32
    %c0_i32_0 = arith.constant 0 : i32
    %c0_i32_1 = arith.constant 0 : i32
    return %c0_i32, %c0_i32_0 : i32, i32
  }
  func.func @transform_19(%arg0: i32) -> (i32, i32) {
    %c0_i32 = arith.constant 0 : i32
    %c0_i32_0 = arith.constant 0 : i32
    %c0_i32_1 = arith.constant 0 : i32
    return %c0_i32, %c0_i32_0 : i32, i32
  }
  func.func @transform_20(%arg0: i32) -> (i32, i32) {
    %c0_i32 = arith.constant 0 : i32
    %c0_i32_0 = arith.constant 0 : i32
    %c0_i32_1 = arith.constant 0 : i32
    return %c0_i32, %c0_i32_0 : i32, i32
  }
  func.func @transform_21(%arg0: i32) -> (i32, i32) {
    %c0_i32 = arith.constant 0 : i32
    %c0_i32_0 = arith.constant 0 : i32
    %c0_i32_1 = arith.constant 0 : i32
    return %c0_i32, %c0_i32_0 : i32, i32
  }
  func.func @transform_22(%arg0: i32) -> (i32, i32) {
    %c0_i32 = arith.constant 0 : i32
    %c0_i32_0 = arith.constant 0 : i32
    %c0_i32_1 = arith.constant 0 : i32
    return %c0_i32, %c0_i32_0 : i32, i32
  }
  func.func @transform_23(%arg0: i32) -> (i32, i32) {
    %c0_i32 = arith.constant 0 : i32
    %c0_i32_0 = arith.constant 0 : i32
    %c0_i32_1 = arith.constant 0 : i32
    return %c0_i32, %c0_i32_0 : i32, i32
  }
  func.func @transform_24(%arg0: i32) -> (i32, i32) {
    %c0_i32 = arith.constant 0 : i32
    %c0_i32_0 = arith.constant 0 : i32
    %c0_i32_1 = arith.constant 0 : i32
    return %c0_i32, %c0_i32_0 : i32, i32
  }
  func.func @transform_25(%arg0: i32) -> (i32, i32) {
    %c0_i32 = arith.constant 0 : i32
    %c0_i32_0 = arith.constant 0 : i32
    %c0_i32_1 = arith.constant 0 : i32
    return %c0_i32, %c0_i32_0 : i32, i32
  }
  func.func @transform_26(%arg0: i32) -> (i32, i32) {
    %c0_i32 = arith.constant 0 : i32
    %c0_i32_0 = arith.constant 0 : i32
    %c0_i32_1 = arith.constant 0 : i32
    return %c0_i32, %c0_i32_0 : i32, i32
  }
  func.func @transform_27(%arg0: i32) -> (i32, i32) {
    %c0_i32 = arith.constant 0 : i32
    %c0_i32_0 = arith.constant 0 : i32
    %c0_i32_1 = arith.constant 0 : i32
    return %c0_i32, %c0_i32_0 : i32, i32
  }
  func.func @transform_28(%arg0: i32) -> (i32, i32) {
    %c0_i32 = arith.constant 0 : i32
    %c0_i32_0 = arith.constant 0 : i32
    return %arg0, %c0_i32 : i32, i32
  }
  func.func @transform_29(%arg0: i32) -> (i32, i32) {
    %c0_i32 = arith.constant 0 : i32
    %c0_i32_0 = arith.constant 0 : i32
    return %c0_i32, %arg0 : i32, i32
  }
}

module attributes {stable_mosaic.version = 14 : i64} {
  func.func @_combine_kernel(%arg0: i32, %arg1: memref<2x2000x8xf32, #tpu.memory_space<vmem>>, %arg2: memref<2000x8xf32, #tpu.memory_space<vmem>>, %arg3: memref<2000x3xf32, #tpu.memory_space<vmem>>, %arg4: memref<2000x3xf32, #tpu.memory_space<vmem>>) attributes {dimension_semantics = [#tpu.dimension_semantics<arbitrary>], iteration_bounds = array<i64: 5>, scalar_prefetch = 0 : i64, scratch_operands = 0 : i64, tpu.core_type = #tpu.core_type<tc>, window_params = [{transform_indices = @transform_0, window_bounds = array<i64: 2, 2000, 8>}, {transform_indices = @transform_1, window_bounds = array<i64: 2000, 8>}, {transform_indices = @transform_2, window_bounds = array<i64: 2000, 3>}, {transform_indices = @transform_3, window_bounds = array<i64: 2000, 3>}]} {
    %get3A = arith.constant 0 : index
    %get3A_0 = arith.constant 0 : index
    %get3A_1 = arith.constant 0 : index
    %get3A_2 = vector.load %arg1[%get3A, %get3A_0, %get3A_1] : memref<2x2000x8xf32, #tpu.memory_space<vmem>>, vector<1x2000x8xf32>
    %get3A_3 = vector.shape_cast %get3A_2 : vector<1x2000x8xf32> to vector<2000x8xf32>
    %get3A_4 = arith.constant 1 : index
    %get3A_5 = arith.constant 0 : index
    %get3A_6 = arith.constant 0 : index
    %get3A_7 = vector.load %arg1[%get3A_4, %get3A_5, %get3A_6] : memref<2x2000x8xf32, #tpu.memory_space<vmem>>, vector<1x2000x8xf32>
    %get3A_8 = vector.shape_cast %get3A_7 : vector<1x2000x8xf32> to vector<2000x8xf32>
    %add3A = arith.addf %get3A_3, %get3A_8 : vector<2000x8xf32>
    %get3A_9 = arith.constant 0 : index
    %get3A_10 = arith.constant 0 : index
    %get3A_11 = vector.load %arg2[%get3A_9, %get3A_10] : memref<2000x8xf32, #tpu.memory_space<vmem>>, vector<2000x8xf32>
    %slice3A = vector.extract_strided_slice %get3A_11 {offsets = [0, 0], sizes = [2000, 1], strides = [1, 1]} : vector<2000x8xf32> to vector<2000x1xf32>
    %slice3A_12 = vector.extract_strided_slice %add3A {offsets = [0, 0], sizes = [2000, 3], strides = [1, 1]} : vector<2000x8xf32> to vector<2000x3xf32>
    %mul3A = vector.broadcast %slice3A : vector<2000x1xf32> to vector<2000x3xf32>
    %mul3A_13 = arith.mulf %mul3A, %slice3A_12 : vector<2000x3xf32>
    %slice3A_14 = vector.extract_strided_slice %get3A_11 {offsets = [0, 2], sizes = [2000, 3], strides = [1, 1]} : vector<2000x8xf32> to vector<2000x3xf32>
    %add3A_15 = arith.addf %mul3A_13, %slice3A_14 : vector<2000x3xf32>
    %swap3A = arith.constant 0 : index
    %swap3A_16 = arith.constant 0 : index
    %swap3A_17 = vector.load %arg3[%swap3A, %swap3A_16] : memref<2000x3xf32, #tpu.memory_space<vmem>>, vector<2000x3xf32>
    tpu.vector_store %arg3[%swap3A, %swap3A_16], %add3A_15 {strides = array<i32>} : memref<2000x3xf32, #tpu.memory_space<vmem>>, vector<2000x3xf32>,
    %slice3A_18 = vector.extract_strided_slice %get3A_11 {offsets = [0, 1], sizes = [2000, 1], strides = [1, 1]} : vector<2000x8xf32> to vector<2000x1xf32>
    %slice3A_19 = vector.extract_strided_slice %add3A {offsets = [0, 3], sizes = [2000, 3], strides = [1, 1]} : vector<2000x8xf32> to vector<2000x3xf32>
    %mul3A_20 = vector.broadcast %slice3A_18 : vector<2000x1xf32> to vector<2000x3xf32>
    %mul3A_21 = arith.mulf %mul3A_20, %slice3A_19 : vector<2000x3xf32>
    %swap3A_22 = arith.constant 0 : index
    %swap3A_23 = arith.constant 0 : index
    %swap3A_24 = vector.load %arg4[%swap3A_22, %swap3A_23] : memref<2000x3xf32, #tpu.memory_space<vmem>>, vector<2000x3xf32>
    tpu.vector_store %arg4[%swap3A_22, %swap3A_23], %mul3A_21 {strides = array<i32>} : memref<2000x3xf32, #tpu.memory_space<vmem>>, vector<2000x3xf32>,
    return
  }
  func.func @transform_0(%arg0: i32) -> (i32, i32, i32) {
    %c0_i32 = arith.constant 0 : i32
    %c0_i32_0 = arith.constant 0 : i32
    %c0_i32_1 = arith.constant 0 : i32
    return %c0_i32, %arg0, %c0_i32_0 : i32, i32, i32
  }
  func.func @transform_1(%arg0: i32) -> (i32, i32) {
    %c0_i32 = arith.constant 0 : i32
    %c0_i32_0 = arith.constant 0 : i32
    return %arg0, %c0_i32 : i32, i32
  }
  func.func @transform_2(%arg0: i32) -> (i32, i32) {
    %c0_i32 = arith.constant 0 : i32
    %c0_i32_0 = arith.constant 0 : i32
    return %arg0, %c0_i32 : i32, i32
  }
  func.func @transform_3(%arg0: i32) -> (i32, i32) {
    %c0_i32 = arith.constant 0 : i32
    %c0_i32_0 = arith.constant 0 : i32
    return %arg0, %c0_i32 : i32, i32
  }
}

</mosaic_0001>

<sc_bundles>
// kernel: kernel.10.cloned.1.call-start
scs
__scs_entry_jumppad:
0x0: {  	(pc) =	sbr.rel $0x88, $3  }
0x1: {  	(tag) =	ssettag $0x0;
	lr =	simm.s32 $0x1  }
0x2: {  	[smem:$0x3F5E] =	sst lr;
	_ =	strace $0xD0000000  }
0x3: {  	_ = 	snop  }
0x4: {  	_ = 	snop  }
0x5: {  	_ = 	snop  }
0x6: {  	_ = 	snop  }
0x7: {  	_ = 	snop  }
__scs_overlays_trampoline_lowered:
0x8: {  	[smem:$0x3F6D] =	sst s0  }
0x9: {  	[smem:$0x3F6E] =	sst s1  }
0xa: {  	[smem:$0x3F6F] =	sst s2  }
0xb: {  	[smem:$0x3F70] =	sst s3  }
0xc: {  	[smem:$0x3F71] =	sst s4  }
0xd: {  	[smem:$0x3F72] =	sst s5  }
0xe: {  	[smem:$0x3F73] =	sst s6  }
0xf: {  	[smem:$0x3F74] =	sst s7  }
0x10: {  	[smem:$0x3F75] =	sst s8  }
0x11: {  	[smem:$0x3F76] =	sst s9;
	s0 =	simm.s32 @!p0 $0x0  }
0x12: {  	s1 =	sld [smem:$0x3F5C];
	s0 =	simm.s32 @p0 $0x1  }
0x13: {  	[smem:$0x3F77] =	sst s0;
	s0 =	simm.s32 @!p1 $0x0  }
0x14: {  	s2 =	sld [smem:$0x3F5B];
	s0 =	simm.s32 @p1 $0x1  }
0x15: {  	[smem:$0x3F78] =	sst s0;
	s0 =	simm.s32 @!p2 $0x0  }
0x16: {  	s3 =	sld [smem:$0x3FDB];
	s0 =	simm.s32 @p2 $0x1  }
0x17: {  	s4 =	simm.s32 $0x1BF5;
	[smem:$0x3F7A] =	sst s0  }
0x18: {  	s0 =	sld [smem:$0x3F5D];
	_ =	swait.ge [sflag:s4], $0x0  }
0x19: {  	s7 =	sld [smem:$0x3F5E]  }
0x1a: {  	s8 =	sadd.s32 $0xFFFFE003, lr  }
0x1b: {  	s9 =	sadd.s32 $0xFFFFFEF7, lr;
	s5 =	simm.s32 $0xFFFFFFFF;
	p2 =	slt.u32 s8, $0xFFFFF086  }
0x1c: {  	p1 =	slt.u32 s9, $0xF7A;
	s5 =	simm.s32 @!p2 $0x0  }
0x1d: {  	s5 =	simm.s32 @p1 $0x1;
	p0 =	seq.s32 s7, s2  }
0x1e: {  	s7 =	smul.u32 @!p0 $0xF7A, s2;
	p2 =	seq.s32 @!p0 s5, $0x0  }
0x1f: {  	s9 =	smul.u32 $0xF7A, s1;
	s8 =	simm.s32 @!p0 $0x1BF5;
	p2 =	por !p2, p0  }
0x20: {  	[sflag:s8] =	ssyncset.s32 @!p0 $0xFFFFF086;
	s6 =	sadd.s32 @!p0 s3, s7;
	s7 =	simm.s32 @!p0 $0x108  }
0x21: {  	s3 =	sadd.s32 s3, s9;
	s6 =	sadd.s32 @!p0 $0x88, s6;
	s7 =	simm.s32 @p2 $0x1082  }
0x22: {  	[simem:s7], [sflag:s8] =	dma.local @!p0 [hbm:s6], $0xF7A  }
0x23: {  	s9 =	sor.u32 $0xD0000000, s2;
	s6 =	simm.s32 $0x108;
	_ =	swait.ge @!p0 [sflag:s8], $0x0  }
0x24: {  	s3 =	sadd.s32 $0x88, s3;
	s6 =	simm.s32 @!p1 $0x1082;
	[sflag:s4] =	ssyncset.s32 $0xFFFFF086  }
0x25: {  	[simem:s6], [sflag:s4] =	dma.local [hbm:s3], $0xF7A  }
0x26: {  	[smem:$0x3F5E] =	sst s1;
	(tag) =	ssettag s2;
	_ =	strace s9  }
0x27: {  	s1 =	sld [smem:$0x3F6E]  }
0x28: {  	s2 =	sld [smem:$0x3F6F]  }
0x29: {  	s4 =	sld [smem:$0x3F71]  }
0x2a: {  	p0 =	seq.s32 s5, $0x0;
	s5 =	sld [smem:$0x3F72]  }
0x2b: {  	s6 =	sld [smem:$0x3F73]  }
0x2c: {  	s7 =	sld [smem:$0x3F74]  }
0x2d: {  	s3 =	simm.s32 $0x108;
	s8 =	sld [smem:$0x3F75]  }
0x2e: {  	s3 =	simm.s32 @!p0 $0x1082;
	s9 =	sld [smem:$0x3F76]  }
0x2f: {  	lr =	sadd.s32 s0, s3;
	s0 =	sld [smem:$0x3F6D]  }
0x30: {  	s3 =	sld [smem:$0x3F70]  }
0x31: {  	[smem:$0x3F79] =	sst s10  }
0x32: {  	s10 =	sld [smem:$0x3F77];
	_ =	sdelay $0x3  }
0x33: {  	p0 =	seq.s32 s10, $0x1;
	s10 =	sld [smem:$0x3F79];
	_ =	sdelay $0x3  }
0x34: {  	[smem:$0x3F79] =	sst s10  }
0x35: {  	s10 =	sld [smem:$0x3F78];
	_ =	sdelay $0x3  }
0x36: {  	p1 =	seq.s32 s10, $0x1;
	s10 =	sld [smem:$0x3F79];
	_ =	sdelay $0x3  }
0x37: {  	[smem:$0x3F79] =	sst s10  }
0x38: {  	s10 =	sld [smem:$0x3F7A]  }
0x39: {  	_ = 	snop;
	(pc) =	sbr.ind lr, $3  }
0x3a: {  	_ = 	snop  }
0x3b: {  	_ = 	snop  }
0x3c: {  	p2 =	seq.s32 s10, $0x1;
	s10 =	sld [smem:$0x3F79]  }
0x3d: {  	_ =	shalt  }
0x3e: {  	_ =	shalt  }
0x3f: {  	_ =	shalt  }
0x40: {  	_ =	shalt  }
0x41: {  	_ =	shalt  }
0x42: {  	_ =	shalt  }
0x43: {  	_ =	shalt  }
0x44: {  	_ =	shalt  }
0x45: {  	_ =	shalt  }
0x46: {  	_ =	shalt  }
0x47: {  	_ =	shalt  }
0x48: {  	_ =	shalt  }
0x49: {  	_ =	shalt  }
0x4a: {  	_ =	shalt  }
0x4b: {  	_ =	shalt  }
0x4c: {  	_ =	shalt  }
0x4d: {  	_ =	shalt  }
0x4e: {  	_ =	shalt  }
0x4f: {  	_ =	shalt  }
0x50: {  	_ =	shalt  }
0x51: {  	_ =	shalt  }
0x52: {  	_ =	shalt  }
0x53: {  	_ =	shalt  }
0x54: {  	_ =	shalt  }
0x55: {  	_ =	shalt  }
0x56: {  	_ =	shalt  }
0x57: {  	_ =	shalt  }
0x58: {  	_ =	shalt  }
0x59: {  	_ =	shalt  }
0x5a: {  	_ =	shalt  }
0x5b: {  	_ =	shalt  }
0x5c: {  	_ =	shalt  }
0x5d: {  	_ =	shalt  }
0x5e: {  	_ =	shalt  }
0x5f: {  	_ =	shalt  }
0x60: {  	_ =	shalt  }
0x61: {  	_ =	shalt  }
0x62: {  	_ =	shalt  }
0x63: {  	_ =	shalt  }
0x64: {  	_ =	shalt  }
0x65: {  	_ =	shalt  }
0x66: {  	_ =	shalt  }
0x67: {  	_ =	shalt  }
0x68: {  	_ =	shalt  }
0x69: {  	_ =	shalt  }
0x6a: {  	_ =	shalt  }
0x6b: {  	_ =	shalt  }
0x6c: {  	_ =	shalt  }
0x6d: {  	_ =	shalt  }
0x6e: {  	_ =	shalt  }
0x6f: {  	_ =	shalt  }
0x70: {  	_ =	shalt  }
0x71: {  	_ =	shalt  }
0x72: {  	_ =	shalt  }
0x73: {  	_ =	shalt  }
0x74: {  	_ =	shalt  }
0x75: {  	_ =	shalt  }
0x76: {  	_ =	shalt  }
0x77: {  	_ =	shalt  }
0x78: {  	_ =	shalt  }
0x79: {  	_ =	shalt  }
0x7a: {  	_ =	shalt  }
0x7b: {  	_ =	shalt  }
0x7c: {  	_ =	shalt  }
0x7d: {  	_ =	shalt  }
0x7e: {  	_ =	shalt  }
0x7f: {  	_ =	shalt  }
0x80: {  	_ =	shalt  }
0x81: {  	_ =	shalt  }
0x82: {  	_ =	shalt  }
0x83: {  	_ =	shalt  }
0x84: {  	_ =	shalt  }
0x85: {  	_ =	shalt  }
0x86: {  	_ =	shalt  }
0x87: {  	_ =	shalt  }
.Lfunc_end0:
.L_simem_size_0:
called_computation.1_lowered:
.L_overlay_start_0:
0x88: {  	s2 =	sld [smem:$0x3FD9]  }
0x89: {  	s3 =	sld [smem:$0x3FFE];
	_ =	sdelay $0x1  }
0x8a: {  	s1 =	srdreg.scid  }
0x8b: {  	s0 =	sand.u32 $0x1, s1  }
0x8c: {  	s16 =	sshll.u32 s0, $0xA;
	s2 =	sadd.s32 s3, s2  }
0x8d: {  	s2 =	sadd.s32 s2, s16  }
0x8e: {  	[smem:$0x3F85] =	sst s2  }
0x8f: {  	_ = 	snop  }
0x90: {  	(tm) =	ssettm $0x1  }
0x91: {  	s17 =	sld [smem:$0x3FFB];
	_ =	sdelay $0x3  }
0x92: {  	_ =	strace s17  }
0x93: {  	s2 =	sld [smem:$0x3FFC];
	_ =	sdelay $0x3  }
0x94: {  	_ =	strace s2  }
0x95: {  	s2 =	sld [smem:$0x3FFD];
	_ =	sdelay $0x3  }
0x96: {  	_ =	strace s2  }
0x97: {  	_ =	strace $0x8FFFFFFF  }
0x98: {  	s18 =	sld [smem:$0x3FDB];
	_ =	sdelay $0x1  }
0x99: {  	s19 =	simm.s32 $_scs_section_size  }
0x9a: {  	s4 =	simm.s32 $_size__tile_overlayer_lowered;
	s5 =	simm.s32 $_tile_overlayer_lowered  }
0x9b: {  	s22 =	simm.s32 $0x1BFF;
	s21 =	sshll.u32 s5, $0x1;
	s2 =	sadd.s32 s19, s18  }
0x9c: {  	s6 =	simm.s32 $0x0;
	s20 =	sshll.u32 s4, $0x1;
	s4 =	sadd.s32 s21, s2  }
0x9d: {  	[timem:s6], [sflag:s22] =	dma.local [hbm:s4], s20  }
0x9e: {  	_ =	swait.ge [sflag:s22], s20  }
0x9f: {  	s3 =	ssub.s32 $0x0, s20;
	[sflag:s22] =	ssyncset.done $0x0  }
0xa0: {  	[sflag:s22] =	ssyncadd.s32 s3;
	_ =	sdelay $0x1  }
0xa1: {  	s23 =	simm.s32 $0x1B8B  }
0xa2: {  	_ =	swait.ge [sflag:s23], $0x1  }
0xa3: {  	[sflag:s23] =	ssyncset.done $0x0  }
0xa4: {  	s25 =	simm.s32 $0x1B8E;
	s24 =	sld [smem:$0x3FFE];
	[sflag:s23] =	ssyncadd.s32 $0xFFFFFFFF  }
0xa5: {  	s26 =	simm.s32 $execute0_lowered;
	[smem:$0x3FD2] =	sst s25  }
0xa6: {  	s4 =	sshll.u32 s26, $0x1;
	_ =	strace $0x80000049;
	[dreg:$0x1] =	wrdreg $0xFFFFFFFF  }
0xa7: {  	s28 =	simm.s32 $_size_execute0_lowered;
	s2 =	sadd.s32 s2, s4;
	[dreg:$0x0] =	wrdreg $0x0  }
0xa8: {  	s4 =	sshll.u32 s28, $0x1;
	[dreg:$0x2] =	wrdreg s2  }
0xa9: {  	[dreg:$0x3] =	wrdreg s4  }
0xaa: {  	[dreg:$0x4] =	wrdreg $0xC0  }
0xab: {  	_ =	task [dreg:s6], $0x5FFFF  }
0xac: {  	[dreg:$0x1] =	wrdreg $0xFFFFFFFF  }
0xad: {  	[dreg:$0x0] =	wrdreg $0x60  }
0xae: {  	[dreg:$0x2] =	wrdreg s24  }
0xaf: {  	[dreg:$0x3] =	wrdreg $0x0  }
0xb0: {  	[dreg:$0x4] =	wrdreg $0x9  }
0xb1: {  	_ =	task.clear_ibuf [dreg:s6], $0x5FFFF;
	_ =	strace $0x90000049  }
0xb2: {  	s29 =	simm.s32 $0x9;
	_ =	strace $0x8000004B  }
0xb3: {  	_ =	swait.ge [sflag:s29], $0x1  }
0xb4: {  	[sflag:s29] =	ssyncadd.s32 $0xFFFFFFFF  }
0xb5: {  	_ =	strace $0x9000004B  }
0xb6: {  	_ =	sfence  }
0xb7: {  	s30 =	sld [smem:$0x0];
	_ =	sdelay $0x2  }
0xb8: {  	s31 =	sshll.u32 s1, $0xD;
	s1 =	sshrl.u32 s1, $0x2  }
0xb9: {  	s3 =	sand.u32 $0x4000, s31;
	s1 =	sadd.s32 s1, s30  }
0xba: {  	s0 =	sor.u32 s3, s0;
	s1 =	sshll.u32 s1, $0x11  }
0xbb: {  	s0 =	sor.u32 s1, s0  }
0xbc: {  	s0 =	sadd.s32 $0x8F2B, s0  }
0xbd: {  	[sflag:s0] =	ssyncadd.remote.s32 $0x1  }
0xbe: {  	_ =	sfence.sel $0xFFFF  }
0xbf: {  	[dreg:$0x0] =	wrdreg $0xFFFFFFFF;
	(pc) =	sbr.abs _section_cstart, $3  }
0xc0: {  	[dreg:$0x1] =	wrdreg $0xFFFFFFFF  }
0xc1: {  	_ =	task.clear_ibuf [dreg:s6], $0x2FFFF;
	_ =	strace $0x9FFFFFFF  }
0xc2: {  	(tm) =	ssettm $0x7FFFFFFF  }
0xc3: {  	_ =	shalt  }
tec
execute0_lowered:
.L_overlay_start_1:
0x0: {  	(tag) =	ssettag $0x1  }
0x1: {  	s4 =	rddreg [dreg:$0x0]  }
0x2: {  	s1 =	rddreg [dreg:$0x1]  }
0x3: {  	s0 =	rddreg [dreg:$0x2];
	s2 =	simm.s32 $0x0;
	s3 =	srdreg.scid  }
0x4: {  	s20 =	stileid.u32;
	s16 =	simm.s32 $0x16A8;
	s17 =	simm.s32 $0x50  }
0x5: {  	s18 =	simm.s32 $0x3;
	s19 =	simm.s32 $0x2;
	s6 =	smul.u32 $0x1F40, s20  }
0x6: {  	[smem:$0x7FF] =	sst s2;
	s8 =	sand.u32 $0x1, s3;
	s14 =	smul.u32 $0x4E20, s20  }
0x7: {  	s26 =	sshll.u32 s20, $0x1;
	s9 =	sadd.s32 $0x10000, s4;
	s29 =	smul.u32 $0x9C4, s20  }
0x8: {  	s10 =	sadd.s32 $0x523000, s4;
	s3 =	sadd.s32 $0x6200, s4;
	s5 =	smul.u32 $0x13880, s8  }
0x9: {  	p0 =	sne.s32 s20, $0x0;
	p1 =	sgt.u32 s20, $0x9;
	s28 =	smul.u32 $0x2710, s8  }
0xa: {  	s20 =	simm.s32 $0x0;
	s7 =	sor.u32 s8, s26;
	s30 =	smul.u32 $0x4E2, s8  }
0xb: {  	_ =	strace $0x8000004A;
	s12 =	ssub.s32 $0x2, s8;
	s11 =	smul.u32 $0x4E2, s7  }
0xc: {  	s7 =	smul.u32 $0x2710, s7;
	s13 =	sshrl.u32 s12, $0x1;
	s5 =	sadd.s32 s6, s5  }
0xd: {  	s12 =	ssub.s32 s12, s13;
	s6 =	sadd.s32 s6, s1;
	s13 =	simm.s32 $0x13D8  }
0xe: {  	s5 =	sshrl.u32 s5, $0x3;
	s8 =	smax.u32 s12, $0x1;
	s12 =	simm.s32 $0x1388  }
0xf: {  	s15 =	sadd.s32 s5, s4;
	s4 =	sadd.s32 s9, s11;
	s5 =	sadd.s32 s10, s7  }
0x10: {  	s10 =	sadd.s32 s14, s10;
	s11 =	sadd.s32 s29, s9;
	s14 =	simm.s32 $0x1  }
0x11: {  	s7 =	sadd.s32 $0x8A00, s15;
	s9 =	sadd.s32 s28, s10;
	s31 =	sadd.s32 s30, s11  }
0x12: {  	s11 =	sshrl.u32 @!p0 s1, $0x3;
	s15 =	simm.s32 $0x1658;
	s10 =	sadd.s32 $0x14, s31  }
.LBB2_1:
0x13: {  	s21 =	simm.s32 @!p0 $0x1C03  }
0x14: {  	[spmem:s11], [sflag:s21] =	dma.local @!p0 [hbm:s3], $0x2710  }
0x15: {  	s21 =	simm.s32 @!p0 $0x3  }
0x16: {  	_ =	swait.ge @!p0 [sflag:s21], $0x2710  }
0x17: {  	[sflag:s21] =	ssyncset.done @!p0 $0x0  }
0x18: {  	[sflag:s21] =	ssyncadd.s32 @!p0 $0xFFFFD8F0  }
0x19: {  	[bflag:$0x0] =	sbarrier.arrive $0xFFFF  }
0x1a: {  	[tilespmem:s12], [sflag:$0x1] =	stream.linear.gather [hbm4b:s4+s2], $0x50, $0x38;
	[tilespmem:$0x3868] =	vst v63  }
0x1b: {  	_ = 	snop  }
0x1c: {  	[tilespmem:s13], [sflag:$0x1] =	stream.linear.gather [hbm4b:s5+s2], $0x280, $0x38;
	[tilespmem:$0x3868] =	vst v63  }
0x1d: {  	_ =	swait.ge [sflag:s14], $0x50  }
0x1e: {  	[sflag:s14] =	ssyncset.done $0x0  }
0x1f: {  	[sflag:s14] =	ssyncadd.s32 $0xFFFFFFB0  }
0x20: {  	_ =	swait.ge [sflag:s14], $0x280  }
0x21: {  	[sflag:s14] =	ssyncset.done $0x0  }
0x22: {  	s29 =	sadd.s32 $0xFFFFFFF6, s10;
	s22 =	sadd.s32 $0x0, s9;
	[sflag:s14] =	ssyncadd.s32 $0xFFFFFD80  }
0x23: {  	[tilespmem:s15], [sflag:$0x2] =	stream.linear.gather [hbm4b:s29+s2], $0x50, $0x38;
	[tilespmem:$0x3868] =	vst v63  }
0x24: {  	s30 =	sadd.s32 $0x50, s22  }
0x25: {  	[tilespmem:s16], [sflag:$0x2] =	stream.linear.gather [hbm4b:s30+s2], $0x280, $0x38;
	[tilespmem:$0x3868] =	vst v63  }
0x26: {  	_ = 	snop  }
0x27: {  	[spmem:s1] =	stream.indirect.scatter.add.f32 [tilespmem:s13], [sflag:$0x3], $0x8, s12, s17, $0xb8;
	[tilespmem:$0x3868] =	vst v63  }
0x28: {  	_ =	swait.ge [sflag:s18], $0x280  }
0x29: {  	[sflag:s18] =	ssyncset.done $0x0  }
0x2a: {  	[sflag:s18] =	ssyncadd.s32 $0xFFFFFD80  }
0x2b: {  	_ =	swait.ge [sflag:s19], $0x50  }
0x2c: {  	[sflag:s19] =	ssyncset.done $0x0  }
0x2d: {  	[sflag:s19] =	ssyncadd.s32 $0xFFFFFFB0  }
0x2e: {  	_ =	swait.ge [sflag:s19], $0x280  }
0x2f: {  	[sflag:s19] =	ssyncset.done $0x0  }
0x30: {  	[sflag:s19] =	ssyncadd.s32 $0xFFFFFD80  }
0x31: {  	[tilespmem:s12], [sflag:$0x1] =	stream.linear.gather [hbm4b:s10+s2], $0x50, $0x38;
	[tilespmem:$0x3868] =	vst v63  }
0x32: {  	s31 =	sadd.s32 $0xA0, s22  }
0x33: {  	[tilespmem:s13], [sflag:$0x1] =	stream.linear.gather [hbm4b:s31+s2], $0x280, $0x38;
	[tilespmem:$0x3868] =	vst v63  }
0x34: {  	_ = 	snop  }
0x35: {  	[spmem:s1] =	stream.indirect.scatter.add.f32 [tilespmem:s16], [sflag:$0x3], $0x8, s15, s17, $0xb8;
	[tilespmem:$0x3868] =	vst v63  }
0x36: {  	_ =	swait.ge [sflag:s18], $0x280  }
0x37: {  	s22 =	smov.u32 s10;
	s21 =	simm.s32 $0xA0;
	[sflag:s18] =	ssyncset.done $0x0  }
.LBB2_2:
0x38: {  	p2 =	sne.s32 s21, $0x2620;
	[sflag:s18] =	ssyncadd.s32 $0xFFFFFD80;
	s22 =	sadd.s32 $0x14, s22  }
0x39: {  	s23 =	smov.u32 s21;
	s21 =	sadd.s32 $0xA0, s21  }
0x3a: {  	_ =	swait.ge [sflag:s14], $0x50  }
0x3b: {  	[sflag:s14] =	ssyncset.done $0x0  }
0x3c: {  	[sflag:s14] =	ssyncadd.s32 $0xFFFFFFB0  }
0x3d: {  	_ =	swait.ge [sflag:s14], $0x280  }
0x3e: {  	[sflag:s14] =	ssyncset.done $0x0  }
0x3f: {  	s24 =	sadd.s32 $0xFFFFFFF6, s22;
	s23 =	sadd.s32 s23, s9;
	[sflag:s14] =	ssyncadd.s32 $0xFFFFFD80  }
0x40: {  	[tilespmem:s15], [sflag:$0x2] =	stream.linear.gather [hbm4b:s24+s2], $0x50, $0x38;
	[tilespmem:$0x3868] =	vst v63  }
0x41: {  	s24 =	sadd.s32 $0x50, s23  }
0x42: {  	[tilespmem:s16], [sflag:$0x2] =	stream.linear.gather [hbm4b:s24+s2], $0x280, $0x38;
	[tilespmem:$0x3868] =	vst v63  }
0x43: {  	_ = 	snop  }
0x44: {  	[spmem:s1] =	stream.indirect.scatter.add.f32 [tilespmem:s13], [sflag:$0x3], $0x8, s12, s17, $0xb8;
	[tilespmem:$0x3868] =	vst v63  }
0x45: {  	_ =	swait.ge [sflag:s18], $0x280  }
0x46: {  	[sflag:s18] =	ssyncset.done $0x0  }
0x47: {  	[sflag:s18] =	ssyncadd.s32 $0xFFFFFD80  }
0x48: {  	_ =	swait.ge [sflag:s19], $0x50  }
0x49: {  	[sflag:s19] =	ssyncset.done $0x0  }
0x4a: {  	[sflag:s19] =	ssyncadd.s32 $0xFFFFFFB0  }
0x4b: {  	_ =	swait.ge [sflag:s19], $0x280  }
0x4c: {  	[sflag:s19] =	ssyncset.done $0x0  }
0x4d: {  	[sflag:s19] =	ssyncadd.s32 $0xFFFFFD80  }
0x4e: {  	[tilespmem:s12], [sflag:$0x1] =	stream.linear.gather [hbm4b:s22+s2], $0x50, $0x38;
	[tilespmem:$0x3868] =	vst v63  }
0x4f: {  	s23 =	sadd.s32 $0xA0, s23  }
0x50: {  	[tilespmem:s13], [sflag:$0x1] =	stream.linear.gather [hbm4b:s23+s2], $0x280, $0x38;
	[tilespmem:$0x3868] =	vst v63  }
.Ltmp0:
0x51: {  	_ = 	snop;
	(pc) =	sbr.rel @p2 .LBB2_2-.Ltmp0, $4  }
0x52: {  	_ = 	snop  }
0x53: {  	[spmem:s1] =	stream.indirect.scatter.add.f32 [tilespmem:s16], [sflag:$0x3], $0x8, s15, s17, $0xb8;
	[tilespmem:$0x3868] =	vst v63  }
0x54: {  	_ =	swait.ge [sflag:s18], $0x280  }
0x55: {  	[sflag:s18] =	ssyncset.done $0x0  }
0x56: {  	[sflag:s18] =	ssyncadd.s32 $0xFFFFFD80  }
0x57: {  	_ =	swait.ge [sflag:s14], $0x50  }
0x58: {  	[sflag:s14] =	ssyncset.done $0x0  }
0x59: {  	[sflag:s14] =	ssyncadd.s32 $0xFFFFFFB0  }
0x5a: {  	_ =	swait.ge [sflag:s14], $0x280  }
0x5b: {  	[sflag:s14] =	ssyncset.done $0x0  }
0x5c: {  	[sflag:s14] =	ssyncadd.s32 $0xFFFFFD80  }
0x5d: {  	[spmem:s1] =	stream.indirect.scatter.add.f32 [tilespmem:s13], [sflag:$0x3], $0x8, s12, s17, $0xb8;
	[tilespmem:$0x3868] =	vst v63  }
0x5e: {  	_ =	swait.ge [sflag:s18], $0x280  }
0x5f: {  	[sflag:s18] =	ssyncset.done $0x0  }
0x60: {  	[sflag:s18] =	ssyncadd.s32 $0xFFFFFD80  }
0x61: {  	s21 =	simm.s32 @!p1 $0x1928;
	s22 =	simm.s32 @!p1 $0x3;
	[bflag:$0x0] =	sbarrier.arrive $0xFFFF  }
0x62: {  	[tilespmem:s21], [sflag:$0x3] =	stream.linear.gather @!p1 [spmem:s6], $0x1F40, $0x38;
	[tilespmem:$0x3868] =	vst v63  }
0x63: {  	s20 =	sadd.s32 $0x1, s20;
	_ =	swait.ge @!p1 [sflag:s22], $0x1F40  }
0x64: {  	p2 =	sne.s32 s20, s8;
	[sflag:s22] =	ssyncset.done @!p1 $0x0  }
.Ltmp1:
0x65: {  	s23 =	simm.s32 @!p1 $0x0;
	[sflag:s22] =	ssyncadd.s32 @!p1 $0xFFFFE0C0;
	(pc) =	sbr.rel @p2 .LBB2_1-.Ltmp1, $4  }
0x66: {  	[hbm4b:s7+s23] =	stream.linear.scatter @!p1 [tilespmem:s21], [sflag:$0x3], $0x1F40, $0x38;
	[tilespmem:$0x3868] =	vst v63  }
0x67: {  	_ =	swait.ge @!p1 [sflag:s22], $0x1F40  }
0x68: {  	[sflag:s22] =	ssyncset.done @!p1 $0x0  }
0x69: {  	[sflag:s22] =	ssyncadd.s32 @!p1 $0xFFFFE0C0  }
0x6a: {  	_ =	sfence.sel $0x180000  }
0x6b: {  	[bflag:$0x0] =	sbarrier.arrive $0xFFFF  }
0x6c: {  	_ =	strace $0x9000004A  }
0x6d: {  	s0 =	sadd.s32 @!p0 $0x100000, s0;
	[bflag:$0x2] =	sbarrier.arrive $0xFFFF  }
0x6e: {  	[sflag:s0] =	ssyncadd.tile.s32 @!p0 $0x1;
	_ =	shalt  }
.Lfunc_end2:
_tile_overlayer_lowered:
.L_overlay_start_2:
0x6f: {  	(tag) =	ssettag $0x2  }
0x70: {  	s0 =	rddreg [dreg:$0x0];
	s2 =	stileid.u32  }
0x71: {  	s1 =	rddreg [dreg:$0x1];
	p0 =	sne.s32 s2, $0x0  }
0x72: {  	s3 =	rddreg [dreg:$0x2];
	[bflag:$0x3] =	sbarrier.arrive $0xFFFF;
	s2 =	simm.s32 @!p0 $0x1C03  }
0x73: {  	[timem:s3], [sflag:s2] =	dma.local @!p0 [hbm:s0], s1  }
0x74: {  	s0 =	simm.s32 @!p0 $0x3  }
0x75: {  	_ =	swait.ge @!p0 [sflag:s0], s1  }
0x76: {  	s1 =	ssub.s32 @!p0 $0x0, s1;
	[sflag:s0] =	ssyncset.done @!p0 $0x0  }
0x77: {  	[sflag:s0] =	ssyncadd.s32 @!p0 s1  }
0x78: {  	[bflag:$0x3] =	sbarrier.arrive $0xFFFF  }
0x79: {  	_ =	shalt  }

// kernel: kernel.7.cloned.1.call-start
scs
__scs_entry_jumppad:
0x0: {  	(pc) =	sbr.rel $0x88, $3  }
0x1: {  	(tag) =	ssettag $0x0;
	lr =	simm.s32 $0x1  }
0x2: {  	[smem:$0x3F5E] =	sst lr;
	_ =	strace $0xD0000000  }
0x3: {  	_ = 	snop  }
0x4: {  	_ = 	snop  }
0x5: {  	_ = 	snop  }
0x6: {  	_ = 	snop  }
0x7: {  	_ = 	snop  }
__scs_overlays_trampoline_lowered:
0x8: {  	[smem:$0x3F6D] =	sst s0  }
0x9: {  	[smem:$0x3F6E] =	sst s1  }
0xa: {  	[smem:$0x3F6F] =	sst s2  }
0xb: {  	[smem:$0x3F70] =	sst s3  }
0xc: {  	[smem:$0x3F71] =	sst s4  }
0xd: {  	[smem:$0x3F72] =	sst s5  }
0xe: {  	[smem:$0x3F73] =	sst s6  }
0xf: {  	[smem:$0x3F74] =	sst s7  }
0x10: {  	[smem:$0x3F75] =	sst s8  }
0x11: {  	[smem:$0x3F76] =	sst s9;
	s0 =	simm.s32 @!p0 $0x0  }
0x12: {  	s1 =	sld [smem:$0x3F5C];
	s0 =	simm.s32 @p0 $0x1  }
0x13: {  	[smem:$0x3F77] =	sst s0;
	s0 =	simm.s32 @!p1 $0x0  }
0x14: {  	s2 =	sld [smem:$0x3F5B];
	s0 =	simm.s32 @p1 $0x1  }
0x15: {  	[smem:$0x3F78] =	sst s0;
	s0 =	simm.s32 @!p2 $0x0  }
0x16: {  	s3 =	sld [smem:$0x3FDB];
	s0 =	simm.s32 @p2 $0x1  }
0x17: {  	s4 =	simm.s32 $0x1BF5;
	[smem:$0x3F7A] =	sst s0  }
0x18: {  	s0 =	sld [smem:$0x3F5D];
	_ =	swait.ge [sflag:s4], $0x0  }
0x19: {  	s7 =	sld [smem:$0x3F5E]  }
0x1a: {  	s8 =	sadd.s32 $0xFFFFE003, lr  }
0x1b: {  	s9 =	sadd.s32 $0xFFFFFEF7, lr;
	s5 =	simm.s32 $0xFFFFFFFF;
	p2 =	slt.u32 s8, $0xFFFFF086  }
0x1c: {  	p1 =	slt.u32 s9, $0xF7A;
	s5 =	simm.s32 @!p2 $0x0  }
0x1d: {  	s5 =	simm.s32 @p1 $0x1;
	p0 =	seq.s32 s7, s2  }
0x1e: {  	s7 =	smul.u32 @!p0 $0xF7A, s2;
	p2 =	seq.s32 @!p0 s5, $0x0  }
0x1f: {  	s9 =	smul.u32 $0xF7A, s1;
	s8 =	simm.s32 @!p0 $0x1BF5;
	p2 =	por !p2, p0  }
0x20: {  	[sflag:s8] =	ssyncset.s32 @!p0 $0xFFFFF086;
	s6 =	sadd.s32 @!p0 s3, s7;
	s7 =	simm.s32 @!p0 $0x108  }
0x21: {  	s3 =	sadd.s32 s3, s9;
	s6 =	sadd.s32 @!p0 $0x88, s6;
	s7 =	simm.s32 @p2 $0x1082  }
0x22: {  	[simem:s7], [sflag:s8] =	dma.local @!p0 [hbm:s6], $0xF7A  }
0x23: {  	s9 =	sor.u32 $0xD0000000, s2;
	s6 =	simm.s32 $0x108;
	_ =	swait.ge @!p0 [sflag:s8], $0x0  }
0x24: {  	s3 =	sadd.s32 $0x88, s3;
	s6 =	simm.s32 @!p1 $0x1082;
	[sflag:s4] =	ssyncset.s32 $0xFFFFF086  }
0x25: {  	[simem:s6], [sflag:s4] =	dma.local [hbm:s3], $0xF7A  }
0x26: {  	[smem:$0x3F5E] =	sst s1;
	(tag) =	ssettag s2;
	_ =	strace s9  }
0x27: {  	s1 =	sld [smem:$0x3F6E]  }
0x28: {  	s2 =	sld [smem:$0x3F6F]  }
0x29: {  	s4 =	sld [smem:$0x3F71]  }
0x2a: {  	p0 =	seq.s32 s5, $0x0;
	s5 =	sld [smem:$0x3F72]  }
0x2b: {  	s6 =	sld [smem:$0x3F73]  }
0x2c: {  	s7 =	sld [smem:$0x3F74]  }
0x2d: {  	s3 =	simm.s32 $0x108;
	s8 =	sld [smem:$0x3F75]  }
0x2e: {  	s3 =	simm.s32 @!p0 $0x1082;
	s9 =	sld [smem:$0x3F76]  }
0x2f: {  	lr =	sadd.s32 s0, s3;
	s0 =	sld [smem:$0x3F6D]  }
0x30: {  	s3 =	sld [smem:$0x3F70]  }
0x31: {  	[smem:$0x3F79] =	sst s10  }
0x32: {  	s10 =	sld [smem:$0x3F77];
	_ =	sdelay $0x3  }
0x33: {  	p0 =	seq.s32 s10, $0x1;
	s10 =	sld [smem:$0x3F79];
	_ =	sdelay $0x3  }
0x34: {  	[smem:$0x3F79] =	sst s10  }
0x35: {  	s10 =	sld [smem:$0x3F78];
	_ =	sdelay $0x3  }
0x36: {  	p1 =	seq.s32 s10, $0x1;
	s10 =	sld [smem:$0x3F79];
	_ =	sdelay $0x3  }
0x37: {  	[smem:$0x3F79] =	sst s10  }
0x38: {  	s10 =	sld [smem:$0x3F7A]  }
0x39: {  	_ = 	snop;
	(pc) =	sbr.ind lr, $3  }
0x3a: {  	_ = 	snop  }
0x3b: {  	_ = 	snop  }
0x3c: {  	p2 =	seq.s32 s10, $0x1;
	s10 =	sld [smem:$0x3F79]  }
0x3d: {  	_ =	shalt  }
0x3e: {  	_ =	shalt  }
0x3f: {  	_ =	shalt  }
0x40: {  	_ =	shalt  }
0x41: {  	_ =	shalt  }
0x42: {  	_ =	shalt  }
0x43: {  	_ =	shalt  }
0x44: {  	_ =	shalt  }
0x45: {  	_ =	shalt  }
0x46: {  	_ =	shalt  }
0x47: {  	_ =	shalt  }
0x48: {  	_ =	shalt  }
0x49: {  	_ =	shalt  }
0x4a: {  	_ =	shalt  }
0x4b: {  	_ =	shalt  }
0x4c: {  	_ =	shalt  }
0x4d: {  	_ =	shalt  }
0x4e: {  	_ =	shalt  }
0x4f: {  	_ =	shalt  }
0x50: {  	_ =	shalt  }
0x51: {  	_ =	shalt  }
0x52: {  	_ =	shalt  }
0x53: {  	_ =	shalt  }
0x54: {  	_ =	shalt  }
0x55: {  	_ =	shalt  }
0x56: {  	_ =	shalt  }
0x57: {  	_ =	shalt  }
0x58: {  	_ =	shalt  }
0x59: {  	_ =	shalt  }
0x5a: {  	_ =	shalt  }
0x5b: {  	_ =	shalt  }
0x5c: {  	_ =	shalt  }
0x5d: {  	_ =	shalt  }
0x5e: {  	_ =	shalt  }
0x5f: {  	_ =	shalt  }
0x60: {  	_ =	shalt  }
0x61: {  	_ =	shalt  }
0x62: {  	_ =	shalt  }
0x63: {  	_ =	shalt  }
0x64: {  	_ =	shalt  }
0x65: {  	_ =	shalt  }
0x66: {  	_ =	shalt  }
0x67: {  	_ =	shalt  }
0x68: {  	_ =	shalt  }
0x69: {  	_ =	shalt  }
0x6a: {  	_ =	shalt  }
0x6b: {  	_ =	shalt  }
0x6c: {  	_ =	shalt  }
0x6d: {  	_ =	shalt  }
0x6e: {  	_ =	shalt  }
0x6f: {  	_ =	shalt  }
0x70: {  	_ =	shalt  }
0x71: {  	_ =	shalt  }
0x72: {  	_ =	shalt  }
0x73: {  	_ =	shalt  }
0x74: {  	_ =	shalt  }
0x75: {  	_ =	shalt  }
0x76: {  	_ =	shalt  }
0x77: {  	_ =	shalt  }
0x78: {  	_ =	shalt  }
0x79: {  	_ =	shalt  }
0x7a: {  	_ =	shalt  }
0x7b: {  	_ =	shalt  }
0x7c: {  	_ =	shalt  }
0x7d: {  	_ =	shalt  }
0x7e: {  	_ =	shalt  }
0x7f: {  	_ =	shalt  }
0x80: {  	_ =	shalt  }
0x81: {  	_ =	shalt  }
0x82: {  	_ =	shalt  }
0x83: {  	_ =	shalt  }
0x84: {  	_ =	shalt  }
0x85: {  	_ =	shalt  }
0x86: {  	_ =	shalt  }
0x87: {  	_ =	shalt  }
.Lfunc_end0:
.L_simem_size_0:
called_computation_lowered:
.L_overlay_start_0:
0x88: {  	s2 =	sld [smem:$0x3FD9]  }
0x89: {  	s3 =	sld [smem:$0x3FFE];
	_ =	sdelay $0x1  }
0x8a: {  	s1 =	srdreg.scid  }
0x8b: {  	s0 =	sand.u32 $0x1, s1  }
0x8c: {  	s14 =	sshll.u32 s0, $0xA;
	s2 =	sadd.s32 s3, s2  }
0x8d: {  	s2 =	sadd.s32 s2, s14  }
0x8e: {  	[smem:$0x3F85] =	sst s2  }
0x8f: {  	_ = 	snop  }
0x90: {  	s2 =	sld [smem:$0x3FD0];
	_ =	sdelay $0x2  }
0x91: {  	s15 =	simm.s32 $0xA;
	s4 =	simm.s32 $0x10  }
0x92: {  	[smem:s4], [sflag:s15] =	dma.local [hbm:s2], $0x1  }
0x93: {  	_ =	swait.eq [sflag:s15], $0x1  }
0x94: {  	[sflag:s15] =	ssyncset.done $0x0  }
0x95: {  	s16 =	sld [smem:$0x11];
	[sflag:s15] =	ssyncadd.s32 $0xFFFFFFFF  }
0x96: {  	s17 =	sld [smem:$0x12];
	(tm) =	ssettm $0x1  }
0x97: {  	s18 =	sld [smem:$0x3FFB];
	_ =	sdelay $0x3  }
0x98: {  	_ =	strace s18  }
0x99: {  	s4 =	sld [smem:$0x3FFC];
	_ =	sdelay $0x3  }
0x9a: {  	_ =	strace s4  }
0x9b: {  	s4 =	sld [smem:$0x3FFD];
	_ =	sdelay $0x3  }
0x9c: {  	_ =	strace s4  }
0x9d: {  	_ =	strace $0x8FFFFFFF  }
0x9e: {  	s19 =	sld [smem:$0x3FDB];
	_ =	sdelay $0x1  }
0x9f: {  	s5 =	simm.s32 $_scs_section_size  }
0xa0: {  	s6 =	simm.s32 $_size__tile_overlayer_lowered;
	s7 =	simm.s32 $_tile_overlayer_lowered  }
0xa1: {  	s22 =	simm.s32 $0x1BFF;
	s21 =	sshll.u32 s7, $0x1;
	s4 =	sadd.s32 s5, s19  }
0xa2: {  	s8 =	simm.s32 $0x0;
	s20 =	sshll.u32 s6, $0x1;
	s6 =	sadd.s32 s21, s4  }
0xa3: {  	[timem:s8], [sflag:s22] =	dma.local [hbm:s6], s20  }
0xa4: {  	_ =	swait.ge [sflag:s22], s20  }
0xa5: {  	s5 =	ssub.s32 $0x0, s20;
	[sflag:s22] =	ssyncset.done $0x0  }
0xa6: {  	[sflag:s22] =	ssyncadd.s32 s5;
	_ =	sdelay $0x1  }
0xa7: {  	s23 =	simm.s32 $0x1B8B  }
0xa8: {  	_ =	swait.ge [sflag:s23], $0x1  }
0xa9: {  	[sflag:s23] =	ssyncset.done $0x0  }
0xaa: {  	s25 =	simm.s32 $0x1B8E;
	s24 =	sld [smem:$0x3FFE];
	[sflag:s23] =	ssyncadd.s32 $0xFFFFFFFF  }
0xab: {  	s26 =	simm.s32 $execute0_lowered;
	[smem:$0x3FD2] =	sst s25  }
0xac: {  	s6 =	sshll.u32 s26, $0x1;
	_ =	strace $0x80000046;
	[dreg:$0x1] =	wrdreg $0xFFFFFFFF  }
0xad: {  	s28 =	simm.s32 $_size_execute0_lowered;
	s4 =	sadd.s32 s4, s6;
	[dreg:$0x0] =	wrdreg $0x0  }
0xae: {  	s6 =	sshll.u32 s28, $0x1;
	[dreg:$0x2] =	wrdreg s4  }
0xaf: {  	[dreg:$0x3] =	wrdreg s6  }
0xb0: {  	[dreg:$0x4] =	wrdreg $0xC0  }
0xb1: {  	_ =	task [dreg:s8], $0x5FFFF  }
0xb2: {  	[dreg:$0x1] =	wrdreg $0xFFFFFFFF  }
0xb3: {  	[dreg:$0x0] =	wrdreg $0x60  }
0xb4: {  	[dreg:$0x2] =	wrdreg s17  }
0xb5: {  	[dreg:$0x3] =	wrdreg s16  }
0xb6: {  	[dreg:$0x4] =	wrdreg s24  }
0xb7: {  	[dreg:$0x5] =	wrdreg $0x9  }
0xb8: {  	_ =	task.clear_ibuf [dreg:s8], $0x6FFFF;
	_ =	strace $0x90000046  }
0xb9: {  	s29 =	simm.s32 $0x9;
	_ =	strace $0x80000048  }
0xba: {  	_ =	swait.ge [sflag:s29], $0x1  }
0xbb: {  	[sflag:s29] =	ssyncadd.s32 $0xFFFFFFFF  }
0xbc: {  	_ =	strace $0x90000048  }
0xbd: {  	_ =	sfence  }
0xbe: {  	s30 =	sld [smem:$0x0];
	_ =	sdelay $0x2  }
0xbf: {  	s31 =	sshll.u32 s1, $0xD;
	s1 =	sshrl.u32 s1, $0x2  }
0xc0: {  	s3 =	sand.u32 $0x4000, s31;
	s1 =	sadd.s32 s1, s30  }
0xc1: {  	s0 =	sor.u32 s3, s0;
	s1 =	sshll.u32 s1, $0x11  }
0xc2: {  	s0 =	sor.u32 s1, s0  }
0xc3: {  	s0 =	sadd.s32 $0x8F2B, s0  }
0xc4: {  	[sflag:s0] =	ssyncadd.remote.s32 $0x1  }
0xc5: {  	_ =	sfence.sel $0xFFFF  }
0xc6: {  	[dreg:$0x0] =	wrdreg $0xFFFFFFFF;
	(pc) =	sbr.abs _section_cstart, $3  }
0xc7: {  	[dreg:$0x1] =	wrdreg $0xFFFFFFFF  }
0xc8: {  	_ =	task.clear_ibuf [dreg:s8], $0x2FFFF;
	_ =	strace $0x9FFFFFFF  }
0xc9: {  	(tm) =	ssettm $0x7FFFFFFF  }
tec
execute0_lowered:
.L_overlay_start_1:
0x0: {  	(tag) =	ssettag $0x1  }
0x1: {  	s1 =	rddreg [dreg:$0x0]  }
0x2: {  	s2 =	rddreg [dreg:$0x1]  }
0x3: {  	s0 =	rddreg [dreg:$0x2]  }
0x4: {  	s4 =	simm.s32 $0x0;
	s3 =	srdreg.scid;
	s14 =	stileid.u32  }
0x5: {  	s28 =	simm.s32 $0x1;
	s29 =	simm.s32 $0x3;
	s30 =	simm.s32 $0x2  }
0x6: {  	s31 =	simm.s32 $0x4;
	[smem:$0x7FF] =	sst s4;
	s3 =	sand.u32 $0x1, s3  }
0x7: {  	s5 =	sshll.u32 s14, $0x1;
	s6 =	sadd.s32 $0x6200, s0;
	s17 =	smul.u32 $0x9C4, s14  }
0x8: {  	s7 =	sadd.s32 $0x10000, s0;
	s8 =	sadd.s32 $0x54C00, s0;
	s20 =	smul.u32 $0x4E200, s14  }
0x9: {  	s10 =	sadd.s32 $0x536C00, s0;
	s11 =	sadd.s32 $0x41000, s0;
	s19 =	smul.u32 $0x4E2, s3  }
0xa: {  	s5 =	sor.u32 s3, s5;
	s12 =	ssub.s32 $0x2, s3;
	s3 =	smul.u32 $0x27100, s3  }
0xb: {  	s0 =	sadd.s32 $0x4AE00, s0;
	s14 =	simm.s32 $0x5;
	s9 =	smul.u32 $0x2710, s5  }
0xc: {  	_ =	strace $0x80000047;
	s13 =	sshrl.u32 s12, $0x1;
	s5 =	smul.u32 $0x4E2, s5  }
0xd: {  	s22 =	sadd.s32 s20, s8;
	s24 =	sadd.s32 s17, s11;
	s12 =	ssub.s32 s12, s13  }
0xe: {  	s23 =	sadd.s32 s3, s22;
	s22 =	simm.s32 $0x5280;
	s9 =	sadd.s32 $0x26C0, s9  }
0xf: {  	s15 =	sadd.s32 s6, s5;
	s5 =	sadd.s32 s7, s5;
	s12 =	smax.u32 s12, $0x1  }
0x10: {  	s6 =	sadd.s32 s17, s6;
	s7 =	sadd.s32 s17, s7;
	[dreg:$0x8] =	wrdreg s15  }
0x11: {  	s25 =	sshll.u32 s9, $0x4;
	[dreg:$0x9] =	wrdreg s5;
	s16 =	sshrl.u32 s9, $0x3  }
0x12: {  	[dreg:$0xe] =	wrdreg s12;
	s6 =	sadd.s32 s19, s6;
	s21 =	sadd.s32 s19, s7  }
0x13: {  	s7 =	sadd.s32 s19, s24;
	s24 =	simm.s32 $0x7B00;
	[dreg:$0x4] =	wrdreg s6  }
0x14: {  	s26 =	sadd.s32 s8, s25;
	s15 =	sadd.s32 s10, s25;
	[dreg:$0x5] =	wrdreg s21  }
0x15: {  	s18 =	sadd.s32 s11, s16;
	s5 =	sadd.s32 s0, s16;
	[dreg:$0x6] =	wrdreg s7  }
0x16: {  	s25 =	sadd.s32 s20, s10;
	s0 =	sadd.s32 s17, s0;
	[dreg:$0xa] =	wrdreg s26  }
0x17: {  	s16 =	simm.s32 $0x50;
	s17 =	simm.s32 $0x100;
	[dreg:$0xb] =	wrdreg s15  }
0x18: {  	s20 =	simm.s32 $0x5180;
	s21 =	simm.s32 $0x5200;
	[dreg:$0xc] =	wrdreg s18  }
0x19: {  	[dreg:$0xd] =	wrdreg s5;
	s3 =	sadd.s32 s3, s25;
	s0 =	sadd.s32 s19, s0  }
0x1a: {  	s26 =	sadd.s32 $0x500, s23;
	s15 =	simm.s32 $0x80;
	s18 =	simm.s32 $0x2900  }
0x1b: {  	s19 =	simm.s32 $0x5100;
	s23 =	simm.s32 $0x5300;
	[dreg:$0xf] =	wrdreg s26  }
0x1c: {  	s25 =	simm.s32 $0xA300;
	s3 =	sadd.s32 $0x500, s3;
	[dreg:$0x7] =	wrdreg s0  }
0x1d: {  	s26 =	simm.s32 $0xA380;
	s0 =	simm.s32 $0x0;
	[dreg:$0x10] =	wrdreg s3  }
.LBB2_1:
0x1e: {  	s3 =	rddreg [dreg:$0x8]  }
0x1f: {  	[tilespmem:s4], [sflag:$0x5] =	stream.linear.gather [hbm4b:s3+s4], $0x50, $0x38;
	[tilespmem:$0xA400] =	vst v63  }
0x20: {  	_ =	swait.ge [sflag:s14], $0x50  }
0x21: {  	[sflag:s14] =	ssyncset.done $0x0  }
0x22: {  	s7 =	rddreg [dreg:$0x9];
	[sflag:s14] =	ssyncadd.s32 $0xFFFFFFB0  }
0x23: {  	[tilespmem:s15], [sflag:$0x5] =	stream.linear.gather [hbm4b:s7+s4], $0x50, $0x38;
	[tilespmem:$0xA400] =	vst v63  }
0x24: {  	_ =	swait.ge [sflag:s14], $0x50  }
0x25: {  	[sflag:s14] =	ssyncset.done $0x0  }
0x26: {  	[sflag:s14] =	ssyncadd.s32 $0xFFFFFFB0  }
0x27: {  	[tilespmem:s17], [sflag:$0x1] =	stream.indirect.gather [hbm4b:s1+s16], $0x80, s4, s16, $0xb8;
	[tilespmem:$0xA400] =	vst v63  }
0x28: {  	p0 =	por $0x1, $0x1  }
0x29: {  	[tilespmem:s18], [sflag:$0x1] =	stream.indirect.gather [hbm4b:s1+s16], $0x80, s15, s16, $0xb8;
	[tilespmem:$0xA400] =	vst v63  }
0x2a: {  	p0 =	por p0, p0  }
0x2b: {  	[tilespmem:s19], [sflag:$0x1] =	stream.indirect.gather [hbm4b:s2+s16], $0x1, s4, s16, $0xb8;
	[tilespmem:$0xA400] =	vst v63  }
0x2c: {  	s3 =	simm.s32 @!p0 $0x4  }
0x2d: {  	[tilespmem:s20], [sflag:$0x1] =	stream.indirect.gather [hbm4b:s2+s16], $0x1, s15, s16, $0xb8;
	[tilespmem:$0xA400] =	vst v63  }
0x2e: {  	_ =	swait.ge @!p0 [sflag:s3], $0x2800  }
0x2f: {  	[sflag:s3] =	ssyncset.done @!p0 $0x0  }
0x30: {  	[sflag:s3] =	ssyncadd.s32 @!p0 $0xFFFFD800  }
0x31: {  	_ =	swait.ge @!p0 [sflag:s3], $0x2800  }
0x32: {  	[sflag:s3] =	ssyncset.done @!p0 $0x0  }
0x33: {  	[sflag:s3] =	ssyncadd.s32 @!p0 $0xFFFFD800  }
0x34: {  	_ =	swait.ge @!p0 [sflag:s3], $0x50  }
0x35: {  	[sflag:s3] =	ssyncset.done @!p0 $0x0  }
0x36: {  	[sflag:s3] =	ssyncadd.s32 @!p0 $0xFFFFFFB0  }
0x37: {  	_ =	swait.ge @!p0 [sflag:s3], $0x50  }
0x38: {  	s5 =	rddreg [dreg:$0x4]  }
0x39: {  	[sflag:s3] =	ssyncset.done @!p0 $0x0;
	s5 =	sadd.s32 $0x0, s5  }
0x3a: {  	[sflag:s3] =	ssyncadd.s32 @!p0 $0xFFFFFFB0;
	s8 =	sadd.s32 $0xA, s5  }
0x3b: {  	[tilespmem:s21], [sflag:$0x5] =	stream.linear.gather [hbm4b:s8+s4], $0x50, $0x38;
	[tilespmem:$0xA400] =	vst v63  }
0x3c: {  	_ =	swait.ge [sflag:s14], $0x50  }
0x3d: {  	s9 =	rddreg [dreg:$0x5]  }
0x3e: {  	[sflag:s14] =	ssyncset.done $0x0;
	s3 =	sadd.s32 $0x0, s9  }
0x3f: {  	[sflag:s14] =	ssyncadd.s32 $0xFFFFFFB0;
	s6 =	sadd.s32 $0xA, s3  }
0x40: {  	[tilespmem:s22], [sflag:$0x5] =	stream.linear.gather [hbm4b:s6+s4], $0x50, $0x38;
	[tilespmem:$0xA400] =	vst v63  }
0x41: {  	_ =	swait.ge [sflag:s14], $0x50  }
0x42: {  	[sflag:s14] =	ssyncset.done $0x0  }
0x43: {  	[sflag:s14] =	ssyncadd.s32 $0xFFFFFFB0  }
0x44: {  	[tilespmem:s23], [sflag:$0x2] =	stream.indirect.gather [hbm4b:s1+s16], $0x80, s21, s16, $0xb8;
	[tilespmem:$0xA400] =	vst v63  }
0x45: {  	_ = 	snop  }
0x46: {  	[tilespmem:s24], [sflag:$0x2] =	stream.indirect.gather [hbm4b:s1+s16], $0x80, s22, s16, $0xb8;
	[tilespmem:$0xA400] =	vst v63  }
0x47: {  	_ = 	snop  }
0x48: {  	[tilespmem:s25], [sflag:$0x2] =	stream.indirect.gather [hbm4b:s2+s16], $0x1, s21, s16, $0xb8;
	[tilespmem:$0xA400] =	vst v63  }
0x49: {  	_ = 	snop  }
0x4a: {  	[tilespmem:s26], [sflag:$0x2] =	stream.indirect.gather [hbm4b:s2+s16], $0x1, s22, s16, $0xb8;
	[tilespmem:$0xA400] =	vst v63  }
0x4b: {  	_ =	swait.ge [sflag:s28], $0x2800  }
0x4c: {  	[sflag:s28] =	ssyncset.done $0x0  }
0x4d: {  	[sflag:s28] =	ssyncadd.s32 $0xFFFFD800  }
0x4e: {  	_ =	swait.ge [sflag:s28], $0x2800  }
0x4f: {  	[sflag:s28] =	ssyncset.done $0x0  }
0x50: {  	[sflag:s28] =	ssyncadd.s32 $0xFFFFD800  }
0x51: {  	_ =	swait.ge [sflag:s28], $0x50  }
0x52: {  	[sflag:s28] =	ssyncset.done $0x0  }
0x53: {  	[sflag:s28] =	ssyncadd.s32 $0xFFFFFFB0  }
0x54: {  	_ =	swait.ge [sflag:s28], $0x50  }
0x55: {  	[sflag:s28] =	ssyncset.done $0x0;
	s9 =	rddreg [dreg:$0xf]  }
0x56: {  	[sflag:s28] =	ssyncadd.s32 $0xFFFFFFB0;
	s10 =	sadd.s32 $0xFFFFFB00, s9  }
0x57: {  	[hbm4b:s10+s4] =	stream.linear.scatter [tilespmem:s17], [sflag:$0x3], $0x2800, $0x38;
	[tilespmem:$0xA400] =	vst v63  }
0x58: {  	s10 =	rddreg [dreg:$0x10]  }
0x59: {  	s7 =	rddreg [dreg:$0x6];
	s11 =	sadd.s32 $0xFFFFFB00, s10  }
0x5a: {  	[hbm4b:s11+s4] =	stream.linear.scatter [tilespmem:s18], [sflag:$0x3], $0x2800, $0x38;
	[tilespmem:$0xA400] =	vst v63  }
0x5b: {  	s8 =	rddreg [dreg:$0x7];
	s12 =	sadd.s32 $0x0, s7  }
0x5c: {  	[hbm4b:s12+s4] =	stream.linear.scatter [tilespmem:s19], [sflag:$0x3], $0x50, $0x38;
	[tilespmem:$0xA400] =	vst v63  }
0x5d: {  	s8 =	sadd.s32 $0x0, s8  }
0x5e: {  	[hbm4b:s8+s4] =	stream.linear.scatter [tilespmem:s20], [sflag:$0x3], $0x50, $0x38;
	[tilespmem:$0xA400] =	vst v63  }
0x5f: {  	_ =	swait.ge [sflag:s29], $0x2800  }
0x60: {  	[sflag:s29] =	ssyncset.done $0x0  }
0x61: {  	[sflag:s29] =	ssyncadd.s32 $0xFFFFD800  }
0x62: {  	_ =	swait.ge [sflag:s29], $0x2800  }
0x63: {  	[sflag:s29] =	ssyncset.done $0x0  }
0x64: {  	[sflag:s29] =	ssyncadd.s32 $0xFFFFD800  }
0x65: {  	_ =	swait.ge [sflag:s29], $0x50  }
0x66: {  	[sflag:s29] =	ssyncset.done $0x0  }
0x67: {  	[sflag:s29] =	ssyncadd.s32 $0xFFFFFFB0  }
0x68: {  	_ =	swait.ge [sflag:s29], $0x50  }
0x69: {  	[sflag:s29] =	ssyncset.done $0x0  }
0x6a: {  	s5 =	sadd.s32 $0x14, s5;
	[sflag:s29] =	ssyncadd.s32 $0xFFFFFFB0  }
0x6b: {  	[tilespmem:s4], [sflag:$0x5] =	stream.linear.gather [hbm4b:s5+s4], $0x50, $0x38;
	[tilespmem:$0xA400] =	vst v63  }
0x6c: {  	_ =	swait.ge [sflag:s14], $0x50  }
0x6d: {  	[sflag:s14] =	ssyncset.done $0x0  }
0x6e: {  	s3 =	sadd.s32 $0x14, s3;
	[sflag:s14] =	ssyncadd.s32 $0xFFFFFFB0  }
0x6f: {  	[tilespmem:s15], [sflag:$0x5] =	stream.linear.gather [hbm4b:s3+s4], $0x50, $0x38;
	[tilespmem:$0xA400] =	vst v63  }
0x70: {  	_ =	swait.ge [sflag:s14], $0x50  }
0x71: {  	[sflag:s14] =	ssyncset.done $0x0  }
0x72: {  	[sflag:s14] =	ssyncadd.s32 $0xFFFFFFB0  }
0x73: {  	[tilespmem:s17], [sflag:$0x1] =	stream.indirect.gather [hbm4b:s1+s16], $0x80, s4, s16, $0xb8;
	[tilespmem:$0xA400] =	vst v63  }
0x74: {  	_ = 	snop  }
0x75: {  	[tilespmem:s18], [sflag:$0x1] =	stream.indirect.gather [hbm4b:s1+s16], $0x80, s15, s16, $0xb8;
	[tilespmem:$0xA400] =	vst v63  }
0x76: {  	_ = 	snop  }
0x77: {  	[tilespmem:s19], [sflag:$0x1] =	stream.indirect.gather [hbm4b:s2+s16], $0x1, s4, s16, $0xb8;
	[tilespmem:$0xA400] =	vst v63  }
0x78: {  	_ = 	snop  }
0x79: {  	[tilespmem:s20], [sflag:$0x1] =	stream.indirect.gather [hbm4b:s2+s16], $0x1, s15, s16, $0xb8;
	[tilespmem:$0xA400] =	vst v63  }
0x7a: {  	_ =	swait.ge [sflag:s30], $0x2800  }
0x7b: {  	[sflag:s30] =	ssyncset.done $0x0  }
0x7c: {  	[sflag:s30] =	ssyncadd.s32 $0xFFFFD800  }
0x7d: {  	_ =	swait.ge [sflag:s30], $0x2800  }
0x7e: {  	[sflag:s30] =	ssyncset.done $0x0  }
0x7f: {  	[sflag:s30] =	ssyncadd.s32 $0xFFFFD800  }
0x80: {  	_ =	swait.ge [sflag:s30], $0x50  }
0x81: {  	[sflag:s30] =	ssyncset.done $0x0  }
0x82: {  	[sflag:s30] =	ssyncadd.s32 $0xFFFFFFB0  }
0x83: {  	_ =	swait.ge [sflag:s30], $0x50  }
0x84: {  	p6 =	por $0x0, $0x0;
	[sflag:s30] =	ssyncset.done $0x0  }
0x85: {  	p0 =	por p6, p6;
	[sflag:s30] =	ssyncadd.s32 $0xFFFFFFB0  }
0x86: {  	[hbm4b:s9+s4] =	stream.linear.scatter [tilespmem:s23], [sflag:$0x4], $0x2800, $0x38;
	[tilespmem:$0xA400] =	vst v63  }
0x87: {  	s6 =	simm.s32 $0x14;
	s7 =	simm.s32 $0x28;
	s13 =	sadd.s32 $0xA, s12  }
0x88: {  	[hbm4b:s10+s4] =	stream.linear.scatter [tilespmem:s24], [sflag:$0x4], $0x2800, $0x38;
	[tilespmem:$0xA400] =	vst v63  }
0x89: {  	s8 =	sadd.s32 $0xA, s8;
	s5 =	sadd.s32 $0xA00, s10;
	s3 =	sadd.s32 $0xA00, s9  }
0x8a: {  	[hbm4b:s13+s4] =	stream.linear.scatter [tilespmem:s25], [sflag:$0x4], $0x50, $0x38;
	[tilespmem:$0xA400] =	vst v63  }
.LBB2_2:
0x8b: {  	[hbm4b:s8+s4] =	stream.linear.scatter [tilespmem:s26], [sflag:$0x4], $0x50, $0x38;
	[tilespmem:$0xA400] =	vst v63  }
0x8c: {  	s9 =	simm.s32 @!p0 $0x4  }
0x8d: {  	_ =	swait.ge @!p0 [sflag:s9], $0x2800  }
0x8e: {  	[sflag:s9] =	ssyncset.done @!p0 $0x0  }
0x8f: {  	[sflag:s9] =	ssyncadd.s32 @!p0 $0xFFFFD800  }
0x90: {  	_ =	swait.ge @!p0 [sflag:s9], $0x2800  }
0x91: {  	[sflag:s9] =	ssyncset.done @!p0 $0x0  }
0x92: {  	[sflag:s9] =	ssyncadd.s32 @!p0 $0xFFFFD800  }
0x93: {  	_ =	swait.ge @!p0 [sflag:s9], $0x50  }
0x94: {  	[sflag:s9] =	ssyncset.done @!p0 $0x0  }
0x95: {  	[sflag:s9] =	ssyncadd.s32 @!p0 $0xFFFFFFB0  }
0x96: {  	_ =	swait.ge @!p0 [sflag:s9], $0x50  }
0x97: {  	[sflag:s9] =	ssyncset.done @!p0 $0x0;
	s10 =	rddreg [dreg:$0x4]  }
0x98: {  	[sflag:s9] =	ssyncadd.s32 @!p0 $0xFFFFFFB0;
	s9 =	sadd.s32 s6, s10  }
0x99: {  	s10 =	sadd.s32 $0xA, s9  }
0x9a: {  	[tilespmem:s21], [sflag:$0x5] =	stream.linear.gather [hbm4b:s10+s4], $0x50, $0x38;
	[tilespmem:$0xA400] =	vst v63  }
0x9b: {  	_ =	swait.ge [sflag:s14], $0x50  }
0x9c: {  	s12 =	rddreg [dreg:$0x5]  }
0x9d: {  	[sflag:s14] =	ssyncset.done $0x0;
	s10 =	sadd.s32 s6, s12  }
0x9e: {  	[sflag:s14] =	ssyncadd.s32 $0xFFFFFFB0;
	s11 =	sadd.s32 $0xA, s10  }
0x9f: {  	[tilespmem:s22], [sflag:$0x5] =	stream.linear.gather [hbm4b:s11+s4], $0x50, $0x38;
	[tilespmem:$0xA400] =	vst v63  }
0xa0: {  	_ =	swait.ge [sflag:s14], $0x50  }
0xa1: {  	[sflag:s14] =	ssyncset.done $0x0  }
0xa2: {  	[sflag:s14] =	ssyncadd.s32 $0xFFFFFFB0  }
0xa3: {  	[tilespmem:s23], [sflag:$0x2] =	stream.indirect.gather [hbm4b:s1+s16], $0x80, s21, s16, $0xb8;
	[tilespmem:$0xA400] =	vst v63  }
0xa4: {  	_ = 	snop  }
0xa5: {  	[tilespmem:s24], [sflag:$0x2] =	stream.indirect.gather [hbm4b:s1+s16], $0x80, s22, s16, $0xb8;
	[tilespmem:$0xA400] =	vst v63  }
0xa6: {  	_ = 	snop  }
0xa7: {  	[tilespmem:s25], [sflag:$0x2] =	stream.indirect.gather [hbm4b:s2+s16], $0x1, s21, s16, $0xb8;
	[tilespmem:$0xA400] =	vst v63  }
0xa8: {  	_ = 	snop  }
0xa9: {  	[tilespmem:s26], [sflag:$0x2] =	stream.indirect.gather [hbm4b:s2+s16], $0x1, s22, s16, $0xb8;
	[tilespmem:$0xA400] =	vst v63  }
0xaa: {  	_ =	swait.ge [sflag:s28], $0x2800  }
0xab: {  	[sflag:s28] =	ssyncset.done $0x0  }
0xac: {  	[sflag:s28] =	ssyncadd.s32 $0xFFFFD800  }
0xad: {  	_ =	swait.ge [sflag:s28], $0x2800  }
0xae: {  	[sflag:s28] =	ssyncset.done $0x0  }
0xaf: {  	[sflag:s28] =	ssyncadd.s32 $0xFFFFD800  }
0xb0: {  	_ =	swait.ge [sflag:s28], $0x50  }
0xb1: {  	[sflag:s28] =	ssyncset.done $0x0  }
0xb2: {  	[sflag:s28] =	ssyncadd.s32 $0xFFFFFFB0  }
0xb3: {  	_ =	swait.ge [sflag:s28], $0x50  }
0xb4: {  	[sflag:s28] =	ssyncset.done $0x0  }
0xb5: {  	s13 =	sadd.s32 $0xFFFFFB00, s3;
	[sflag:s28] =	ssyncadd.s32 $0xFFFFFFB0  }
0xb6: {  	[hbm4b:s13+s4] =	stream.linear.scatter [tilespmem:s17], [sflag:$0x3], $0x2800, $0x38;
	[tilespmem:$0xA400] =	vst v63  }
0xb7: {  	s11 =	sadd.s32 $0xFFFFFB00, s5;
	s12 =	rddreg [dreg:$0x6]  }
0xb8: {  	[hbm4b:s11+s4] =	stream.linear.scatter [tilespmem:s18], [sflag:$0x3], $0x2800, $0x38;
	[tilespmem:$0xA400] =	vst v63  }
0xb9: {  	s13 =	rddreg [dreg:$0x7];
	s11 =	sadd.s32 s6, s12  }
0xba: {  	[hbm4b:s11+s4] =	stream.linear.scatter [tilespmem:s19], [sflag:$0x3], $0x50, $0x38;
	[tilespmem:$0xA400] =	vst v63  }
0xbb: {  	s12 =	sadd.s32 s6, s13  }
0xbc: {  	[hbm4b:s12+s4] =	stream.linear.scatter [tilespmem:s20], [sflag:$0x3], $0x50, $0x38;
	[tilespmem:$0xA400] =	vst v63  }
0xbd: {  	_ =	swait.ge [sflag:s29], $0x2800  }
0xbe: {  	[sflag:s29] =	ssyncset.done $0x0  }
0xbf: {  	[sflag:s29] =	ssyncadd.s32 $0xFFFFD800  }
0xc0: {  	_ =	swait.ge [sflag:s29], $0x2800  }
0xc1: {  	[sflag:s29] =	ssyncset.done $0x0  }
0xc2: {  	[sflag:s29] =	ssyncadd.s32 $0xFFFFD800  }
0xc3: {  	_ =	swait.ge [sflag:s29], $0x50  }
0xc4: {  	[sflag:s29] =	ssyncset.done $0x0  }
0xc5: {  	[sflag:s29] =	ssyncadd.s32 $0xFFFFFFB0  }
0xc6: {  	_ =	swait.ge [sflag:s29], $0x50  }
0xc7: {  	[sflag:s29] =	ssyncset.done $0x0  }
0xc8: {  	s9 =	sadd.s32 $0x14, s9;
	[sflag:s29] =	ssyncadd.s32 $0xFFFFFFB0  }
0xc9: {  	[tilespmem:s4], [sflag:$0x5] =	stream.linear.gather [hbm4b:s9+s4], $0x50, $0x38;
	[tilespmem:$0xA400] =	vst v63  }
0xca: {  	_ =	swait.ge [sflag:s14], $0x50  }
0xcb: {  	[sflag:s14] =	ssyncset.done $0x0  }
0xcc: {  	s10 =	sadd.s32 $0x14, s10;
	[sflag:s14] =	ssyncadd.s32 $0xFFFFFFB0  }
0xcd: {  	[tilespmem:s15], [sflag:$0x5] =	stream.linear.gather [hbm4b:s10+s4], $0x50, $0x38;
	[tilespmem:$0xA400] =	vst v63  }
0xce: {  	_ =	swait.ge [sflag:s14], $0x50  }
0xcf: {  	[sflag:s14] =	ssyncset.done $0x0  }
0xd0: {  	[sflag:s14] =	ssyncadd.s32 $0xFFFFFFB0  }
0xd1: {  	[tilespmem:s17], [sflag:$0x1] =	stream.indirect.gather [hbm4b:s1+s16], $0x80, s4, s16, $0xb8;
	[tilespmem:$0xA400] =	vst v63  }
0xd2: {  	_ = 	snop  }
0xd3: {  	[tilespmem:s18], [sflag:$0x1] =	stream.indirect.gather [hbm4b:s1+s16], $0x80, s15, s16, $0xb8;
	[tilespmem:$0xA400] =	vst v63  }
0xd4: {  	_ = 	snop  }
0xd5: {  	[tilespmem:s19], [sflag:$0x1] =	stream.indirect.gather [hbm4b:s2+s16], $0x1, s4, s16, $0xb8;
	[tilespmem:$0xA400] =	vst v63  }
0xd6: {  	_ = 	snop  }
0xd7: {  	[tilespmem:s20], [sflag:$0x1] =	stream.indirect.gather [hbm4b:s2+s16], $0x1, s15, s16, $0xb8;
	[tilespmem:$0xA400] =	vst v63  }
0xd8: {  	_ =	swait.ge [sflag:s30], $0x2800  }
0xd9: {  	[sflag:s30] =	ssyncset.done $0x0  }
0xda: {  	[sflag:s30] =	ssyncadd.s32 $0xFFFFD800  }
0xdb: {  	_ =	swait.ge [sflag:s30], $0x2800  }
0xdc: {  	[sflag:s30] =	ssyncset.done $0x0  }
0xdd: {  	[sflag:s30] =	ssyncadd.s32 $0xFFFFD800  }
0xde: {  	_ =	swait.ge [sflag:s30], $0x50  }
0xdf: {  	[sflag:s30] =	ssyncset.done $0x0  }
0xe0: {  	[sflag:s30] =	ssyncadd.s32 $0xFFFFFFB0  }
0xe1: {  	_ =	swait.ge [sflag:s30], $0x50  }
0xe2: {  	s8 =	smov.u32 s7;
	s7 =	sadd.s32 $0x14, s7;
	[sflag:s30] =	ssyncset.done $0x0  }
0xe3: {  	p1 =	sne.s32 s7, $0x4D8;
	[sflag:s30] =	ssyncadd.s32 $0xFFFFFFB0  }
0xe4: {  	[hbm4b:s3+s4] =	stream.linear.scatter [tilespmem:s23], [sflag:$0x4], $0x2800, $0x38;
	[tilespmem:$0xA400] =	vst v63  }
.Ltmp0:
0xe5: {  	p2 =	seq.s32 s8, $0x0;
	(pc) =	sbr.rel @p1 .LBB2_2-.Ltmp0, $4  }
0xe6: {  	p0 =	por p2, p2;
	s6 =	smov.u32 s8;
	s13 =	sadd.s32 $0xA, s11  }
0xe7: {  	[hbm4b:s5+s4] =	stream.linear.scatter [tilespmem:s24], [sflag:$0x4], $0x2800, $0x38;
	[tilespmem:$0xA400] =	vst v63  }
0xe8: {  	s8 =	sadd.s32 $0xA, s12;
	s3 =	sadd.s32 $0xA00, s3;
	s5 =	sadd.s32 $0xA00, s5  }
0xe9: {  	[hbm4b:s13+s4] =	stream.linear.scatter [tilespmem:s25], [sflag:$0x4], $0x50, $0x38;
	[tilespmem:$0xA400] =	vst v63  }
0xea: {  	[hbm4b:s8+s4] =	stream.linear.scatter [tilespmem:s26], [sflag:$0x4], $0x50, $0x38;
	[tilespmem:$0xA400] =	vst v63  }
0xeb: {  	s7 =	simm.s32 @!p0 $0x4  }
0xec: {  	_ =	swait.ge @!p0 [sflag:s7], $0x2800  }
0xed: {  	[sflag:s7] =	ssyncset.done @!p0 $0x0  }
0xee: {  	[sflag:s7] =	ssyncadd.s32 @!p0 $0xFFFFD800  }
0xef: {  	_ =	swait.ge @!p0 [sflag:s7], $0x2800  }
0xf0: {  	[sflag:s7] =	ssyncset.done @!p0 $0x0  }
0xf1: {  	[sflag:s7] =	ssyncadd.s32 @!p0 $0xFFFFD800  }
0xf2: {  	_ =	swait.ge @!p0 [sflag:s7], $0x50  }
0xf3: {  	[sflag:s7] =	ssyncset.done @!p0 $0x0  }
0xf4: {  	[sflag:s7] =	ssyncadd.s32 @!p0 $0xFFFFFFB0  }
0xf5: {  	_ =	swait.ge @!p0 [sflag:s7], $0x50  }
0xf6: {  	s12 =	rddreg [dreg:$0x4]  }
0xf7: {  	[sflag:s7] =	ssyncset.done @!p0 $0x0;
	s8 =	sadd.s32 s6, s12  }
0xf8: {  	[sflag:s7] =	ssyncadd.s32 @!p0 $0xFFFFFFB0;
	s13 =	sadd.s32 $0xA, s8  }
0xf9: {  	[tilespmem:s21], [sflag:$0x5] =	stream.linear.gather [hbm4b:s13+s4], $0x50, $0x38;
	[tilespmem:$0xA400] =	vst v63  }
0xfa: {  	_ =	swait.ge [sflag:s14], $0x50  }
0xfb: {  	s9 =	rddreg [dreg:$0x5]  }
0xfc: {  	[sflag:s14] =	ssyncset.done $0x0;
	s7 =	sadd.s32 s6, s9  }
0xfd: {  	[sflag:s14] =	ssyncadd.s32 $0xFFFFFFB0;
	s9 =	sadd.s32 $0xA, s7  }
0xfe: {  	[tilespmem:s22], [sflag:$0x5] =	stream.linear.gather [hbm4b:s9+s4], $0x50, $0x38;
	[tilespmem:$0xA400] =	vst v63  }
0xff: {  	_ =	swait.ge [sflag:s14], $0x50  }
0x100: {  	[sflag:s14] =	ssyncset.done $0x0  }
0x101: {  	[sflag:s14] =	ssyncadd.s32 $0xFFFFFFB0  }
0x102: {  	[tilespmem:s23], [sflag:$0x2] =	stream.indirect.gather [hbm4b:s1+s16], $0x80, s21, s16, $0xb8;
	[tilespmem:$0xA400] =	vst v63  }
0x103: {  	_ = 	snop  }
0x104: {  	[tilespmem:s24], [sflag:$0x2] =	stream.indirect.gather [hbm4b:s1+s16], $0x80, s22, s16, $0xb8;
	[tilespmem:$0xA400] =	vst v63  }
0x105: {  	_ = 	snop  }
0x106: {  	[tilespmem:s25], [sflag:$0x2] =	stream.indirect.gather [hbm4b:s2+s16], $0x1, s21, s16, $0xb8;
	[tilespmem:$0xA400] =	vst v63  }
0x107: {  	_ = 	snop  }
0x108: {  	[tilespmem:s26], [sflag:$0x2] =	stream.indirect.gather [hbm4b:s2+s16], $0x1, s22, s16, $0xb8;
	[tilespmem:$0xA400] =	vst v63  }
0x109: {  	_ =	swait.ge [sflag:s28], $0x2800  }
0x10a: {  	[sflag:s28] =	ssyncset.done $0x0  }
0x10b: {  	[sflag:s28] =	ssyncadd.s32 $0xFFFFD800  }
0x10c: {  	_ =	swait.ge [sflag:s28], $0x2800  }
0x10d: {  	[sflag:s28] =	ssyncset.done $0x0  }
0x10e: {  	[sflag:s28] =	ssyncadd.s32 $0xFFFFD800  }
0x10f: {  	_ =	swait.ge [sflag:s28], $0x50  }
0x110: {  	[sflag:s28] =	ssyncset.done $0x0  }
0x111: {  	[sflag:s28] =	ssyncadd.s32 $0xFFFFFFB0  }
0x112: {  	_ =	swait.ge [sflag:s28], $0x50  }
0x113: {  	[sflag:s28] =	ssyncset.done $0x0  }
0x114: {  	s10 =	sadd.s32 $0xFFFFFB00, s3;
	[sflag:s28] =	ssyncadd.s32 $0xFFFFFFB0  }
0x115: {  	[hbm4b:s10+s4] =	stream.linear.scatter [tilespmem:s17], [sflag:$0x3], $0x2800, $0x38;
	[tilespmem:$0xA400] =	vst v63  }
0x116: {  	s11 =	rddreg [dreg:$0x6];
	s10 =	sadd.s32 $0xFFFFFB00, s5  }
0x117: {  	[hbm4b:s10+s4] =	stream.linear.scatter [tilespmem:s18], [sflag:$0x3], $0x2800, $0x38;
	[tilespmem:$0xA400] =	vst v63  }
0x118: {  	s12 =	rddreg [dreg:$0x7];
	s9 =	sadd.s32 s6, s11  }
0x119: {  	[hbm4b:s9+s4] =	stream.linear.scatter [tilespmem:s19], [sflag:$0x3], $0x50, $0x38;
	[tilespmem:$0xA400] =	vst v63  }
0x11a: {  	s13 =	sadd.s32 s6, s12  }
0x11b: {  	[hbm4b:s13+s4] =	stream.linear.scatter [tilespmem:s20], [sflag:$0x3], $0x50, $0x38;
	[tilespmem:$0xA400] =	vst v63  }
0x11c: {  	_ =	swait.ge [sflag:s29], $0x2800  }
0x11d: {  	[sflag:s29] =	ssyncset.done $0x0  }
0x11e: {  	[sflag:s29] =	ssyncadd.s32 $0xFFFFD800  }
0x11f: {  	_ =	swait.ge [sflag:s29], $0x2800  }
0x120: {  	[sflag:s29] =	ssyncset.done $0x0  }
0x121: {  	[sflag:s29] =	ssyncadd.s32 $0xFFFFD800  }
0x122: {  	_ =	swait.ge [sflag:s29], $0x50  }
0x123: {  	[sflag:s29] =	ssyncset.done $0x0  }
0x124: {  	[sflag:s29] =	ssyncadd.s32 $0xFFFFFFB0  }
0x125: {  	_ =	swait.ge [sflag:s29], $0x50  }
0x126: {  	[sflag:s29] =	ssyncset.done $0x0  }
0x127: {  	s8 =	sadd.s32 $0x14, s8;
	[sflag:s29] =	ssyncadd.s32 $0xFFFFFFB0  }
0x128: {  	[tilespmem:s4], [sflag:$0x5] =	stream.linear.gather [hbm4b:s8+s4], $0x50, $0x38;
	[tilespmem:$0xA400] =	vst v63  }
0x129: {  	_ =	swait.ge [sflag:s14], $0x50  }
0x12a: {  	[sflag:s14] =	ssyncset.done $0x0  }
0x12b: {  	s7 =	sadd.s32 $0x14, s7;
	[sflag:s14] =	ssyncadd.s32 $0xFFFFFFB0  }
0x12c: {  	[tilespmem:s15], [sflag:$0x5] =	stream.linear.gather [hbm4b:s7+s4], $0x50, $0x38;
	[tilespmem:$0xA400] =	vst v63  }
0x12d: {  	_ =	swait.ge [sflag:s14], $0x50  }
0x12e: {  	[sflag:s14] =	ssyncset.done $0x0  }
0x12f: {  	[sflag:s14] =	ssyncadd.s32 $0xFFFFFFB0  }
0x130: {  	[tilespmem:s17], [sflag:$0x1] =	stream.indirect.gather [hbm4b:s1+s16], $0x80, s4, s16, $0xb8;
	[tilespmem:$0xA400] =	vst v63  }
0x131: {  	_ = 	snop  }
0x132: {  	[tilespmem:s18], [sflag:$0x1] =	stream.indirect.gather [hbm4b:s1+s16], $0x80, s15, s16, $0xb8;
	[tilespmem:$0xA400] =	vst v63  }
0x133: {  	_ = 	snop  }
0x134: {  	[tilespmem:s19], [sflag:$0x1] =	stream.indirect.gather [hbm4b:s2+s16], $0x1, s4, s16, $0xb8;
	[tilespmem:$0xA400] =	vst v63  }
0x135: {  	_ = 	snop  }
0x136: {  	[tilespmem:s20], [sflag:$0x1] =	stream.indirect.gather [hbm4b:s2+s16], $0x1, s15, s16, $0xb8;
	[tilespmem:$0xA400] =	vst v63  }
0x137: {  	_ =	swait.ge [sflag:s30], $0x2800  }
0x138: {  	[sflag:s30] =	ssyncset.done $0x0  }
0x139: {  	[sflag:s30] =	ssyncadd.s32 $0xFFFFD800  }
0x13a: {  	_ =	swait.ge [sflag:s30], $0x2800  }
0x13b: {  	[sflag:s30] =	ssyncset.done $0x0  }
0x13c: {  	[sflag:s30] =	ssyncadd.s32 $0xFFFFD800  }
0x13d: {  	_ =	swait.ge [sflag:s30], $0x50  }
0x13e: {  	[sflag:s30] =	ssyncset.done $0x0  }
0x13f: {  	[sflag:s30] =	ssyncadd.s32 $0xFFFFFFB0  }
0x140: {  	_ =	swait.ge [sflag:s30], $0x50  }
0x141: {  	[sflag:s30] =	ssyncset.done $0x0  }
0x142: {  	[sflag:s30] =	ssyncadd.s32 $0xFFFFFFB0  }
0x143: {  	[hbm4b:s3+s4] =	stream.linear.scatter [tilespmem:s23], [sflag:$0x4], $0x2800, $0x38;
	[tilespmem:$0xA400] =	vst v63  }
0x144: {  	_ = 	snop  }
0x145: {  	[hbm4b:s5+s4] =	stream.linear.scatter [tilespmem:s24], [sflag:$0x4], $0x2800, $0x38;
	[tilespmem:$0xA400] =	vst v63  }
0x146: {  	s7 =	sadd.s32 $0xA, s9  }
0x147: {  	[hbm4b:s7+s4] =	stream.linear.scatter [tilespmem:s25], [sflag:$0x4], $0x50, $0x38;
	[tilespmem:$0xA400] =	vst v63  }
0x148: {  	s8 =	sadd.s32 $0xA, s13  }
0x149: {  	[hbm4b:s8+s4] =	stream.linear.scatter [tilespmem:s26], [sflag:$0x4], $0x50, $0x38;
	[tilespmem:$0xA400] =	vst v63  }
0x14a: {  	_ =	swait.ge [sflag:s28], $0x2800  }
0x14b: {  	[sflag:s28] =	ssyncset.done $0x0  }
0x14c: {  	[sflag:s28] =	ssyncadd.s32 $0xFFFFD800  }
0x14d: {  	_ =	swait.ge [sflag:s28], $0x2800  }
0x14e: {  	[sflag:s28] =	ssyncset.done $0x0  }
0x14f: {  	[sflag:s28] =	ssyncadd.s32 $0xFFFFD800  }
0x150: {  	_ =	swait.ge [sflag:s28], $0x50  }
0x151: {  	[sflag:s28] =	ssyncset.done $0x0  }
0x152: {  	[sflag:s28] =	ssyncadd.s32 $0xFFFFFFB0  }
0x153: {  	_ =	swait.ge [sflag:s28], $0x50  }
0x154: {  	[sflag:s28] =	ssyncset.done $0x0  }
0x155: {  	s9 =	rddreg [dreg:$0xa];
	[sflag:s28] =	ssyncadd.s32 $0xFFFFFFB0  }
0x156: {  	[hbm4b:s9+s4] =	stream.linear.scatter [tilespmem:s17], [sflag:$0x3], $0x2800, $0x38;
	[tilespmem:$0xA400] =	vst v63  }
0x157: {  	s10 =	rddreg [dreg:$0xb]  }
0x158: {  	[hbm4b:s10+s4] =	stream.linear.scatter [tilespmem:s18], [sflag:$0x3], $0x2800, $0x38;
	[tilespmem:$0xA400] =	vst v63  }
0x159: {  	s11 =	rddreg [dreg:$0xc]  }
0x15a: {  	[hbm4b:s11+s4] =	stream.linear.scatter [tilespmem:s19], [sflag:$0x3], $0x50, $0x38;
	[tilespmem:$0xA400] =	vst v63  }
0x15b: {  	s12 =	rddreg [dreg:$0xd]  }
0x15c: {  	[hbm4b:s12+s4] =	stream.linear.scatter [tilespmem:s20], [sflag:$0x3], $0x50, $0x38;
	[tilespmem:$0xA400] =	vst v63  }
0x15d: {  	_ =	swait.ge [sflag:s31], $0x2800  }
0x15e: {  	[sflag:s31] =	ssyncset.done $0x0  }
0x15f: {  	[sflag:s31] =	ssyncadd.s32 $0xFFFFD800  }
0x160: {  	_ =	swait.ge [sflag:s31], $0x2800  }
0x161: {  	[sflag:s31] =	ssyncset.done $0x0  }
0x162: {  	[sflag:s31] =	ssyncadd.s32 $0xFFFFD800  }
0x163: {  	_ =	swait.ge [sflag:s31], $0x50  }
0x164: {  	[sflag:s31] =	ssyncset.done $0x0  }
0x165: {  	[sflag:s31] =	ssyncadd.s32 $0xFFFFFFB0  }
0x166: {  	_ =	swait.ge [sflag:s31], $0x50  }
0x167: {  	[sflag:s31] =	ssyncset.done $0x0  }
0x168: {  	[sflag:s31] =	ssyncadd.s32 $0xFFFFFFB0  }
0x169: {  	_ =	swait.ge [sflag:s29], $0x2800  }
0x16a: {  	[sflag:s29] =	ssyncset.done $0x0  }
0x16b: {  	[sflag:s29] =	ssyncadd.s32 $0xFFFFD800  }
0x16c: {  	_ =	swait.ge [sflag:s29], $0x2800  }
0x16d: {  	[sflag:s29] =	ssyncset.done $0x0  }
0x16e: {  	[sflag:s29] =	ssyncadd.s32 $0xFFFFD800  }
0x16f: {  	_ =	swait.ge [sflag:s29], $0x50  }
0x170: {  	[sflag:s29] =	ssyncset.done $0x0  }
0x171: {  	[sflag:s29] =	ssyncadd.s32 $0xFFFFFFB0  }
0x172: {  	_ =	swait.ge [sflag:s29], $0x50  }
0x173: {  	s0 =	sadd.s32 $0x1, s0;
	s13 =	rddreg [dreg:$0xe]  }
0x174: {  	p0 =	sne.s32 s0, s13  }
.Ltmp1:
0x175: {  	_ = 	snop;
	(pc) =	sbr.rel @p0 .LBB2_1-.Ltmp1, $3  }
0x176: {  	_ =	sdelay $0x1  }
0x177: {  	[sflag:s29] =	ssyncset.done $0x0  }
0x178: {  	[sflag:s29] =	ssyncadd.s32 $0xFFFFFFB0  }
0x179: {  	_ =	sfence.sel $0x180000  }
0x17a: {  	[bflag:$0x0] =	sbarrier.arrive $0xFFFF  }
0x17b: {  	_ =	strace $0x90000047  }
0x17c: {  	s0 =	stileid.u32;
	[bflag:$0x2] =	sbarrier.arrive $0xFFFF  }
0x17d: {  	p0 =	sne.s32 s0, $0x0;
	s0 =	rddreg [dreg:$0x3]  }
0x17e: {  	s0 =	sadd.s32 @!p0 $0x100000, s0  }
0x17f: {  	[sflag:s0] =	ssyncadd.tile.s32 @!p0 $0x1;
	_ =	shalt  }
.Lfunc_end2:
_tile_overlayer_lowered:
.L_overlay_start_2:
0x180: {  	(tag) =	ssettag $0x2  }
0x181: {  	s0 =	rddreg [dreg:$0x0];
	s2 =	stileid.u32  }
0x182: {  	s1 =	rddreg [dreg:$0x1];
	p0 =	sne.s32 s2, $0x0  }
0x183: {  	s3 =	rddreg [dreg:$0x2];
	[bflag:$0x3] =	sbarrier.arrive $0xFFFF;
	s2 =	simm.s32 @!p0 $0x1C05  }
0x184: {  	[timem:s3], [sflag:s2] =	dma.local @!p0 [hbm:s0], s1  }
0x185: {  	s0 =	simm.s32 @!p0 $0x5  }
0x186: {  	_ =	swait.ge @!p0 [sflag:s0], s1  }
0x187: {  	s1 =	ssub.s32 @!p0 $0x0, s1;
	[sflag:s0] =	ssyncset.done @!p0 $0x0  }
0x188: {  	[sflag:s0] =	ssyncadd.s32 @!p0 s1  }
0x189: {  	[bflag:$0x3] =	sbarrier.arrive $0xFFFF  }
0x18a: {  	_ =	shalt  }

</sc_bundles>
